<compile_context>
chip_gen: v7x
topology: tpu7x:2x2x1
jax: 0.10.2.dev20260603
libtpu: 0.0.44.dev20260713+nightly
codegen_flags: <defaults>
</compile_context>

<pallas_src>
import functools

import jax
import jax.numpy as jnp
from jax import lax
from jax.experimental import pallas as pl
from jax.experimental.pallas import tpu as pltpu
from jax.experimental.pallas import tpu_sc as plsc

EPS = 1e-05
T_ITERS = 4
NC = 2
NS = 16
NW = NC * NS
L = 16


def _oni_norm(w):
    d = w.shape[0]
    zc = w - jnp.mean(w, axis=1, keepdims=True)
    s = lax.dot_general(zc, zc, (((1,), (1,)), ((), ())),
                        preferred_element_type=jnp.float32)
    eye = jnp.eye(d, dtype=jnp.float32)
    s = s + EPS * eye
    norm_s = jnp.sqrt(jnp.sum(s * s))
    s = s / norm_s
    b = eye
    for _ in range(T_ITERS):
        b2 = jnp.dot(b, b, preferred_element_type=jnp.float32)
        b3 = jnp.dot(b2, b, preferred_element_type=jnp.float32)
        b = 1.5 * b - 0.5 * jnp.dot(b3, s, preferred_element_type=jnp.float32)
    return jnp.dot(b, zc, preferred_element_type=jnp.float32) / jnp.sqrt(norm_s)


def _make_sc_kernels(n_pad, d, epw, ch):
    mesh = plsc.VectorSubcoreMesh(core_axis_name="c", subcore_axis_name="s")
    rpt = n_pad // NS
    nch = epw // ch
    tl = epw - nch * ch

    @functools.partial(
        pl.kernel,
        out_type=jax.ShapeDtypeStruct((NW, n_pad), jnp.float32),
        mesh=mesh,
        scratch_types=[
            pltpu.VMEM((n_pad,), jnp.float32),
            pltpu.VMEM((epw,), jnp.int32),
        ],
        compiler_params=pltpu.CompilerParams(needs_layout_passes=False),
    )
    def hist_kernel(ei_hbm, out_hbm, hist_v, idx_v):
        eoff = ei_hbm.shape[0] // 2
        cid = lax.axis_index("c")
        sid = lax.axis_index("s")
        wid = sid * NC + cid
        zeros16 = jnp.zeros((L,), jnp.float32)

        def zbody(i, _):
            hist_v[pl.ds(i * L, L)] = zeros16
            return 0
        lax.fori_loop(0, n_pad // L, zbody, 0)

        pltpu.sync_copy(ei_hbm.at[pl.ds(eoff + wid * epw, epw)], idx_v)
        ones16 = jnp.ones((L,), jnp.float32)

        def body(j, _):
            idx = idx_v[pl.ds(j * L, L)]
            plsc.addupdate_scatter(hist_v, [idx], ones16)
            return 0
        lax.fori_loop(0, epw // L, body, 0)
        pltpu.sync_copy(hist_v, out_hbm.at[wid])

    PG = 3
    PI = 6
    assert nch % PI == 0 and PI % PG == 0 and ch % 8 == 0 and tl % 8 == 0

    @functools.partial(
        pl.kernel,
        out_type=jax.ShapeDtypeStruct((NC, n_pad, d), jnp.float32),
        mesh=mesh,
        scratch_types=[
            pltpu.VMEM_SHARED((n_pad, d), jnp.float32),
            pltpu.VMEM((PI, ch), jnp.int32),
            pltpu.VMEM((PI, ch), jnp.int32),
            pltpu.VMEM((PG, ch, d), jnp.float32),
            pltpu.VMEM((1, tl), jnp.int32),
            pltpu.VMEM((1, tl), jnp.int32),
            pltpu.VMEM((tl, d), jnp.float32),
            pltpu.SemaphoreType.DMA((PG,)),
            pltpu.SemaphoreType.DMA((PI,)),
            pltpu.SemaphoreType.DMA((PI,)),
            pltpu.SemaphoreType.DMA,
        ],
    )
    def agg_kernel(xs_hbm, ei_hbm, out_hbm,
                   acc_sh, ri_v, ci_v, g_v, rt_v, ct_v, gt_v,
                   sem_g, sem_i, sem_c, sem_t):
        eoff = ei_hbm.shape[0] // 2
        cid = lax.axis_index("c")
        sid = lax.axis_index("s")
        wid = sid * NC + cid
        rbase = sid * rpt
        ebase = wid * epw
        pltpu.sync_copy(xs_hbm.at[pl.ds(rbase, rpt)],
                        acc_sh.at[pl.ds(rbase, rpt)])

        toff = ebase + nch * ch
        pltpu.sync_copy(ei_hbm.at[pl.ds(toff, tl)], rt_v.at[0])
        pltpu.sync_copy(ei_hbm.at[pl.ds(eoff + toff, tl)], ct_v.at[0])
        pltpu.async_copy(xs_hbm.at[rt_v.at[0]], gt_v, sem_t).wait()

        for j in range(PI):
            pltpu.async_copy(ei_hbm.at[pl.ds(ebase + j * ch, ch)],
                             ri_v.at[j], sem_i.at[j])
            pltpu.async_copy(ei_hbm.at[pl.ds(eoff + ebase + j * ch, ch)],
                             ci_v.at[j], sem_c.at[j])
        for b in range(PG):
            pltpu.make_async_copy(ei_hbm.at[pl.ds(ebase, ch)],
                                  ri_v.at[b], sem_i.at[b]).wait()
            pltpu.async_copy(xs_hbm.at[ri_v.at[b]], g_v.at[b], sem_g.at[b])

        plsc.subcore_barrier()
        pltpu.sync_copy(gt_v, acc_sh.at[ct_v.at[0]], add=True)

        @pl.loop(0, nch, step=PI)
        def _(k):
            for b in range(PI):
                kk = k + b
                gb = b % PG
                ib2 = (b + PG) % PI
                pltpu.make_async_copy(xs_hbm.at[ri_v.at[b]], g_v.at[gb],
                                      sem_g.at[gb]).wait()
                pltpu.make_async_copy(ei_hbm.at[pl.ds(eoff + ebase, ch)],
                                      ci_v.at[b], sem_c.at[b]).wait()
                pltpu.sync_copy(g_v.at[gb], acc_sh.at[ci_v.at[b]], add=True)

                @pl.when(kk + PI < nch)
                def _issue_idx():
                    pltpu.async_copy(
                        ei_hbm.at[pl.ds(ebase + (kk + PI) * ch, ch)],
                        ri_v.at[b], sem_i.at[b])
                    pltpu.async_copy(
                        ei_hbm.at[pl.ds(eoff + ebase + (kk + PI) * ch, ch)],
                        ci_v.at[b], sem_c.at[b])

                @pl.when(kk + PG < nch)
                def _issue_gather():
                    pltpu.make_async_copy(ei_hbm.at[pl.ds(ebase, ch)],
                                          ri_v.at[ib2], sem_i.at[ib2]).wait()
                    pltpu.async_copy(xs_hbm.at[ri_v.at[ib2]], g_v.at[gb],
                                     sem_g.at[gb])

        plsc.subcore_barrier()
        pltpu.sync_copy(acc_sh.at[pl.ds(rbase, rpt)],
                        out_hbm.at[cid, pl.ds(rbase, rpt)])

    return hist_kernel, agg_kernel


def kernel(x, edge_index, weight):
    n, d = x.shape
    e = edge_index.shape[1]

    n_pad = ((n + 1 + 127) // 128) * 128
    epw = e // NW
    ch = 104

    hist_kernel, agg_kernel = _make_sc_kernels(n_pad, d, epw, ch)
    ei_flat = edge_index.reshape(2 * e)
    hist = hist_kernel(ei_flat)

    def tc_a_body(hist_ref, x_ref, w_ref, xs_ref, dis_ref):
        deg = jnp.sum(hist_ref[...], axis=0) + 1.0
        dis = lax.rsqrt(deg)
        dis_ref[...] = dis[None, :]
        w = _oni_norm(w_ref[...])
        xs_ref[pl.ds(0, n), :] = dis[:n][:, None] * jnp.dot(
            x_ref[...], w, preferred_element_type=jnp.float32)

    xs, dis2 = pl.pallas_call(
        tc_a_body,
        out_shape=(
            jax.ShapeDtypeStruct((n_pad, d), jnp.float32),
            jax.ShapeDtypeStruct((1, n_pad), jnp.float32),
        ),
    )(hist, x, weight)

    parts = agg_kernel(xs, ei_flat)

    def tc_f_body(dis_ref, p_ref, xs_ref, out_ref):
        dis = dis_ref[0, :]
        res = dis[:, None] * (p_ref[0] + p_ref[1] - xs_ref[...])
        out_ref[...] = res[:out_ref.shape[0], :]

    out = pl.pallas_call(
        tc_f_body,
        out_shape=jax.ShapeDtypeStruct((n, d), jnp.float32),
    )(dis2, parts, xs)
    return out

# --- scband reference (transcript-rebuilt; emitter-appended) ---
"""Pipeline reference for scband-gcnnet-41592463295066 (READ-ONLY COPY).

The authoritative reference and input builder live on the scoring server;
editing this copy changes nothing except your own understanding.
"""

import jax, jax.numpy as jnp
import numpy as np

N = 10000
E = 320000
D = 128
T = 4
EPS = 1e-05


def setup_inputs(seed: int = 0) -> dict:
    key = jax.random.key(seed)
    k1, k2, k3 = jax.random.split(key, 3)
    x = jax.random.normal(k1, (N, D), dtype=jnp.float32)
    edge_index = jax.random.randint(k2, (2, E), 0, N, dtype=jnp.int32)
    # glorot init for weight [in_channels, out_channels]
    limit = np.sqrt(6.0 / (D + D))
    weight = jax.random.uniform(k3, (D, D), dtype=jnp.float32, minval=-limit, maxval=limit)
    return {"x": x, "edge_index": edge_index, "weight": weight}


def oni_norm(weight):
    # ONINorm(T=4, norm_groups=1)
    Z = weight.reshape(1, weight.shape[0], -1)
    Zc = Z - Z.mean(axis=-1, keepdims=True)
    S = jnp.matmul(Zc, jnp.swapaxes(Zc, 1, 2))
    eye = jnp.broadcast_to(jnp.eye(S.shape[-1], dtype=S.dtype), S.shape)
    S = S + EPS * eye
    norm_S = jnp.sqrt(jnp.sum(S * S, axis=(1, 2), keepdims=True))
    S = S / norm_S
    B = eye
    for _ in range(T):
        B3 = jnp.matmul(jnp.matmul(B, B), B)
        B = 1.5 * B - 0.5 * jnp.matmul(B3, S)
    W = jnp.matmul(B, Zc) / jnp.sqrt(norm_S)
    return W.reshape(weight.shape)


def reference(x, edge_index, weight):
    n = x.shape[0]
    row0 = edge_index[0]
    col0 = edge_index[1]
    # gcn_norm: add remaining self loops with fill_value = 1.0
    loop = jnp.arange(n, dtype=edge_index.dtype)
    row = jnp.concatenate([row0, loop])
    col = jnp.concatenate([col0, loop])
    ew = jnp.ones(row.shape[0], dtype=x.dtype)
    deg = jax.ops.segment_sum(ew, col, num_segments=n)
    deg_inv_sqrt = jnp.where(deg > 0, deg ** -0.5, 0.0)
    norm = deg_inv_sqrt[row] * ew * deg_inv_sqrt[col]
    # weight orthogonalization + linear transform
    W = oni_norm(weight)
    xw = x @ W
    # message + aggregate (scatter-add over destination nodes)
    msg = norm[:, None] * jnp.take(xw, row, axis=0)
    out = jax.ops.segment_sum(msg, col, num_segments=n)
    return out

if __name__ == "__main__":
    import jax
    _d = setup_inputs()
    print(jax.jit(kernel)(*tuple(_d.values())))

</pallas_src>

<mosaic_0001>
#map = affine_map<(d0, d1) -> (0)>
#map1 = affine_map<(d0, d1) -> (0, 0)>
module attributes {stable_mosaic.version = 14 : i64} {
  func.func @hist_kernel(%arg0: i32, %arg1: i32, %arg2: memref<640000xi32, #tpu.memory_space<hbm>>, %arg3: memref<32x10112xf32, #tpu.memory_space<hbm>>, %arg4: memref<10112xf32, #tpu.memory_space<vmem>>, %arg5: memref<10000xi32, #tpu.memory_space<vmem>>) attributes {dimension_semantics = [#tpu.dimension_semantics<core_parallel>, #tpu.dimension_semantics<subcore_parallel>], iteration_bounds = array<i64: 2, 16>, scalar_prefetch = 0 : i64, scratch_operands = 2 : i64, tpu.core_type = #tpu.core_type<sc_vector_subcore>, window_params = [{transform_indices = #map}, {transform_indices = #map1}]} {
    %mul3A = arith.constant 2 : i32
    %mul3A_0 = arith.muli %arg1, %mul3A : i32
    %add3A = arith.addi %mul3A_0, %arg0 : i32
    %broadcast_in_dim3A = arith.constant 0.000000e+00 : f32
    %broadcast_in_dim3A_1 = vector.broadcast %broadcast_in_dim3A : f32 to vector<16xf32>
    %scan3A = arith.constant 0 : i32
    %scan3A_2 = arith.constant 0 : i32
    %scan3A_3 = arith.constant 632 : i32
    %scan3A_4 = arith.addi %scan3A_2, %scan3A_3 : i32
    %scan3A_5 = arith.constant 1 : i32
    %scan3A_6 = scf.for %scan3A_21 = %scan3A_2 to %scan3A_4 step %scan3A_5 iter_args(%scan3A_22 = %scan3A) -> (i32)  : i32 {
      %mul3A_23 = arith.constant 16 : i32
      %mul3A_24 = arith.muli %scan3A_21, %mul3A_23 : i32
      %swap3A = arith.index_cast %mul3A_24 : i32 to index
      %swap3A_25 = tpu.vector_load %arg4[%swap3A] {strides = array<i32>} : memref<10112xf32, #tpu.memory_space<vmem>>, vector<16xf32>,
      tpu.vector_store %arg4[%swap3A], %broadcast_in_dim3A_1 {strides = array<i32>} : memref<10112xf32, #tpu.memory_space<vmem>>, vector<16xf32>,
      %scan3A_26 = arith.constant 0 : i32
      scf.yield %scan3A_26 : i32
    }
    %scan3A_7 = arith.constant 632 : i32
    %mul3A_8 = arith.constant 10000 : i32
    %mul3A_9 = arith.muli %add3A, %mul3A_8 : i32
    %add3A_10 = arith.constant 320000 : i32
    %add3A_11 = arith.addi %add3A_10, %mul3A_9 : i32
    "tpu.region"() ({
      %run_scoped3A = tpu.sem_alloc : memref<!tpu.dma_semaphore, #tpu.memory_space<semaphore_mem>>
      %dma_start3A = tpu.memref_slice %arg2[%add3A_11] : memref<640000xi32, #tpu.memory_space<hbm>> -> memref<10000xi32, #tpu.memory_space<hbm>>
      %dma_start3A_21 = tpu.memref_slice %arg2[%add3A_11] : memref<640000xi32, #tpu.memory_space<hbm>> -> memref<10000xi32, #tpu.memory_space<hbm>>
      tpu.enqueue_dma source(%dma_start3A_21 : memref<10000xi32, #tpu.memory_space<hbm>>) target(%arg5 : memref<10000xi32, #tpu.memory_space<vmem>>) target_semaphore(%run_scoped3A : memref<!tpu.dma_semaphore, #tpu.memory_space<semaphore_mem>>)
      %dma_wait3A = tpu.memref_slice %arg2[%add3A_11] : memref<640000xi32, #tpu.memory_space<hbm>> -> memref<10000xi32, #tpu.memory_space<hbm>>
      %dma_wait3A_22 = tpu.memref_slice %arg2[%add3A_11] : memref<640000xi32, #tpu.memory_space<hbm>> -> memref<10000xi32, #tpu.memory_space<hbm>>
      tpu.wait_dma2 semaphore(%run_scoped3A : memref<!tpu.dma_semaphore, #tpu.memory_space<semaphore_mem>>) src(%dma_wait3A_22 : memref<10000xi32, #tpu.memory_space<hbm>>) dst(%arg5 : memref<10000xi32, #tpu.memory_space<vmem>>)
      tpu.yield
    }) : () -> ()
    %broadcast_in_dim3A_12 = arith.constant 1.000000e+00 : f32
    %broadcast_in_dim3A_13 = vector.broadcast %broadcast_in_dim3A_12 : f32 to vector<16xf32>
    %scan3A_14 = arith.constant 0 : i32
    %scan3A_15 = arith.constant 0 : i32
    %scan3A_16 = arith.constant 625 : i32
    %scan3A_17 = arith.addi %scan3A_15, %scan3A_16 : i32
    %scan3A_18 = arith.constant 1 : i32
    %scan3A_19 = scf.for %scan3A_21 = %scan3A_15 to %scan3A_17 step %scan3A_18 iter_args(%scan3A_22 = %scan3A_14) -> (i32)  : i32 {
      %mul3A_23 = arith.constant 16 : i32
      %mul3A_24 = arith.muli %scan3A_21, %mul3A_23 : i32
      %get3A = arith.index_cast %mul3A_24 : i32 to index
      %get3A_25 = tpu.vector_load %arg5[%get3A] {strides = array<i32>} : memref<10000xi32, #tpu.memory_space<vmem>>, vector<16xi32>,
      tpu.vector_store_idx %arg4[%get3A_25], %broadcast_in_dim3A_13 {add = true} : memref<10112xf32, #tpu.memory_space<vmem>>[vector<16xi32>], vector<16xf32>,
      %scan3A_26 = arith.constant 0 : i32
      scf.yield %scan3A_26 : i32
    }
    %scan3A_20 = arith.constant 625 : i32
    "tpu.region"() ({
      %run_scoped3A = tpu.sem_alloc : memref<!tpu.dma_semaphore, #tpu.memory_space<semaphore_mem>>
      %dma_start3A = arith.constant 0 : i32
      %dma_start3A_21 = tpu.memref_slice %arg3[%add3A, %dma_start3A] : memref<32x10112xf32, #tpu.memory_space<hbm>> -> memref<1x10112xf32, #tpu.memory_space<hbm>>
      %dma_start3A_22 = tpu.memref_squeeze %dma_start3A_21 : memref<1x10112xf32, #tpu.memory_space<hbm>> -> memref<10112xf32, #tpu.memory_space<hbm>>
      %dma_start3A_23 = arith.constant 0 : i32
      %dma_start3A_24 = tpu.memref_slice %arg3[%add3A, %dma_start3A_23] : memref<32x10112xf32, #tpu.memory_space<hbm>> -> memref<1x10112xf32, #tpu.memory_space<hbm>>
      %dma_start3A_25 = tpu.memref_squeeze %dma_start3A_24 : memref<1x10112xf32, #tpu.memory_space<hbm>> -> memref<10112xf32, #tpu.memory_space<hbm>>
      tpu.enqueue_dma source(%arg4 : memref<10112xf32, #tpu.memory_space<vmem>>) target(%dma_start3A_25 : memref<10112xf32, #tpu.memory_space<hbm>>) target_semaphore(%run_scoped3A : memref<!tpu.dma_semaphore, #tpu.memory_space<semaphore_mem>>)
      %dma_wait3A = arith.constant 0 : i32
      %dma_wait3A_26 = tpu.memref_slice %arg3[%add3A, %dma_wait3A] : memref<32x10112xf32, #tpu.memory_space<hbm>> -> memref<1x10112xf32, #tpu.memory_space<hbm>>
      %dma_wait3A_27 = tpu.memref_squeeze %dma_wait3A_26 : memref<1x10112xf32, #tpu.memory_space<hbm>> -> memref<10112xf32, #tpu.memory_space<hbm>>
      %dma_wait3A_28 = arith.constant 0 : i32
      %dma_wait3A_29 = tpu.memref_slice %arg3[%add3A, %dma_wait3A_28] : memref<32x10112xf32, #tpu.memory_space<hbm>> -> memref<1x10112xf32, #tpu.memory_space<hbm>>
      %dma_wait3A_30 = tpu.memref_squeeze %dma_wait3A_29 : memref<1x10112xf32, #tpu.memory_space<hbm>> -> memref<10112xf32, #tpu.memory_space<hbm>>
      tpu.wait_dma2 semaphore(%run_scoped3A : memref<!tpu.dma_semaphore, #tpu.memory_space<semaphore_mem>>) src(%arg4 : memref<10112xf32, #tpu.memory_space<vmem>>) dst(%dma_wait3A_30 : memref<10112xf32, #tpu.memory_space<hbm>>)
      tpu.yield
    }) : () -> ()
    return
  }
}

#map = affine_map<(d0, d1) -> (0, 0)>
#map1 = affine_map<(d0, d1) -> (0)>
#map2 = affine_map<(d0, d1) -> (0, 0, 0)>
module attributes {stable_mosaic.version = 14 : i64} {
  func.func @agg_kernel(%arg0: i32, %arg1: i32, %arg2: memref<10112x128xf32, #tpu.memory_space<hbm>>, %arg3: memref<640000xi32, #tpu.memory_space<hbm>>, %arg4: memref<2x10112x128xf32, #tpu.memory_space<hbm>>, %arg5: memref<10112x128xf32, #tpu.memory_space<vmem_shared>>, %arg6: memref<6x104xi32, #tpu.memory_space<vmem>>, %arg7: memref<6x104xi32, #tpu.memory_space<vmem>>, %arg8: memref<3x104x128xf32, #tpu.memory_space<vmem>>, %arg9: memref<1x16xi32, #tpu.memory_space<vmem>>, %arg10: memref<1x16xi32, #tpu.memory_space<vmem>>, %arg11: memref<16x128xf32, #tpu.memory_space<vmem>>, %arg12: memref<3x!tpu.dma_semaphore, #tpu.memory_space<semaphore_mem>>, %arg13: memref<6x!tpu.dma_semaphore, #tpu.memory_space<semaphore_mem>>, %arg14: memref<6x!tpu.dma_semaphore, #tpu.memory_space<semaphore_mem>>, %arg15: memref<!tpu.dma_semaphore, #tpu.memory_space<semaphore_mem>>) attributes {dimension_semantics = [#tpu.dimension_semantics<core_parallel>, #tpu.dimension_semantics<subcore_parallel>], iteration_bounds = array<i64: 2, 16>, scalar_prefetch = 0 : i64, scratch_operands = 11 : i64, tpu.core_type = #tpu.core_type<sc_vector_subcore>, window_params = [{transform_indices = #map}, {transform_indices = #map1}, {transform_indices = #map2}]} {
    %mul3A = arith.constant 2 : i32
    %mul3A_0 = arith.muli %arg1, %mul3A : i32
    %add3A = arith.addi %mul3A_0, %arg0 : i32
    %mul3A_1 = arith.constant 632 : i32
    %mul3A_2 = arith.muli %arg1, %mul3A_1 : i32
    %mul3A_3 = arith.constant 10000 : i32
    %mul3A_4 = arith.muli %add3A, %mul3A_3 : i32
    "tpu.region"() ({
      %run_scoped3A_289 = tpu.sem_alloc : memref<!tpu.dma_semaphore, #tpu.memory_space<semaphore_mem>>
      %dma_start3A_290 = arith.constant 0 : i32
      %dma_start3A_291 = tpu.memref_slice %arg5[%mul3A_2, %dma_start3A_290] : memref<10112x128xf32, #tpu.memory_space<vmem_shared>> -> memref<632x128xf32, #tpu.memory_space<vmem_shared>>
      %dma_start3A_292 = arith.constant 0 : i32
      %dma_start3A_293 = tpu.memref_slice %arg2[%mul3A_2, %dma_start3A_292] : memref<10112x128xf32, #tpu.memory_space<hbm>> -> memref<632x128xf32, #tpu.memory_space<hbm>>
      tpu.enqueue_dma source(%dma_start3A_293 : memref<632x128xf32, #tpu.memory_space<hbm>>) target(%dma_start3A_291 : memref<632x128xf32, #tpu.memory_space<vmem_shared>>) target_semaphore(%run_scoped3A_289 : memref<!tpu.dma_semaphore, #tpu.memory_space<semaphore_mem>>)
      %dma_wait3A_294 = arith.constant 0 : i32
      %dma_wait3A_295 = tpu.memref_slice %arg5[%mul3A_2, %dma_wait3A_294] : memref<10112x128xf32, #tpu.memory_space<vmem_shared>> -> memref<632x128xf32, #tpu.memory_space<vmem_shared>>
      %dma_wait3A_296 = arith.constant 0 : i32
      %dma_wait3A_297 = tpu.memref_slice %arg2[%mul3A_2, %dma_wait3A_296] : memref<10112x128xf32, #tpu.memory_space<hbm>> -> memref<632x128xf32, #tpu.memory_space<hbm>>
      tpu.wait_dma2 semaphore(%run_scoped3A_289 : memref<!tpu.dma_semaphore, #tpu.memory_space<semaphore_mem>>) src(%dma_wait3A_297 : memref<632x128xf32, #tpu.memory_space<hbm>>) dst(%dma_wait3A_295 : memref<632x128xf32, #tpu.memory_space<vmem_shared>>)
      tpu.yield
    }) : () -> ()
    %add3A_5 = arith.constant 9984 : i32
    %add3A_6 = arith.addi %mul3A_4, %add3A_5 : i32
    %run_scoped3A = arith.constant 0 : i32
    "tpu.region"() ({
      %run_scoped3A_289 = tpu.sem_alloc : memref<!tpu.dma_semaphore, #tpu.memory_space<semaphore_mem>>
      %dma_start3A_290 = arith.constant 0 : i32
      %dma_start3A_291 = tpu.memref_slice %arg9[%run_scoped3A, %dma_start3A_290] : memref<1x16xi32, #tpu.memory_space<vmem>> -> memref<1x16xi32, #tpu.memory_space<vmem>>
      %dma_start3A_292 = tpu.memref_squeeze %dma_start3A_291 : memref<1x16xi32, #tpu.memory_space<vmem>> -> memref<16xi32, #tpu.memory_space<vmem>>
      %dma_start3A_293 = tpu.memref_slice %arg3[%add3A_6] : memref<640000xi32, #tpu.memory_space<hbm>> -> memref<16xi32, #tpu.memory_space<hbm>>
      %dma_start3A_294 = arith.constant 0 : i32
      %dma_start3A_295 = tpu.memref_slice %arg9[%run_scoped3A, %dma_start3A_294] : memref<1x16xi32, #tpu.memory_space<vmem>> -> memref<1x16xi32, #tpu.memory_space<vmem>>
      %dma_start3A_296 = tpu.memref_squeeze %dma_start3A_295 : memref<1x16xi32, #tpu.memory_space<vmem>> -> memref<16xi32, #tpu.memory_space<vmem>>
      %dma_start3A_297 = tpu.memref_slice %arg3[%add3A_6] : memref<640000xi32, #tpu.memory_space<hbm>> -> memref<16xi32, #tpu.memory_space<hbm>>
      tpu.enqueue_dma source(%dma_start3A_297 : memref<16xi32, #tpu.memory_space<hbm>>) target(%dma_start3A_296 : memref<16xi32, #tpu.memory_space<vmem>>) target_semaphore(%run_scoped3A_289 : memref<!tpu.dma_semaphore, #tpu.memory_space<semaphore_mem>>)
      %dma_wait3A_298 = arith.constant 0 : i32
      %dma_wait3A_299 = tpu.memref_slice %arg9[%run_scoped3A, %dma_wait3A_298] : memref<1x16xi32, #tpu.memory_space<vmem>> -> memref<1x16xi32, #tpu.memory_space<vmem>>
      %dma_wait3A_300 = tpu.memref_squeeze %dma_wait3A_299 : memref<1x16xi32, #tpu.memory_space<vmem>> -> memref<16xi32, #tpu.memory_space<vmem>>
      %dma_wait3A_301 = tpu.memref_slice %arg3[%add3A_6] : memref<640000xi32, #tpu.memory_space<hbm>> -> memref<16xi32, #tpu.memory_space<hbm>>
      %dma_wait3A_302 = arith.constant 0 : i32
      %dma_wait3A_303 = tpu.memref_slice %arg9[%run_scoped3A, %dma_wait3A_302] : memref<1x16xi32, #tpu.memory_space<vmem>> -> memref<1x16xi32, #tpu.memory_space<vmem>>
      %dma_wait3A_304 = tpu.memref_squeeze %dma_wait3A_303 : memref<1x16xi32, #tpu.memory_space<vmem>> -> memref<16xi32, #tpu.memory_space<vmem>>
      %dma_wait3A_305 = tpu.memref_slice %arg3[%add3A_6] : memref<640000xi32, #tpu.memory_space<hbm>> -> memref<16xi32, #tpu.memory_space<hbm>>
      tpu.wait_dma2 semaphore(%run_scoped3A_289 : memref<!tpu.dma_semaphore, #tpu.memory_space<semaphore_mem>>) src(%dma_wait3A_305 : memref<16xi32, #tpu.memory_space<hbm>>) dst(%dma_wait3A_304 : memref<16xi32, #tpu.memory_space<vmem>>)
      tpu.yield
    }) : () -> ()
    %add3A_7 = arith.constant 320000 : i32
    %add3A_8 = arith.addi %add3A_7, %add3A_6 : i32
    %run_scoped3A_9 = arith.constant 0 : i32
    "tpu.region"() ({
      %run_scoped3A_289 = tpu.sem_alloc : memref<!tpu.dma_semaphore, #tpu.memory_space<semaphore_mem>>
      %dma_start3A_290 = arith.constant 0 : i32
      %dma_start3A_291 = tpu.memref_slice %arg10[%run_scoped3A_9, %dma_start3A_290] : memref<1x16xi32, #tpu.memory_space<vmem>> -> memref<1x16xi32, #tpu.memory_space<vmem>>
      %dma_start3A_292 = tpu.memref_squeeze %dma_start3A_291 : memref<1x16xi32, #tpu.memory_space<vmem>> -> memref<16xi32, #tpu.memory_space<vmem>>
      %dma_start3A_293 = tpu.memref_slice %arg3[%add3A_8] : memref<640000xi32, #tpu.memory_space<hbm>> -> memref<16xi32, #tpu.memory_space<hbm>>
      %dma_start3A_294 = arith.constant 0 : i32
      %dma_start3A_295 = tpu.memref_slice %arg10[%run_scoped3A_9, %dma_start3A_294] : memref<1x16xi32, #tpu.memory_space<vmem>> -> memref<1x16xi32, #tpu.memory_space<vmem>>
      %dma_start3A_296 = tpu.memref_squeeze %dma_start3A_295 : memref<1x16xi32, #tpu.memory_space<vmem>> -> memref<16xi32, #tpu.memory_space<vmem>>
      %dma_start3A_297 = tpu.memref_slice %arg3[%add3A_8] : memref<640000xi32, #tpu.memory_space<hbm>> -> memref<16xi32, #tpu.memory_space<hbm>>
      tpu.enqueue_dma source(%dma_start3A_297 : memref<16xi32, #tpu.memory_space<hbm>>) target(%dma_start3A_296 : memref<16xi32, #tpu.memory_space<vmem>>) target_semaphore(%run_scoped3A_289 : memref<!tpu.dma_semaphore, #tpu.memory_space<semaphore_mem>>)
      %dma_wait3A_298 = arith.constant 0 : i32
      %dma_wait3A_299 = tpu.memref_slice %arg10[%run_scoped3A_9, %dma_wait3A_298] : memref<1x16xi32, #tpu.memory_space<vmem>> -> memref<1x16xi32, #tpu.memory_space<vmem>>
      %dma_wait3A_300 = tpu.memref_squeeze %dma_wait3A_299 : memref<1x16xi32, #tpu.memory_space<vmem>> -> memref<16xi32, #tpu.memory_space<vmem>>
      %dma_wait3A_301 = tpu.memref_slice %arg3[%add3A_8] : memref<640000xi32, #tpu.memory_space<hbm>> -> memref<16xi32, #tpu.memory_space<hbm>>
      %dma_wait3A_302 = arith.constant 0 : i32
      %dma_wait3A_303 = tpu.memref_slice %arg10[%run_scoped3A_9, %dma_wait3A_302] : memref<1x16xi32, #tpu.memory_space<vmem>> -> memref<1x16xi32, #tpu.memory_space<vmem>>
      %dma_wait3A_304 = tpu.memref_squeeze %dma_wait3A_303 : memref<1x16xi32, #tpu.memory_space<vmem>> -> memref<16xi32, #tpu.memory_space<vmem>>
      %dma_wait3A_305 = tpu.memref_slice %arg3[%add3A_8] : memref<640000xi32, #tpu.memory_space<hbm>> -> memref<16xi32, #tpu.memory_space<hbm>>
      tpu.wait_dma2 semaphore(%run_scoped3A_289 : memref<!tpu.dma_semaphore, #tpu.memory_space<semaphore_mem>>) src(%dma_wait3A_305 : memref<16xi32, #tpu.memory_space<hbm>>) dst(%dma_wait3A_304 : memref<16xi32, #tpu.memory_space<vmem>>)
      tpu.yield
    }) : () -> ()
    %dma_start3A = arith.constant 0 : i32
    %dma_start3A_10 = arith.constant 0 : i32
    %dma_start3A_11 = tpu.memref_slice %arg9[%dma_start3A, %dma_start3A_10] : memref<1x16xi32, #tpu.memory_space<vmem>> -> memref<1x16xi32, #tpu.memory_space<vmem>>
    %dma_start3A_12 = tpu.memref_squeeze %dma_start3A_11 : memref<1x16xi32, #tpu.memory_space<vmem>> -> memref<16xi32, #tpu.memory_space<vmem>>
    %dma_start3A_13 = arith.constant 0 : i32
    %dma_start3A_14 = arith.constant 0 : i32
    %dma_start3A_15 = tpu.memref_slice %arg2[%dma_start3A_13, %dma_start3A_14] : memref<10112x128xf32, #tpu.memory_space<hbm>> -> memref<10112x128xf32, #tpu.memory_space<hbm>>
    tpu.enqueue_indirect_dma source(%dma_start3A_15 : memref<10112x128xf32, #tpu.memory_space<hbm>>) target(%arg11 : memref<16x128xf32, #tpu.memory_space<vmem>>) offsets(%dma_start3A_12 : memref<16xi32, #tpu.memory_space<vmem>>) semaphore(%arg15 : memref<!tpu.dma_semaphore, #tpu.memory_space<semaphore_mem>>)
    %dma_wait3A = arith.constant 0 : i32
    %dma_wait3A_16 = arith.constant 0 : i32
    %dma_wait3A_17 = tpu.memref_slice %arg9[%dma_wait3A, %dma_wait3A_16] : memref<1x16xi32, #tpu.memory_space<vmem>> -> memref<1x16xi32, #tpu.memory_space<vmem>>
    %dma_wait3A_18 = tpu.memref_squeeze %dma_wait3A_17 : memref<1x16xi32, #tpu.memory_space<vmem>> -> memref<16xi32, #tpu.memory_space<vmem>>
    %dma_wait3A_19 = arith.constant 0 : i32
    %dma_wait3A_20 = arith.constant 0 : i32
    %dma_wait3A_21 = tpu.memref_slice %arg2[%dma_wait3A_19, %dma_wait3A_20] : memref<10112x128xf32, #tpu.memory_space<hbm>> -> memref<10112x128xf32, #tpu.memory_space<hbm>>
    tpu.wait_indirect_dma semaphore(%arg15 : memref<!tpu.dma_semaphore, #tpu.memory_space<semaphore_mem>>) src(%dma_wait3A_21 : memref<10112x128xf32, #tpu.memory_space<hbm>>) dst(%arg11 : memref<16x128xf32, #tpu.memory_space<vmem>>)
    %add3A_22 = arith.constant 0 : i32
    %add3A_23 = arith.addi %mul3A_4, %add3A_22 : i32
    %dma_start3A_24 = arith.constant 0 : i32
    %dma_start3A_25 = arith.constant 0 : i32
    %dma_start3A_26 = arith.constant 0 : i32
    %dma_start3A_27 = tpu.memref_slice %arg6[%dma_start3A_24, %dma_start3A_26] : memref<6x104xi32, #tpu.memory_space<vmem>> -> memref<1x104xi32, #tpu.memory_space<vmem>>
    %dma_start3A_28 = tpu.memref_squeeze %dma_start3A_27 : memref<1x104xi32, #tpu.memory_space<vmem>> -> memref<104xi32, #tpu.memory_space<vmem>>
    %dma_start3A_29 = tpu.memref_slice %arg3[%add3A_23] : memref<640000xi32, #tpu.memory_space<hbm>> -> memref<104xi32, #tpu.memory_space<hbm>>
    %dma_start3A_30 = tpu.memref_slice %arg13[%dma_start3A_25] : memref<6x!tpu.dma_semaphore, #tpu.memory_space<semaphore_mem>> -> memref<1x!tpu.dma_semaphore, #tpu.memory_space<semaphore_mem>>
    %dma_start3A_31 = tpu.memref_squeeze %dma_start3A_30 : memref<1x!tpu.dma_semaphore, #tpu.memory_space<semaphore_mem>> -> memref<!tpu.dma_semaphore, #tpu.memory_space<semaphore_mem>>
    %dma_start3A_32 = arith.constant 0 : i32
    %dma_start3A_33 = tpu.memref_slice %arg6[%dma_start3A_24, %dma_start3A_32] : memref<6x104xi32, #tpu.memory_space<vmem>> -> memref<1x104xi32, #tpu.memory_space<vmem>>
    %dma_start3A_34 = tpu.memref_squeeze %dma_start3A_33 : memref<1x104xi32, #tpu.memory_space<vmem>> -> memref<104xi32, #tpu.memory_space<vmem>>
    %dma_start3A_35 = tpu.memref_slice %arg3[%add3A_23] : memref<640000xi32, #tpu.memory_space<hbm>> -> memref<104xi32, #tpu.memory_space<hbm>>
    tpu.enqueue_dma source(%dma_start3A_35 : memref<104xi32, #tpu.memory_space<hbm>>) target(%dma_start3A_34 : memref<104xi32, #tpu.memory_space<vmem>>) target_semaphore(%dma_start3A_31 : memref<!tpu.dma_semaphore, #tpu.memory_space<semaphore_mem>>)
    %add3A_36 = arith.constant 320000 : i32
    %add3A_37 = arith.addi %add3A_36, %mul3A_4 : i32
    %add3A_38 = arith.constant 0 : i32
    %add3A_39 = arith.addi %add3A_37, %add3A_38 : i32
    %dma_start3A_40 = arith.constant 0 : i32
    %dma_start3A_41 = arith.constant 0 : i32
    %dma_start3A_42 = arith.constant 0 : i32
    %dma_start3A_43 = tpu.memref_slice %arg7[%dma_start3A_40, %dma_start3A_42] : memref<6x104xi32, #tpu.memory_space<vmem>> -> memref<1x104xi32, #tpu.memory_space<vmem>>
    %dma_start3A_44 = tpu.memref_squeeze %dma_start3A_43 : memref<1x104xi32, #tpu.memory_space<vmem>> -> memref<104xi32, #tpu.memory_space<vmem>>
    %dma_start3A_45 = tpu.memref_slice %arg3[%add3A_39] : memref<640000xi32, #tpu.memory_space<hbm>> -> memref<104xi32, #tpu.memory_space<hbm>>
    %dma_start3A_46 = tpu.memref_slice %arg14[%dma_start3A_41] : memref<6x!tpu.dma_semaphore, #tpu.memory_space<semaphore_mem>> -> memref<1x!tpu.dma_semaphore, #tpu.memory_space<semaphore_mem>>
    %dma_start3A_47 = tpu.memref_squeeze %dma_start3A_46 : memref<1x!tpu.dma_semaphore, #tpu.memory_space<semaphore_mem>> -> memref<!tpu.dma_semaphore, #tpu.memory_space<semaphore_mem>>
    %dma_start3A_48 = arith.constant 0 : i32
    %dma_start3A_49 = tpu.memref_slice %arg7[%dma_start3A_40, %dma_start3A_48] : memref<6x104xi32, #tpu.memory_space<vmem>> -> memref<1x104xi32, #tpu.memory_space<vmem>>
    %dma_start3A_50 = tpu.memref_squeeze %dma_start3A_49 : memref<1x104xi32, #tpu.memory_space<vmem>> -> memref<104xi32, #tpu.memory_space<vmem>>
    %dma_start3A_51 = tpu.memref_slice %arg3[%add3A_39] : memref<640000xi32, #tpu.memory_space<hbm>> -> memref<104xi32, #tpu.memory_space<hbm>>
    tpu.enqueue_dma source(%dma_start3A_51 : memref<104xi32, #tpu.memory_space<hbm>>) target(%dma_start3A_50 : memref<104xi32, #tpu.memory_space<vmem>>) target_semaphore(%dma_start3A_47 : memref<!tpu.dma_semaphore, #tpu.memory_space<semaphore_mem>>)
    %add3A_52 = arith.constant 104 : i32
    %add3A_53 = arith.addi %mul3A_4, %add3A_52 : i32
    %dma_start3A_54 = arith.constant 1 : i32
    %dma_start3A_55 = arith.constant 1 : i32
    %dma_start3A_56 = arith.constant 0 : i32
    %dma_start3A_57 = tpu.memref_slice %arg6[%dma_start3A_54, %dma_start3A_56] : memref<6x104xi32, #tpu.memory_space<vmem>> -> memref<1x104xi32, #tpu.memory_space<vmem>>
    %dma_start3A_58 = tpu.memref_squeeze %dma_start3A_57 : memref<1x104xi32, #tpu.memory_space<vmem>> -> memref<104xi32, #tpu.memory_space<vmem>>
    %dma_start3A_59 = tpu.memref_slice %arg3[%add3A_53] : memref<640000xi32, #tpu.memory_space<hbm>> -> memref<104xi32, #tpu.memory_space<hbm>>
    %dma_start3A_60 = tpu.memref_slice %arg13[%dma_start3A_55] : memref<6x!tpu.dma_semaphore, #tpu.memory_space<semaphore_mem>> -> memref<1x!tpu.dma_semaphore, #tpu.memory_space<semaphore_mem>>
    %dma_start3A_61 = tpu.memref_squeeze %dma_start3A_60 : memref<1x!tpu.dma_semaphore, #tpu.memory_space<semaphore_mem>> -> memref<!tpu.dma_semaphore, #tpu.memory_space<semaphore_mem>>
    %dma_start3A_62 = arith.constant 0 : i32
    %dma_start3A_63 = tpu.memref_slice %arg6[%dma_start3A_54, %dma_start3A_62] : memref<6x104xi32, #tpu.memory_space<vmem>> -> memref<1x104xi32, #tpu.memory_space<vmem>>
    %dma_start3A_64 = tpu.memref_squeeze %dma_start3A_63 : memref<1x104xi32, #tpu.memory_space<vmem>> -> memref<104xi32, #tpu.memory_space<vmem>>
    %dma_start3A_65 = tpu.memref_slice %arg3[%add3A_53] : memref<640000xi32, #tpu.memory_space<hbm>> -> memref<104xi32, #tpu.memory_space<hbm>>
    tpu.enqueue_dma source(%dma_start3A_65 : memref<104xi32, #tpu.memory_space<hbm>>) target(%dma_start3A_64 : memref<104xi32, #tpu.memory_space<vmem>>) target_semaphore(%dma_start3A_61 : memref<!tpu.dma_semaphore, #tpu.memory_space<semaphore_mem>>)
    %add3A_66 = arith.constant 320000 : i32
    %add3A_67 = arith.addi %add3A_66, %mul3A_4 : i32
    %add3A_68 = arith.constant 104 : i32
    %add3A_69 = arith.addi %add3A_67, %add3A_68 : i32
    %dma_start3A_70 = arith.constant 1 : i32
    %dma_start3A_71 = arith.constant 1 : i32
    %dma_start3A_72 = arith.constant 0 : i32
    %dma_start3A_73 = tpu.memref_slice %arg7[%dma_start3A_70, %dma_start3A_72] : memref<6x104xi32, #tpu.memory_space<vmem>> -> memref<1x104xi32, #tpu.memory_space<vmem>>
    %dma_start3A_74 = tpu.memref_squeeze %dma_start3A_73 : memref<1x104xi32, #tpu.memory_space<vmem>> -> memref<104xi32, #tpu.memory_space<vmem>>
    %dma_start3A_75 = tpu.memref_slice %arg3[%add3A_69] : memref<640000xi32, #tpu.memory_space<hbm>> -> memref<104xi32, #tpu.memory_space<hbm>>
    %dma_start3A_76 = tpu.memref_slice %arg14[%dma_start3A_71] : memref<6x!tpu.dma_semaphore, #tpu.memory_space<semaphore_mem>> -> memref<1x!tpu.dma_semaphore, #tpu.memory_space<semaphore_mem>>
    %dma_start3A_77 = tpu.memref_squeeze %dma_start3A_76 : memref<1x!tpu.dma_semaphore, #tpu.memory_space<semaphore_mem>> -> memref<!tpu.dma_semaphore, #tpu.memory_space<semaphore_mem>>
    %dma_start3A_78 = arith.constant 0 : i32
    %dma_start3A_79 = tpu.memref_slice %arg7[%dma_start3A_70, %dma_start3A_78] : memref<6x104xi32, #tpu.memory_space<vmem>> -> memref<1x104xi32, #tpu.memory_space<vmem>>
    %dma_start3A_80 = tpu.memref_squeeze %dma_start3A_79 : memref<1x104xi32, #tpu.memory_space<vmem>> -> memref<104xi32, #tpu.memory_space<vmem>>
    %dma_start3A_81 = tpu.memref_slice %arg3[%add3A_69] : memref<640000xi32, #tpu.memory_space<hbm>> -> memref<104xi32, #tpu.memory_space<hbm>>
    tpu.enqueue_dma source(%dma_start3A_81 : memref<104xi32, #tpu.memory_space<hbm>>) target(%dma_start3A_80 : memref<104xi32, #tpu.memory_space<vmem>>) target_semaphore(%dma_start3A_77 : memref<!tpu.dma_semaphore, #tpu.memory_space<semaphore_mem>>)
    %add3A_82 = arith.constant 208 : i32
    %add3A_83 = arith.addi %mul3A_4, %add3A_82 : i32
    %dma_start3A_84 = arith.constant 2 : i32
    %dma_start3A_85 = arith.constant 2 : i32
    %dma_start3A_86 = arith.constant 0 : i32
    %dma_start3A_87 = tpu.memref_slice %arg6[%dma_start3A_84, %dma_start3A_86] : memref<6x104xi32, #tpu.memory_space<vmem>> -> memref<1x104xi32, #tpu.memory_space<vmem>>
    %dma_start3A_88 = tpu.memref_squeeze %dma_start3A_87 : memref<1x104xi32, #tpu.memory_space<vmem>> -> memref<104xi32, #tpu.memory_space<vmem>>
    %dma_start3A_89 = tpu.memref_slice %arg3[%add3A_83] : memref<640000xi32, #tpu.memory_space<hbm>> -> memref<104xi32, #tpu.memory_space<hbm>>
    %dma_start3A_90 = tpu.memref_slice %arg13[%dma_start3A_85] : memref<6x!tpu.dma_semaphore, #tpu.memory_space<semaphore_mem>> -> memref<1x!tpu.dma_semaphore, #tpu.memory_space<semaphore_mem>>
    %dma_start3A_91 = tpu.memref_squeeze %dma_start3A_90 : memref<1x!tpu.dma_semaphore, #tpu.memory_space<semaphore_mem>> -> memref<!tpu.dma_semaphore, #tpu.memory_space<semaphore_mem>>
    %dma_start3A_92 = arith.constant 0 : i32
    %dma_start3A_93 = tpu.memref_slice %arg6[%dma_start3A_84, %dma_start3A_92] : memref<6x104xi32, #tpu.memory_space<vmem>> -> memref<1x104xi32, #tpu.memory_space<vmem>>
    %dma_start3A_94 = tpu.memref_squeeze %dma_start3A_93 : memref<1x104xi32, #tpu.memory_space<vmem>> -> memref<104xi32, #tpu.memory_space<vmem>>
    %dma_start3A_95 = tpu.memref_slice %arg3[%add3A_83] : memref<640000xi32, #tpu.memory_space<hbm>> -> memref<104xi32, #tpu.memory_space<hbm>>
    tpu.enqueue_dma source(%dma_start3A_95 : memref<104xi32, #tpu.memory_space<hbm>>) target(%dma_start3A_94 : memref<104xi32, #tpu.memory_space<vmem>>) target_semaphore(%dma_start3A_91 : memref<!tpu.dma_semaphore, #tpu.memory_space<semaphore_mem>>)
    %add3A_96 = arith.constant 320000 : i32
    %add3A_97 = arith.addi %add3A_96, %mul3A_4 : i32
    %add3A_98 = arith.constant 208 : i32
    %add3A_99 = arith.addi %add3A_97, %add3A_98 : i32
    %dma_start3A_100 = arith.constant 2 : i32
    %dma_start3A_101 = arith.constant 2 : i32
    %dma_start3A_102 = arith.constant 0 : i32
    %dma_start3A_103 = tpu.memref_slice %arg7[%dma_start3A_100, %dma_start3A_102] : memref<6x104xi32, #tpu.memory_space<vmem>> -> memref<1x104xi32, #tpu.memory_space<vmem>>
    %dma_start3A_104 = tpu.memref_squeeze %dma_start3A_103 : memref<1x104xi32, #tpu.memory_space<vmem>> -> memref<104xi32, #tpu.memory_space<vmem>>
    %dma_start3A_105 = tpu.memref_slice %arg3[%add3A_99] : memref<640000xi32, #tpu.memory_space<hbm>> -> memref<104xi32, #tpu.memory_space<hbm>>
    %dma_start3A_106 = tpu.memref_slice %arg14[%dma_start3A_101] : memref<6x!tpu.dma_semaphore, #tpu.memory_space<semaphore_mem>> -> memref<1x!tpu.dma_semaphore, #tpu.memory_space<semaphore_mem>>
    %dma_start3A_107 = tpu.memref_squeeze %dma_start3A_106 : memref<1x!tpu.dma_semaphore, #tpu.memory_space<semaphore_mem>> -> memref<!tpu.dma_semaphore, #tpu.memory_space<semaphore_mem>>
    %dma_start3A_108 = arith.constant 0 : i32
    %dma_start3A_109 = tpu.memref_slice %arg7[%dma_start3A_100, %dma_start3A_108] : memref<6x104xi32, #tpu.memory_space<vmem>> -> memref<1x104xi32, #tpu.memory_space<vmem>>
    %dma_start3A_110 = tpu.memref_squeeze %dma_start3A_109 : memref<1x104xi32, #tpu.memory_space<vmem>> -> memref<104xi32, #tpu.memory_space<vmem>>
    %dma_start3A_111 = tpu.memref_slice %arg3[%add3A_99] : memref<640000xi32, #tpu.memory_space<hbm>> -> memref<104xi32, #tpu.memory_space<hbm>>
    tpu.enqueue_dma source(%dma_start3A_111 : memref<104xi32, #tpu.memory_space<hbm>>) target(%dma_start3A_110 : memref<104xi32, #tpu.memory_space<vmem>>) target_semaphore(%dma_start3A_107 : memref<!tpu.dma_semaphore, #tpu.memory_space<semaphore_mem>>)
    %add3A_112 = arith.constant 312 : i32
    %add3A_113 = arith.addi %mul3A_4, %add3A_112 : i32
    %dma_start3A_114 = arith.constant 3 : i32
    %dma_start3A_115 = arith.constant 3 : i32
    %dma_start3A_116 = arith.constant 0 : i32
    %dma_start3A_117 = tpu.memref_slice %arg6[%dma_start3A_114, %dma_start3A_116] : memref<6x104xi32, #tpu.memory_space<vmem>> -> memref<1x104xi32, #tpu.memory_space<vmem>>
    %dma_start3A_118 = tpu.memref_squeeze %dma_start3A_117 : memref<1x104xi32, #tpu.memory_space<vmem>> -> memref<104xi32, #tpu.memory_space<vmem>>
    %dma_start3A_119 = tpu.memref_slice %arg3[%add3A_113] : memref<640000xi32, #tpu.memory_space<hbm>> -> memref<104xi32, #tpu.memory_space<hbm>>
    %dma_start3A_120 = tpu.memref_slice %arg13[%dma_start3A_115] : memref<6x!tpu.dma_semaphore, #tpu.memory_space<semaphore_mem>> -> memref<1x!tpu.dma_semaphore, #tpu.memory_space<semaphore_mem>>
    %dma_start3A_121 = tpu.memref_squeeze %dma_start3A_120 : memref<1x!tpu.dma_semaphore, #tpu.memory_space<semaphore_mem>> -> memref<!tpu.dma_semaphore, #tpu.memory_space<semaphore_mem>>
    %dma_start3A_122 = arith.constant 0 : i32
    %dma_start3A_123 = tpu.memref_slice %arg6[%dma_start3A_114, %dma_start3A_122] : memref<6x104xi32, #tpu.memory_space<vmem>> -> memref<1x104xi32, #tpu.memory_space<vmem>>
    %dma_start3A_124 = tpu.memref_squeeze %dma_start3A_123 : memref<1x104xi32, #tpu.memory_space<vmem>> -> memref<104xi32, #tpu.memory_space<vmem>>
    %dma_start3A_125 = tpu.memref_slice %arg3[%add3A_113] : memref<640000xi32, #tpu.memory_space<hbm>> -> memref<104xi32, #tpu.memory_space<hbm>>
    tpu.enqueue_dma source(%dma_start3A_125 : memref<104xi32, #tpu.memory_space<hbm>>) target(%dma_start3A_124 : memref<104xi32, #tpu.memory_space<vmem>>) target_semaphore(%dma_start3A_121 : memref<!tpu.dma_semaphore, #tpu.memory_space<semaphore_mem>>)
    %add3A_126 = arith.constant 320000 : i32
    %add3A_127 = arith.addi %add3A_126, %mul3A_4 : i32
    %add3A_128 = arith.constant 312 : i32
    %add3A_129 = arith.addi %add3A_127, %add3A_128 : i32
    %dma_start3A_130 = arith.constant 3 : i32
    %dma_start3A_131 = arith.constant 3 : i32
    %dma_start3A_132 = arith.constant 0 : i32
    %dma_start3A_133 = tpu.memref_slice %arg7[%dma_start3A_130, %dma_start3A_132] : memref<6x104xi32, #tpu.memory_space<vmem>> -> memref<1x104xi32, #tpu.memory_space<vmem>>
    %dma_start3A_134 = tpu.memref_squeeze %dma_start3A_133 : memref<1x104xi32, #tpu.memory_space<vmem>> -> memref<104xi32, #tpu.memory_space<vmem>>
    %dma_start3A_135 = tpu.memref_slice %arg3[%add3A_129] : memref<640000xi32, #tpu.memory_space<hbm>> -> memref<104xi32, #tpu.memory_space<hbm>>
    %dma_start3A_136 = tpu.memref_slice %arg14[%dma_start3A_131] : memref<6x!tpu.dma_semaphore, #tpu.memory_space<semaphore_mem>> -> memref<1x!tpu.dma_semaphore, #tpu.memory_space<semaphore_mem>>
    %dma_start3A_137 = tpu.memref_squeeze %dma_start3A_136 : memref<1x!tpu.dma_semaphore, #tpu.memory_space<semaphore_mem>> -> memref<!tpu.dma_semaphore, #tpu.memory_space<semaphore_mem>>
    %dma_start3A_138 = arith.constant 0 : i32
    %dma_start3A_139 = tpu.memref_slice %arg7[%dma_start3A_130, %dma_start3A_138] : memref<6x104xi32, #tpu.memory_space<vmem>> -> memref<1x104xi32, #tpu.memory_space<vmem>>
    %dma_start3A_140 = tpu.memref_squeeze %dma_start3A_139 : memref<1x104xi32, #tpu.memory_space<vmem>> -> memref<104xi32, #tpu.memory_space<vmem>>
    %dma_start3A_141 = tpu.memref_slice %arg3[%add3A_129] : memref<640000xi32, #tpu.memory_space<hbm>> -> memref<104xi32, #tpu.memory_space<hbm>>
    tpu.enqueue_dma source(%dma_start3A_141 : memref<104xi32, #tpu.memory_space<hbm>>) target(%dma_start3A_140 : memref<104xi32, #tpu.memory_space<vmem>>) target_semaphore(%dma_start3A_137 : memref<!tpu.dma_semaphore, #tpu.memory_space<semaphore_mem>>)
    %add3A_142 = arith.constant 416 : i32
    %add3A_143 = arith.addi %mul3A_4, %add3A_142 : i32
    %dma_start3A_144 = arith.constant 4 : i32
    %dma_start3A_145 = arith.constant 4 : i32
    %dma_start3A_146 = arith.constant 0 : i32
    %dma_start3A_147 = tpu.memref_slice %arg6[%dma_start3A_144, %dma_start3A_146] : memref<6x104xi32, #tpu.memory_space<vmem>> -> memref<1x104xi32, #tpu.memory_space<vmem>>
    %dma_start3A_148 = tpu.memref_squeeze %dma_start3A_147 : memref<1x104xi32, #tpu.memory_space<vmem>> -> memref<104xi32, #tpu.memory_space<vmem>>
    %dma_start3A_149 = tpu.memref_slice %arg3[%add3A_143] : memref<640000xi32, #tpu.memory_space<hbm>> -> memref<104xi32, #tpu.memory_space<hbm>>
    %dma_start3A_150 = tpu.memref_slice %arg13[%dma_start3A_145] : memref<6x!tpu.dma_semaphore, #tpu.memory_space<semaphore_mem>> -> memref<1x!tpu.dma_semaphore, #tpu.memory_space<semaphore_mem>>
    %dma_start3A_151 = tpu.memref_squeeze %dma_start3A_150 : memref<1x!tpu.dma_semaphore, #tpu.memory_space<semaphore_mem>> -> memref<!tpu.dma_semaphore, #tpu.memory_space<semaphore_mem>>
    %dma_start3A_152 = arith.constant 0 : i32
    %dma_start3A_153 = tpu.memref_slice %arg6[%dma_start3A_144, %dma_start3A_152] : memref<6x104xi32, #tpu.memory_space<vmem>> -> memref<1x104xi32, #tpu.memory_space<vmem>>
    %dma_start3A_154 = tpu.memref_squeeze %dma_start3A_153 : memref<1x104xi32, #tpu.memory_space<vmem>> -> memref<104xi32, #tpu.memory_space<vmem>>
    %dma_start3A_155 = tpu.memref_slice %arg3[%add3A_143] : memref<640000xi32, #tpu.memory_space<hbm>> -> memref<104xi32, #tpu.memory_space<hbm>>
    tpu.enqueue_dma source(%dma_start3A_155 : memref<104xi32, #tpu.memory_space<hbm>>) target(%dma_start3A_154 : memref<104xi32, #tpu.memory_space<vmem>>) target_semaphore(%dma_start3A_151 : memref<!tpu.dma_semaphore, #tpu.memory_space<semaphore_mem>>)
    %add3A_156 = arith.constant 320000 : i32
    %add3A_157 = arith.addi %add3A_156, %mul3A_4 : i32
    %add3A_158 = arith.constant 416 : i32
    %add3A_159 = arith.addi %add3A_157, %add3A_158 : i32
    %dma_start3A_160 = arith.constant 4 : i32
    %dma_start3A_161 = arith.constant 4 : i32
    %dma_start3A_162 = arith.constant 0 : i32
    %dma_start3A_163 = tpu.memref_slice %arg7[%dma_start3A_160, %dma_start3A_162] : memref<6x104xi32, #tpu.memory_space<vmem>> -> memref<1x104xi32, #tpu.memory_space<vmem>>
    %dma_start3A_164 = tpu.memref_squeeze %dma_start3A_163 : memref<1x104xi32, #tpu.memory_space<vmem>> -> memref<104xi32, #tpu.memory_space<vmem>>
    %dma_start3A_165 = tpu.memref_slice %arg3[%add3A_159] : memref<640000xi32, #tpu.memory_space<hbm>> -> memref<104xi32, #tpu.memory_space<hbm>>
    %dma_start3A_166 = tpu.memref_slice %arg14[%dma_start3A_161] : memref<6x!tpu.dma_semaphore, #tpu.memory_space<semaphore_mem>> -> memref<1x!tpu.dma_semaphore, #tpu.memory_space<semaphore_mem>>
    %dma_start3A_167 = tpu.memref_squeeze %dma_start3A_166 : memref<1x!tpu.dma_semaphore, #tpu.memory_space<semaphore_mem>> -> memref<!tpu.dma_semaphore, #tpu.memory_space<semaphore_mem>>
    %dma_start3A_168 = arith.constant 0 : i32
    %dma_start3A_169 = tpu.memref_slice %arg7[%dma_start3A_160, %dma_start3A_168] : memref<6x104xi32, #tpu.memory_space<vmem>> -> memref<1x104xi32, #tpu.memory_space<vmem>>
    %dma_start3A_170 = tpu.memref_squeeze %dma_start3A_169 : memref<1x104xi32, #tpu.memory_space<vmem>> -> memref<104xi32, #tpu.memory_space<vmem>>
    %dma_start3A_171 = tpu.memref_slice %arg3[%add3A_159] : memref<640000xi32, #tpu.memory_space<hbm>> -> memref<104xi32, #tpu.memory_space<hbm>>
    tpu.enqueue_dma source(%dma_start3A_171 : memref<104xi32, #tpu.memory_space<hbm>>) target(%dma_start3A_170 : memref<104xi32, #tpu.memory_space<vmem>>) target_semaphore(%dma_start3A_167 : memref<!tpu.dma_semaphore, #tpu.memory_space<semaphore_mem>>)
    %add3A_172 = arith.constant 520 : i32
    %add3A_173 = arith.addi %mul3A_4, %add3A_172 : i32
    %dma_start3A_174 = arith.constant 5 : i32
    %dma_start3A_175 = arith.constant 5 : i32
    %dma_start3A_176 = arith.constant 0 : i32
    %dma_start3A_177 = tpu.memref_slice %arg6[%dma_start3A_174, %dma_start3A_176] : memref<6x104xi32, #tpu.memory_space<vmem>> -> memref<1x104xi32, #tpu.memory_space<vmem>>
    %dma_start3A_178 = tpu.memref_squeeze %dma_start3A_177 : memref<1x104xi32, #tpu.memory_space<vmem>> -> memref<104xi32, #tpu.memory_space<vmem>>
    %dma_start3A_179 = tpu.memref_slice %arg3[%add3A_173] : memref<640000xi32, #tpu.memory_space<hbm>> -> memref<104xi32, #tpu.memory_space<hbm>>
    %dma_start3A_180 = tpu.memref_slice %arg13[%dma_start3A_175] : memref<6x!tpu.dma_semaphore, #tpu.memory_space<semaphore_mem>> -> memref<1x!tpu.dma_semaphore, #tpu.memory_space<semaphore_mem>>
    %dma_start3A_181 = tpu.memref_squeeze %dma_start3A_180 : memref<1x!tpu.dma_semaphore, #tpu.memory_space<semaphore_mem>> -> memref<!tpu.dma_semaphore, #tpu.memory_space<semaphore_mem>>
    %dma_start3A_182 = arith.constant 0 : i32
    %dma_start3A_183 = tpu.memref_slice %arg6[%dma_start3A_174, %dma_start3A_182] : memref<6x104xi32, #tpu.memory_space<vmem>> -> memref<1x104xi32, #tpu.memory_space<vmem>>
    %dma_start3A_184 = tpu.memref_squeeze %dma_start3A_183 : memref<1x104xi32, #tpu.memory_space<vmem>> -> memref<104xi32, #tpu.memory_space<vmem>>
    %dma_start3A_185 = tpu.memref_slice %arg3[%add3A_173] : memref<640000xi32, #tpu.memory_space<hbm>> -> memref<104xi32, #tpu.memory_space<hbm>>
    tpu.enqueue_dma source(%dma_start3A_185 : memref<104xi32, #tpu.memory_space<hbm>>) target(%dma_start3A_184 : memref<104xi32, #tpu.memory_space<vmem>>) target_semaphore(%dma_start3A_181 : memref<!tpu.dma_semaphore, #tpu.memory_space<semaphore_mem>>)
    %add3A_186 = arith.constant 320000 : i32
    %add3A_187 = arith.addi %add3A_186, %mul3A_4 : i32
    %add3A_188 = arith.constant 520 : i32
    %add3A_189 = arith.addi %add3A_187, %add3A_188 : i32
    %dma_start3A_190 = arith.constant 5 : i32
    %dma_start3A_191 = arith.constant 5 : i32
    %dma_start3A_192 = arith.constant 0 : i32
    %dma_start3A_193 = tpu.memref_slice %arg7[%dma_start3A_190, %dma_start3A_192] : memref<6x104xi32, #tpu.memory_space<vmem>> -> memref<1x104xi32, #tpu.memory_space<vmem>>
    %dma_start3A_194 = tpu.memref_squeeze %dma_start3A_193 : memref<1x104xi32, #tpu.memory_space<vmem>> -> memref<104xi32, #tpu.memory_space<vmem>>
    %dma_start3A_195 = tpu.memref_slice %arg3[%add3A_189] : memref<640000xi32, #tpu.memory_space<hbm>> -> memref<104xi32, #tpu.memory_space<hbm>>
    %dma_start3A_196 = tpu.memref_slice %arg14[%dma_start3A_191] : memref<6x!tpu.dma_semaphore, #tpu.memory_space<semaphore_mem>> -> memref<1x!tpu.dma_semaphore, #tpu.memory_space<semaphore_mem>>
    %dma_start3A_197 = tpu.memref_squeeze %dma_start3A_196 : memref<1x!tpu.dma_semaphore, #tpu.memory_space<semaphore_mem>> -> memref<!tpu.dma_semaphore, #tpu.memory_space<semaphore_mem>>
    %dma_start3A_198 = arith.constant 0 : i32
    %dma_start3A_199 = tpu.memref_slice %arg7[%dma_start3A_190, %dma_start3A_198] : memref<6x104xi32, #tpu.memory_space<vmem>> -> memref<1x104xi32, #tpu.memory_space<vmem>>
    %dma_start3A_200 = tpu.memref_squeeze %dma_start3A_199 : memref<1x104xi32, #tpu.memory_space<vmem>> -> memref<104xi32, #tpu.memory_space<vmem>>
    %dma_start3A_201 = tpu.memref_slice %arg3[%add3A_189] : memref<640000xi32, #tpu.memory_space<hbm>> -> memref<104xi32, #tpu.memory_space<hbm>>
    tpu.enqueue_dma source(%dma_start3A_201 : memref<104xi32, #tpu.memory_space<hbm>>) target(%dma_start3A_200 : memref<104xi32, #tpu.memory_space<vmem>>) target_semaphore(%dma_start3A_197 : memref<!tpu.dma_semaphore, #tpu.memory_space<semaphore_mem>>)
    %dma_wait3A_202 = arith.constant 0 : i32
    %dma_wait3A_203 = arith.constant 0 : i32
    %dma_wait3A_204 = arith.constant 0 : i32
    %dma_wait3A_205 = tpu.memref_slice %arg6[%dma_wait3A_202, %dma_wait3A_204] : memref<6x104xi32, #tpu.memory_space<vmem>> -> memref<1x104xi32, #tpu.memory_space<vmem>>
    %dma_wait3A_206 = tpu.memref_squeeze %dma_wait3A_205 : memref<1x104xi32, #tpu.memory_space<vmem>> -> memref<104xi32, #tpu.memory_space<vmem>>
    %dma_wait3A_207 = tpu.memref_slice %arg3[%mul3A_4] : memref<640000xi32, #tpu.memory_space<hbm>> -> memref<104xi32, #tpu.memory_space<hbm>>
    %dma_wait3A_208 = tpu.memref_slice %arg13[%dma_wait3A_203] : memref<6x!tpu.dma_semaphore, #tpu.memory_space<semaphore_mem>> -> memref<1x!tpu.dma_semaphore, #tpu.memory_space<semaphore_mem>>
    %dma_wait3A_209 = tpu.memref_squeeze %dma_wait3A_208 : memref<1x!tpu.dma_semaphore, #tpu.memory_space<semaphore_mem>> -> memref<!tpu.dma_semaphore, #tpu.memory_space<semaphore_mem>>
    %dma_wait3A_210 = arith.constant 0 : i32
    %dma_wait3A_211 = tpu.memref_slice %arg6[%dma_wait3A_202, %dma_wait3A_210] : memref<6x104xi32, #tpu.memory_space<vmem>> -> memref<1x104xi32, #tpu.memory_space<vmem>>
    %dma_wait3A_212 = tpu.memref_squeeze %dma_wait3A_211 : memref<1x104xi32, #tpu.memory_space<vmem>> -> memref<104xi32, #tpu.memory_space<vmem>>
    %dma_wait3A_213 = tpu.memref_slice %arg3[%mul3A_4] : memref<640000xi32, #tpu.memory_space<hbm>> -> memref<104xi32, #tpu.memory_space<hbm>>
    tpu.wait_dma2 semaphore(%dma_wait3A_209 : memref<!tpu.dma_semaphore, #tpu.memory_space<semaphore_mem>>) src(%dma_wait3A_213 : memref<104xi32, #tpu.memory_space<hbm>>) dst(%dma_wait3A_212 : memref<104xi32, #tpu.memory_space<vmem>>)
    %dma_start3A_214 = arith.constant 0 : i32
    %dma_start3A_215 = arith.constant 0 : i32
    %dma_start3A_216 = arith.constant 0 : i32
    %dma_start3A_217 = arith.constant 0 : i32
    %dma_start3A_218 = arith.constant 0 : i32
    %dma_start3A_219 = tpu.memref_slice %arg8[%dma_start3A_215, %dma_start3A_217, %dma_start3A_218] : memref<3x104x128xf32, #tpu.memory_space<vmem>> -> memref<1x104x128xf32, #tpu.memory_space<vmem>>
    %dma_start3A_220 = tpu.memref_squeeze %dma_start3A_219 : memref<1x104x128xf32, #tpu.memory_space<vmem>> -> memref<104x128xf32, #tpu.memory_space<vmem>>
    %dma_start3A_221 = arith.constant 0 : i32
    %dma_start3A_222 = tpu.memref_slice %arg6[%dma_start3A_214, %dma_start3A_221] : memref<6x104xi32, #tpu.memory_space<vmem>> -> memref<1x104xi32, #tpu.memory_space<vmem>>
    %dma_start3A_223 = tpu.memref_squeeze %dma_start3A_222 : memref<1x104xi32, #tpu.memory_space<vmem>> -> memref<104xi32, #tpu.memory_space<vmem>>
    %dma_start3A_224 = arith.constant 0 : i32
    %dma_start3A_225 = arith.constant 0 : i32
    %dma_start3A_226 = tpu.memref_slice %arg2[%dma_start3A_224, %dma_start3A_225] : memref<10112x128xf32, #tpu.memory_space<hbm>> -> memref<10112x128xf32, #tpu.memory_space<hbm>>
    %dma_start3A_227 = tpu.memref_slice %arg12[%dma_start3A_216] : memref<3x!tpu.dma_semaphore, #tpu.memory_space<semaphore_mem>> -> memref<1x!tpu.dma_semaphore, #tpu.memory_space<semaphore_mem>>
    %dma_start3A_228 = tpu.memref_squeeze %dma_start3A_227 : memref<1x!tpu.dma_semaphore, #tpu.memory_space<semaphore_mem>> -> memref<!tpu.dma_semaphore, #tpu.memory_space<semaphore_mem>>
    tpu.enqueue_indirect_dma source(%dma_start3A_226 : memref<10112x128xf32, #tpu.memory_space<hbm>>) target(%dma_start3A_220 : memref<104x128xf32, #tpu.memory_space<vmem>>) offsets(%dma_start3A_223 : memref<104xi32, #tpu.memory_space<vmem>>) semaphore(%dma_start3A_228 : memref<!tpu.dma_semaphore, #tpu.memory_space<semaphore_mem>>)
    %dma_wait3A_229 = arith.constant 1 : i32
    %dma_wait3A_230 = arith.constant 1 : i32
    %dma_wait3A_231 = arith.constant 0 : i32
    %dma_wait3A_232 = tpu.memref_slice %arg6[%dma_wait3A_229, %dma_wait3A_231] : memref<6x104xi32, #tpu.memory_space<vmem>> -> memref<1x104xi32, #tpu.memory_space<vmem>>
    %dma_wait3A_233 = tpu.memref_squeeze %dma_wait3A_232 : memref<1x104xi32, #tpu.memory_space<vmem>> -> memref<104xi32, #tpu.memory_space<vmem>>
    %dma_wait3A_234 = tpu.memref_slice %arg3[%mul3A_4] : memref<640000xi32, #tpu.memory_space<hbm>> -> memref<104xi32, #tpu.memory_space<hbm>>
    %dma_wait3A_235 = tpu.memref_slice %arg13[%dma_wait3A_230] : memref<6x!tpu.dma_semaphore, #tpu.memory_space<semaphore_mem>> -> memref<1x!tpu.dma_semaphore, #tpu.memory_space<semaphore_mem>>
    %dma_wait3A_236 = tpu.memref_squeeze %dma_wait3A_235 : memref<1x!tpu.dma_semaphore, #tpu.memory_space<semaphore_mem>> -> memref<!tpu.dma_semaphore, #tpu.memory_space<semaphore_mem>>
    %dma_wait3A_237 = arith.constant 0 : i32
    %dma_wait3A_238 = tpu.memref_slice %arg6[%dma_wait3A_229, %dma_wait3A_237] : memref<6x104xi32, #tpu.memory_space<vmem>> -> memref<1x104xi32, #tpu.memory_space<vmem>>
    %dma_wait3A_239 = tpu.memref_squeeze %dma_wait3A_238 : memref<1x104xi32, #tpu.memory_space<vmem>> -> memref<104xi32, #tpu.memory_space<vmem>>
    %dma_wait3A_240 = tpu.memref_slice %arg3[%mul3A_4] : memref<640000xi32, #tpu.memory_space<hbm>> -> memref<104xi32, #tpu.memory_space<hbm>>
    tpu.wait_dma2 semaphore(%dma_wait3A_236 : memref<!tpu.dma_semaphore, #tpu.memory_space<semaphore_mem>>) src(%dma_wait3A_240 : memref<104xi32, #tpu.memory_space<hbm>>) dst(%dma_wait3A_239 : memref<104xi32, #tpu.memory_space<vmem>>)
    %dma_start3A_241 = arith.constant 1 : i32
    %dma_start3A_242 = arith.constant 1 : i32
    %dma_start3A_243 = arith.constant 1 : i32
    %dma_start3A_244 = arith.constant 0 : i32
    %dma_start3A_245 = arith.constant 0 : i32
    %dma_start3A_246 = tpu.memref_slice %arg8[%dma_start3A_242, %dma_start3A_244, %dma_start3A_245] : memref<3x104x128xf32, #tpu.memory_space<vmem>> -> memref<1x104x128xf32, #tpu.memory_space<vmem>>
    %dma_start3A_247 = tpu.memref_squeeze %dma_start3A_246 : memref<1x104x128xf32, #tpu.memory_space<vmem>> -> memref<104x128xf32, #tpu.memory_space<vmem>>
    %dma_start3A_248 = arith.constant 0 : i32
    %dma_start3A_249 = tpu.memref_slice %arg6[%dma_start3A_241, %dma_start3A_248] : memref<6x104xi32, #tpu.memory_space<vmem>> -> memref<1x104xi32, #tpu.memory_space<vmem>>
    %dma_start3A_250 = tpu.memref_squeeze %dma_start3A_249 : memref<1x104xi32, #tpu.memory_space<vmem>> -> memref<104xi32, #tpu.memory_space<vmem>>
    %dma_start3A_251 = arith.constant 0 : i32
    %dma_start3A_252 = arith.constant 0 : i32
    %dma_start3A_253 = tpu.memref_slice %arg2[%dma_start3A_251, %dma_start3A_252] : memref<10112x128xf32, #tpu.memory_space<hbm>> -> memref<10112x128xf32, #tpu.memory_space<hbm>>
    %dma_start3A_254 = tpu.memref_slice %arg12[%dma_start3A_243] : memref<3x!tpu.dma_semaphore, #tpu.memory_space<semaphore_mem>> -> memref<1x!tpu.dma_semaphore, #tpu.memory_space<semaphore_mem>>
    %dma_start3A_255 = tpu.memref_squeeze %dma_start3A_254 : memref<1x!tpu.dma_semaphore, #tpu.memory_space<semaphore_mem>> -> memref<!tpu.dma_semaphore, #tpu.memory_space<semaphore_mem>>
    tpu.enqueue_indirect_dma source(%dma_start3A_253 : memref<10112x128xf32, #tpu.memory_space<hbm>>) target(%dma_start3A_247 : memref<104x128xf32, #tpu.memory_space<vmem>>) offsets(%dma_start3A_250 : memref<104xi32, #tpu.memory_space<vmem>>) semaphore(%dma_start3A_255 : memref<!tpu.dma_semaphore, #tpu.memory_space<semaphore_mem>>)
    %dma_wait3A_256 = arith.constant 2 : i32
    %dma_wait3A_257 = arith.constant 2 : i32
    %dma_wait3A_258 = arith.constant 0 : i32
    %dma_wait3A_259 = tpu.memref_slice %arg6[%dma_wait3A_256, %dma_wait3A_258] : memref<6x104xi32, #tpu.memory_space<vmem>> -> memref<1x104xi32, #tpu.memory_space<vmem>>
    %dma_wait3A_260 = tpu.memref_squeeze %dma_wait3A_259 : memref<1x104xi32, #tpu.memory_space<vmem>> -> memref<104xi32, #tpu.memory_space<vmem>>
    %dma_wait3A_261 = tpu.memref_slice %arg3[%mul3A_4] : memref<640000xi32, #tpu.memory_space<hbm>> -> memref<104xi32, #tpu.memory_space<hbm>>
    %dma_wait3A_262 = tpu.memref_slice %arg13[%dma_wait3A_257] : memref<6x!tpu.dma_semaphore, #tpu.memory_space<semaphore_mem>> -> memref<1x!tpu.dma_semaphore, #tpu.memory_space<semaphore_mem>>
    %dma_wait3A_263 = tpu.memref_squeeze %dma_wait3A_262 : memref<1x!tpu.dma_semaphore, #tpu.memory_space<semaphore_mem>> -> memref<!tpu.dma_semaphore, #tpu.memory_space<semaphore_mem>>
    %dma_wait3A_264 = arith.constant 0 : i32
    %dma_wait3A_265 = tpu.memref_slice %arg6[%dma_wait3A_256, %dma_wait3A_264] : memref<6x104xi32, #tpu.memory_space<vmem>> -> memref<1x104xi32, #tpu.memory_space<vmem>>
    %dma_wait3A_266 = tpu.memref_squeeze %dma_wait3A_265 : memref<1x104xi32, #tpu.memory_space<vmem>> -> memref<104xi32, #tpu.memory_space<vmem>>
    %dma_wait3A_267 = tpu.memref_slice %arg3[%mul3A_4] : memref<640000xi32, #tpu.memory_space<hbm>> -> memref<104xi32, #tpu.memory_space<hbm>>
    tpu.wait_dma2 semaphore(%dma_wait3A_263 : memref<!tpu.dma_semaphore, #tpu.memory_space<semaphore_mem>>) src(%dma_wait3A_267 : memref<104xi32, #tpu.memory_space<hbm>>) dst(%dma_wait3A_266 : memref<104xi32, #tpu.memory_space<vmem>>)
    %dma_start3A_268 = arith.constant 2 : i32
    %dma_start3A_269 = arith.constant 2 : i32
    %dma_start3A_270 = arith.constant 2 : i32
    %dma_start3A_271 = arith.constant 0 : i32
    %dma_start3A_272 = arith.constant 0 : i32
    %dma_start3A_273 = tpu.memref_slice %arg8[%dma_start3A_269, %dma_start3A_271, %dma_start3A_272] : memref<3x104x128xf32, #tpu.memory_space<vmem>> -> memref<1x104x128xf32, #tpu.memory_space<vmem>>
    %dma_start3A_274 = tpu.memref_squeeze %dma_start3A_273 : memref<1x104x128xf32, #tpu.memory_space<vmem>> -> memref<104x128xf32, #tpu.memory_space<vmem>>
    %dma_start3A_275 = arith.constant 0 : i32
    %dma_start3A_276 = tpu.memref_slice %arg6[%dma_start3A_268, %dma_start3A_275] : memref<6x104xi32, #tpu.memory_space<vmem>> -> memref<1x104xi32, #tpu.memory_space<vmem>>
    %dma_start3A_277 = tpu.memref_squeeze %dma_start3A_276 : memref<1x104xi32, #tpu.memory_space<vmem>> -> memref<104xi32, #tpu.memory_space<vmem>>
    %dma_start3A_278 = arith.constant 0 : i32
    %dma_start3A_279 = arith.constant 0 : i32
    %dma_start3A_280 = tpu.memref_slice %arg2[%dma_start3A_278, %dma_start3A_279] : memref<10112x128xf32, #tpu.memory_space<hbm>> -> memref<10112x128xf32, #tpu.memory_space<hbm>>
    %dma_start3A_281 = tpu.memref_slice %arg12[%dma_start3A_270] : memref<3x!tpu.dma_semaphore, #tpu.memory_space<semaphore_mem>> -> memref<1x!tpu.dma_semaphore, #tpu.memory_space<semaphore_mem>>
    %dma_start3A_282 = tpu.memref_squeeze %dma_start3A_281 : memref<1x!tpu.dma_semaphore, #tpu.memory_space<semaphore_mem>> -> memref<!tpu.dma_semaphore, #tpu.memory_space<semaphore_mem>>
    tpu.enqueue_indirect_dma source(%dma_start3A_280 : memref<10112x128xf32, #tpu.memory_space<hbm>>) target(%dma_start3A_274 : memref<104x128xf32, #tpu.memory_space<vmem>>) offsets(%dma_start3A_277 : memref<104xi32, #tpu.memory_space<vmem>>) semaphore(%dma_start3A_282 : memref<!tpu.dma_semaphore, #tpu.memory_space<semaphore_mem>>)
    %barrier3A = arith.constant 0 : index
    tpu.barrier barrier_id(%barrier3A)
    %run_scoped3A_283 = arith.constant 0 : i32
    "tpu.region"() ({
      %run_scoped3A_289 = tpu.sem_alloc : memref<!tpu.dma_semaphore, #tpu.memory_space<semaphore_mem>>
      %dma_start3A_290 = arith.constant 0 : i32
      %dma_start3A_291 = tpu.memref_slice %arg10[%run_scoped3A_283, %dma_start3A_290] : memref<1x16xi32, #tpu.memory_space<vmem>> -> memref<1x16xi32, #tpu.memory_space<vmem>>
      %dma_start3A_292 = tpu.memref_squeeze %dma_start3A_291 : memref<1x16xi32, #tpu.memory_space<vmem>> -> memref<16xi32, #tpu.memory_space<vmem>>
      %dma_start3A_293 = arith.constant 0 : i32
      %dma_start3A_294 = arith.constant 0 : i32
      %dma_start3A_295 = tpu.memref_slice %arg5[%dma_start3A_293, %dma_start3A_294] : memref<10112x128xf32, #tpu.memory_space<vmem_shared>> -> memref<10112x128xf32, #tpu.memory_space<vmem_shared>>
      tpu.enqueue_indirect_dma source(%arg11 : memref<16x128xf32, #tpu.memory_space<vmem>>) target(%dma_start3A_295 : memref<10112x128xf32, #tpu.memory_space<vmem_shared>>) offsets(%dma_start3A_292 : memref<16xi32, #tpu.memory_space<vmem>>) semaphore(%run_scoped3A_289 : memref<!tpu.dma_semaphore, #tpu.memory_space<semaphore_mem>>) {add = true}
      %dma_wait3A_296 = arith.constant 0 : i32
      %dma_wait3A_297 = tpu.memref_slice %arg10[%run_scoped3A_283, %dma_wait3A_296] : memref<1x16xi32, #tpu.memory_space<vmem>> -> memref<1x16xi32, #tpu.memory_space<vmem>>
      %dma_wait3A_298 = tpu.memref_squeeze %dma_wait3A_297 : memref<1x16xi32, #tpu.memory_space<vmem>> -> memref<16xi32, #tpu.memory_space<vmem>>
      %dma_wait3A_299 = arith.constant 0 : i32
      %dma_wait3A_300 = arith.constant 0 : i32
      %dma_wait3A_301 = tpu.memref_slice %arg5[%dma_wait3A_299, %dma_wait3A_300] : memref<10112x128xf32, #tpu.memory_space<vmem_shared>> -> memref<10112x128xf32, #tpu.memory_space<vmem_shared>>
      tpu.wait_indirect_dma semaphore(%run_scoped3A_289 : memref<!tpu.dma_semaphore, #tpu.memory_space<semaphore_mem>>) src(%arg11 : memref<16x128xf32, #tpu.memory_space<vmem>>) dst(%dma_wait3A_301 : memref<10112x128xf32, #tpu.memory_space<vmem_shared>>)
      tpu.yield
    }) : () -> ()
    %scan3A = arith.constant 0 : i32
    %scan3A_284 = arith.constant 16 : i32
    %scan3A_285 = arith.addi %scan3A, %scan3A_284 : i32
    %scan3A_286 = arith.constant 1 : i32
    scf.for %scan3A_289 = %scan3A to %scan3A_285 step %scan3A_286  : i32 {
      %mul3A_290 = arith.constant 6 : i32
      %mul3A_291 = arith.muli %scan3A_289, %mul3A_290 : i32
      %add3A_292 = arith.constant 0 : i32
      %add3A_293 = arith.addi %add3A_292, %mul3A_291 : i32
      %add3A_294 = arith.constant 0 : i32
      %add3A_295 = arith.addi %add3A_293, %add3A_294 : i32
      %dma_wait3A_296 = arith.constant 0 : i32
      %dma_wait3A_297 = arith.constant 0 : i32
      %dma_wait3A_298 = arith.constant 0 : i32
      %dma_wait3A_299 = arith.constant 0 : i32
      %dma_wait3A_300 = arith.constant 0 : i32
      %dma_wait3A_301 = tpu.memref_slice %arg8[%dma_wait3A_297, %dma_wait3A_299, %dma_wait3A_300] : memref<3x104x128xf32, #tpu.memory_space<vmem>> -> memref<1x104x128xf32, #tpu.memory_space<vmem>>
      %dma_wait3A_302 = tpu.memref_squeeze %dma_wait3A_301 : memref<1x104x128xf32, #tpu.memory_space<vmem>> -> memref<104x128xf32, #tpu.memory_space<vmem>>
      %dma_wait3A_303 = arith.constant 0 : i32
      %dma_wait3A_304 = tpu.memref_slice %arg6[%dma_wait3A_296, %dma_wait3A_303] : memref<6x104xi32, #tpu.memory_space<vmem>> -> memref<1x104xi32, #tpu.memory_space<vmem>>
      %dma_wait3A_305 = tpu.memref_squeeze %dma_wait3A_304 : memref<1x104xi32, #tpu.memory_space<vmem>> -> memref<104xi32, #tpu.memory_space<vmem>>
      %dma_wait3A_306 = arith.constant 0 : i32
      %dma_wait3A_307 = arith.constant 0 : i32
      %dma_wait3A_308 = tpu.memref_slice %arg2[%dma_wait3A_306, %dma_wait3A_307] : memref<10112x128xf32, #tpu.memory_space<hbm>> -> memref<10112x128xf32, #tpu.memory_space<hbm>>
      %dma_wait3A_309 = tpu.memref_slice %arg12[%dma_wait3A_298] : memref<3x!tpu.dma_semaphore, #tpu.memory_space<semaphore_mem>> -> memref<1x!tpu.dma_semaphore, #tpu.memory_space<semaphore_mem>>
      %dma_wait3A_310 = tpu.memref_squeeze %dma_wait3A_309 : memref<1x!tpu.dma_semaphore, #tpu.memory_space<semaphore_mem>> -> memref<!tpu.dma_semaphore, #tpu.memory_space<semaphore_mem>>
      tpu.wait_indirect_dma semaphore(%dma_wait3A_310 : memref<!tpu.dma_semaphore, #tpu.memory_space<semaphore_mem>>) src(%dma_wait3A_308 : memref<10112x128xf32, #tpu.memory_space<hbm>>) dst(%dma_wait3A_302 : memref<104x128xf32, #tpu.memory_space<vmem>>)
      %add3A_311 = arith.constant 320000 : i32
      %add3A_312 = arith.addi %add3A_311, %mul3A_4 : i32
      %dma_wait3A_313 = arith.constant 0 : i32
      %dma_wait3A_314 = arith.constant 0 : i32
      %dma_wait3A_315 = arith.constant 0 : i32
      %dma_wait3A_316 = tpu.memref_slice %arg7[%dma_wait3A_313, %dma_wait3A_315] : memref<6x104xi32, #tpu.memory_space<vmem>> -> memref<1x104xi32, #tpu.memory_space<vmem>>
      %dma_wait3A_317 = tpu.memref_squeeze %dma_wait3A_316 : memref<1x104xi32, #tpu.memory_space<vmem>> -> memref<104xi32, #tpu.memory_space<vmem>>
      %dma_wait3A_318 = tpu.memref_slice %arg3[%add3A_312] : memref<640000xi32, #tpu.memory_space<hbm>> -> memref<104xi32, #tpu.memory_space<hbm>>
      %dma_wait3A_319 = tpu.memref_slice %arg14[%dma_wait3A_314] : memref<6x!tpu.dma_semaphore, #tpu.memory_space<semaphore_mem>> -> memref<1x!tpu.dma_semaphore, #tpu.memory_space<semaphore_mem>>
      %dma_wait3A_320 = tpu.memref_squeeze %dma_wait3A_319 : memref<1x!tpu.dma_semaphore, #tpu.memory_space<semaphore_mem>> -> memref<!tpu.dma_semaphore, #tpu.memory_space<semaphore_mem>>
      %dma_wait3A_321 = arith.constant 0 : i32
      %dma_wait3A_322 = tpu.memref_slice %arg7[%dma_wait3A_313, %dma_wait3A_321] : memref<6x104xi32, #tpu.memory_space<vmem>> -> memref<1x104xi32, #tpu.memory_space<vmem>>
      %dma_wait3A_323 = tpu.memref_squeeze %dma_wait3A_322 : memref<1x104xi32, #tpu.memory_space<vmem>> -> memref<104xi32, #tpu.memory_space<vmem>>
      %dma_wait3A_324 = tpu.memref_slice %arg3[%add3A_312] : memref<640000xi32, #tpu.memory_space<hbm>> -> memref<104xi32, #tpu.memory_space<hbm>>
      tpu.wait_dma2 semaphore(%dma_wait3A_320 : memref<!tpu.dma_semaphore, #tpu.memory_space<semaphore_mem>>) src(%dma_wait3A_324 : memref<104xi32, #tpu.memory_space<hbm>>) dst(%dma_wait3A_323 : memref<104xi32, #tpu.memory_space<vmem>>)
      %run_scoped3A_325 = arith.constant 0 : i32
      %run_scoped3A_326 = arith.constant 0 : i32
      "tpu.region"() ({
        %run_scoped3A_573 = tpu.sem_alloc : memref<!tpu.dma_semaphore, #tpu.memory_space<semaphore_mem>>
        %dma_start3A_574 = arith.constant 0 : i32
        %dma_start3A_575 = arith.constant 0 : i32
        %dma_start3A_576 = tpu.memref_slice %arg8[%run_scoped3A_325, %dma_start3A_574, %dma_start3A_575] : memref<3x104x128xf32, #tpu.memory_space<vmem>> -> memref<1x104x128xf32, #tpu.memory_space<vmem>>
        %dma_start3A_577 = tpu.memref_squeeze %dma_start3A_576 : memref<1x104x128xf32, #tpu.memory_space<vmem>> -> memref<104x128xf32, #tpu.memory_space<vmem>>
        %dma_start3A_578 = arith.constant 0 : i32
        %dma_start3A_579 = tpu.memref_slice %arg7[%run_scoped3A_326, %dma_start3A_578] : memref<6x104xi32, #tpu.memory_space<vmem>> -> memref<1x104xi32, #tpu.memory_space<vmem>>
        %dma_start3A_580 = tpu.memref_squeeze %dma_start3A_579 : memref<1x104xi32, #tpu.memory_space<vmem>> -> memref<104xi32, #tpu.memory_space<vmem>>
        %dma_start3A_581 = arith.constant 0 : i32
        %dma_start3A_582 = arith.constant 0 : i32
        %dma_start3A_583 = tpu.memref_slice %arg5[%dma_start3A_581, %dma_start3A_582] : memref<10112x128xf32, #tpu.memory_space<vmem_shared>> -> memref<10112x128xf32, #tpu.memory_space<vmem_shared>>
        tpu.enqueue_indirect_dma source(%dma_start3A_577 : memref<104x128xf32, #tpu.memory_space<vmem>>) target(%dma_start3A_583 : memref<10112x128xf32, #tpu.memory_space<vmem_shared>>) offsets(%dma_start3A_580 : memref<104xi32, #tpu.memory_space<vmem>>) semaphore(%run_scoped3A_573 : memref<!tpu.dma_semaphore, #tpu.memory_space<semaphore_mem>>) {add = true}
        %dma_wait3A_584 = arith.constant 0 : i32
        %dma_wait3A_585 = arith.constant 0 : i32
        %dma_wait3A_586 = tpu.memref_slice %arg8[%run_scoped3A_325, %dma_wait3A_584, %dma_wait3A_585] : memref<3x104x128xf32, #tpu.memory_space<vmem>> -> memref<1x104x128xf32, #tpu.memory_space<vmem>>
        %dma_wait3A_587 = tpu.memref_squeeze %dma_wait3A_586 : memref<1x104x128xf32, #tpu.memory_space<vmem>> -> memref<104x128xf32, #tpu.memory_space<vmem>>
        %dma_wait3A_588 = arith.constant 0 : i32
        %dma_wait3A_589 = tpu.memref_slice %arg7[%run_scoped3A_326, %dma_wait3A_588] : memref<6x104xi32, #tpu.memory_space<vmem>> -> memref<1x104xi32, #tpu.memory_space<vmem>>
        %dma_wait3A_590 = tpu.memref_squeeze %dma_wait3A_589 : memref<1x104xi32, #tpu.memory_space<vmem>> -> memref<104xi32, #tpu.memory_space<vmem>>
        %dma_wait3A_591 = arith.constant 0 : i32
        %dma_wait3A_592 = arith.constant 0 : i32
        %dma_wait3A_593 = tpu.memref_slice %arg5[%dma_wait3A_591, %dma_wait3A_592] : memref<10112x128xf32, #tpu.memory_space<vmem_shared>> -> memref<10112x128xf32, #tpu.memory_space<vmem_shared>>
        tpu.wait_indirect_dma semaphore(%run_scoped3A_573 : memref<!tpu.dma_semaphore, #tpu.memory_space<semaphore_mem>>) src(%dma_wait3A_587 : memref<104x128xf32, #tpu.memory_space<vmem>>) dst(%dma_wait3A_593 : memref<10112x128xf32, #tpu.memory_space<vmem_shared>>)
        tpu.yield
      }) : () -> ()
      %add3A_327 = arith.constant 6 : i32
      %add3A_328 = arith.addi %add3A_295, %add3A_327 : i32
      %lt3A = arith.constant 96 : i32
      %lt3A_329 = arith.cmpi slt, %add3A_328, %lt3A : i32
      %convert_element_type3A = arith.extui %lt3A_329 : i1 to i32
      %cond3A = arith.constant 0 : i32
      %cond3A_330 = arith.cmpi ne, %convert_element_type3A, %cond3A : i32
      scf.if %cond3A_330 {
        %add3A_573 = arith.constant 6 : i32
        %add3A_574 = arith.addi %add3A_295, %add3A_573 : i32
        %mul3A_575 = arith.constant 104 : i32
        %mul3A_576 = arith.muli %add3A_574, %mul3A_575 : i32
        %add3A_577 = arith.addi %mul3A_4, %mul3A_576 : i32
        %dma_start3A_578 = arith.constant 0 : i32
        %dma_start3A_579 = arith.constant 0 : i32
        %dma_start3A_580 = arith.constant 0 : i32
        %dma_start3A_581 = tpu.memref_slice %arg6[%dma_start3A_578, %dma_start3A_580] : memref<6x104xi32, #tpu.memory_space<vmem>> -> memref<1x104xi32, #tpu.memory_space<vmem>>
        %dma_start3A_582 = tpu.memref_squeeze %dma_start3A_581 : memref<1x104xi32, #tpu.memory_space<vmem>> -> memref<104xi32, #tpu.memory_space<vmem>>
        %dma_start3A_583 = tpu.memref_slice %arg3[%add3A_577] : memref<640000xi32, #tpu.memory_space<hbm>> -> memref<104xi32, #tpu.memory_space<hbm>>
        %dma_start3A_584 = tpu.memref_slice %arg13[%dma_start3A_579] : memref<6x!tpu.dma_semaphore, #tpu.memory_space<semaphore_mem>> -> memref<1x!tpu.dma_semaphore, #tpu.memory_space<semaphore_mem>>
        %dma_start3A_585 = tpu.memref_squeeze %dma_start3A_584 : memref<1x!tpu.dma_semaphore, #tpu.memory_space<semaphore_mem>> -> memref<!tpu.dma_semaphore, #tpu.memory_space<semaphore_mem>>
        %dma_start3A_586 = arith.constant 0 : i32
        %dma_start3A_587 = tpu.memref_slice %arg6[%dma_start3A_578, %dma_start3A_586] : memref<6x104xi32, #tpu.memory_space<vmem>> -> memref<1x104xi32, #tpu.memory_space<vmem>>
        %dma_start3A_588 = tpu.memref_squeeze %dma_start3A_587 : memref<1x104xi32, #tpu.memory_space<vmem>> -> memref<104xi32, #tpu.memory_space<vmem>>
        %dma_start3A_589 = tpu.memref_slice %arg3[%add3A_577] : memref<640000xi32, #tpu.memory_space<hbm>> -> memref<104xi32, #tpu.memory_space<hbm>>
        tpu.enqueue_dma source(%dma_start3A_589 : memref<104xi32, #tpu.memory_space<hbm>>) target(%dma_start3A_588 : memref<104xi32, #tpu.memory_space<vmem>>) target_semaphore(%dma_start3A_585 : memref<!tpu.dma_semaphore, #tpu.memory_space<semaphore_mem>>)
        %add3A_590 = arith.constant 320000 : i32
        %add3A_591 = arith.addi %add3A_590, %mul3A_4 : i32
        %add3A_592 = arith.constant 6 : i32
        %add3A_593 = arith.addi %add3A_295, %add3A_592 : i32
        %mul3A_594 = arith.constant 104 : i32
        %mul3A_595 = arith.muli %add3A_593, %mul3A_594 : i32
        %add3A_596 = arith.addi %add3A_591, %mul3A_595 : i32
        %dma_start3A_597 = arith.constant 0 : i32
        %dma_start3A_598 = arith.constant 0 : i32
        %dma_start3A_599 = arith.constant 0 : i32
        %dma_start3A_600 = tpu.memref_slice %arg7[%dma_start3A_597, %dma_start3A_599] : memref<6x104xi32, #tpu.memory_space<vmem>> -> memref<1x104xi32, #tpu.memory_space<vmem>>
        %dma_start3A_601 = tpu.memref_squeeze %dma_start3A_600 : memref<1x104xi32, #tpu.memory_space<vmem>> -> memref<104xi32, #tpu.memory_space<vmem>>
        %dma_start3A_602 = tpu.memref_slice %arg3[%add3A_596] : memref<640000xi32, #tpu.memory_space<hbm>> -> memref<104xi32, #tpu.memory_space<hbm>>
        %dma_start3A_603 = tpu.memref_slice %arg14[%dma_start3A_598] : memref<6x!tpu.dma_semaphore, #tpu.memory_space<semaphore_mem>> -> memref<1x!tpu.dma_semaphore, #tpu.memory_space<semaphore_mem>>
        %dma_start3A_604 = tpu.memref_squeeze %dma_start3A_603 : memref<1x!tpu.dma_semaphore, #tpu.memory_space<semaphore_mem>> -> memref<!tpu.dma_semaphore, #tpu.memory_space<semaphore_mem>>
        %dma_start3A_605 = arith.constant 0 : i32
        %dma_start3A_606 = tpu.memref_slice %arg7[%dma_start3A_597, %dma_start3A_605] : memref<6x104xi32, #tpu.memory_space<vmem>> -> memref<1x104xi32, #tpu.memory_space<vmem>>
        %dma_start3A_607 = tpu.memref_squeeze %dma_start3A_606 : memref<1x104xi32, #tpu.memory_space<vmem>> -> memref<104xi32, #tpu.memory_space<vmem>>
        %dma_start3A_608 = tpu.memref_slice %arg3[%add3A_596] : memref<640000xi32, #tpu.memory_space<hbm>> -> memref<104xi32, #tpu.memory_space<hbm>>
        tpu.enqueue_dma source(%dma_start3A_608 : memref<104xi32, #tpu.memory_space<hbm>>) target(%dma_start3A_607 : memref<104xi32, #tpu.memory_space<vmem>>) target_semaphore(%dma_start3A_604 : memref<!tpu.dma_semaphore, #tpu.memory_space<semaphore_mem>>)
      } else {
      }
      %add3A_331 = arith.constant 3 : i32
      %add3A_332 = arith.addi %add3A_295, %add3A_331 : i32
      %lt3A_333 = arith.constant 96 : i32
      %lt3A_334 = arith.cmpi slt, %add3A_332, %lt3A_333 : i32
      %convert_element_type3A_335 = arith.extui %lt3A_334 : i1 to i32
      %cond3A_336 = arith.constant 0 : i32
      %cond3A_337 = arith.cmpi ne, %convert_element_type3A_335, %cond3A_336 : i32
      scf.if %cond3A_337 {
        %dma_wait3A_573 = arith.constant 3 : i32
        %dma_wait3A_574 = arith.constant 3 : i32
        %dma_wait3A_575 = arith.constant 0 : i32
        %dma_wait3A_576 = tpu.memref_slice %arg6[%dma_wait3A_573, %dma_wait3A_575] : memref<6x104xi32, #tpu.memory_space<vmem>> -> memref<1x104xi32, #tpu.memory_space<vmem>>
        %dma_wait3A_577 = tpu.memref_squeeze %dma_wait3A_576 : memref<1x104xi32, #tpu.memory_space<vmem>> -> memref<104xi32, #tpu.memory_space<vmem>>
        %dma_wait3A_578 = tpu.memref_slice %arg3[%mul3A_4] : memref<640000xi32, #tpu.memory_space<hbm>> -> memref<104xi32, #tpu.memory_space<hbm>>
        %dma_wait3A_579 = tpu.memref_slice %arg13[%dma_wait3A_574] : memref<6x!tpu.dma_semaphore, #tpu.memory_space<semaphore_mem>> -> memref<1x!tpu.dma_semaphore, #tpu.memory_space<semaphore_mem>>
        %dma_wait3A_580 = tpu.memref_squeeze %dma_wait3A_579 : memref<1x!tpu.dma_semaphore, #tpu.memory_space<semaphore_mem>> -> memref<!tpu.dma_semaphore, #tpu.memory_space<semaphore_mem>>
        %dma_wait3A_581 = arith.constant 0 : i32
        %dma_wait3A_582 = tpu.memref_slice %arg6[%dma_wait3A_573, %dma_wait3A_581] : memref<6x104xi32, #tpu.memory_space<vmem>> -> memref<1x104xi32, #tpu.memory_space<vmem>>
        %dma_wait3A_583 = tpu.memref_squeeze %dma_wait3A_582 : memref<1x104xi32, #tpu.memory_space<vmem>> -> memref<104xi32, #tpu.memory_space<vmem>>
        %dma_wait3A_584 = tpu.memref_slice %arg3[%mul3A_4] : memref<640000xi32, #tpu.memory_space<hbm>> -> memref<104xi32, #tpu.memory_space<hbm>>
        tpu.wait_dma2 semaphore(%dma_wait3A_580 : memref<!tpu.dma_semaphore, #tpu.memory_space<semaphore_mem>>) src(%dma_wait3A_584 : memref<104xi32, #tpu.memory_space<hbm>>) dst(%dma_wait3A_583 : memref<104xi32, #tpu.memory_space<vmem>>)
        %dma_start3A_585 = arith.constant 3 : i32
        %dma_start3A_586 = arith.constant 0 : i32
        %dma_start3A_587 = arith.constant 0 : i32
        %dma_start3A_588 = arith.constant 0 : i32
        %dma_start3A_589 = arith.constant 0 : i32
        %dma_start3A_590 = tpu.memref_slice %arg8[%dma_start3A_586, %dma_start3A_588, %dma_start3A_589] : memref<3x104x128xf32, #tpu.memory_space<vmem>> -> memref<1x104x128xf32, #tpu.memory_space<vmem>>
        %dma_start3A_591 = tpu.memref_squeeze %dma_start3A_590 : memref<1x104x128xf32, #tpu.memory_space<vmem>> -> memref<104x128xf32, #tpu.memory_space<vmem>>
        %dma_start3A_592 = arith.constant 0 : i32
        %dma_start3A_593 = tpu.memref_slice %arg6[%dma_start3A_585, %dma_start3A_592] : memref<6x104xi32, #tpu.memory_space<vmem>> -> memref<1x104xi32, #tpu.memory_space<vmem>>
        %dma_start3A_594 = tpu.memref_squeeze %dma_start3A_593 : memref<1x104xi32, #tpu.memory_space<vmem>> -> memref<104xi32, #tpu.memory_space<vmem>>
        %dma_start3A_595 = arith.constant 0 : i32
        %dma_start3A_596 = arith.constant 0 : i32
        %dma_start3A_597 = tpu.memref_slice %arg2[%dma_start3A_595, %dma_start3A_596] : memref<10112x128xf32, #tpu.memory_space<hbm>> -> memref<10112x128xf32, #tpu.memory_space<hbm>>
        %dma_start3A_598 = tpu.memref_slice %arg12[%dma_start3A_587] : memref<3x!tpu.dma_semaphore, #tpu.memory_space<semaphore_mem>> -> memref<1x!tpu.dma_semaphore, #tpu.memory_space<semaphore_mem>>
        %dma_start3A_599 = tpu.memref_squeeze %dma_start3A_598 : memref<1x!tpu.dma_semaphore, #tpu.memory_space<semaphore_mem>> -> memref<!tpu.dma_semaphore, #tpu.memory_space<semaphore_mem>>
        tpu.enqueue_indirect_dma source(%dma_start3A_597 : memref<10112x128xf32, #tpu.memory_space<hbm>>) target(%dma_start3A_591 : memref<104x128xf32, #tpu.memory_space<vmem>>) offsets(%dma_start3A_594 : memref<104xi32, #tpu.memory_space<vmem>>) semaphore(%dma_start3A_599 : memref<!tpu.dma_semaphore, #tpu.memory_space<semaphore_mem>>)
      } else {
      }
      %add3A_338 = arith.constant 1 : i32
      %add3A_339 = arith.addi %add3A_293, %add3A_338 : i32
      %dma_wait3A_340 = arith.constant 1 : i32
      %dma_wait3A_341 = arith.constant 1 : i32
      %dma_wait3A_342 = arith.constant 1 : i32
      %dma_wait3A_343 = arith.constant 0 : i32
      %dma_wait3A_344 = arith.constant 0 : i32
      %dma_wait3A_345 = tpu.memref_slice %arg8[%dma_wait3A_341, %dma_wait3A_343, %dma_wait3A_344] : memref<3x104x128xf32, #tpu.memory_space<vmem>> -> memref<1x104x128xf32, #tpu.memory_space<vmem>>
      %dma_wait3A_346 = tpu.memref_squeeze %dma_wait3A_345 : memref<1x104x128xf32, #tpu.memory_space<vmem>> -> memref<104x128xf32, #tpu.memory_space<vmem>>
      %dma_wait3A_347 = arith.constant 0 : i32
      %dma_wait3A_348 = tpu.memref_slice %arg6[%dma_wait3A_340, %dma_wait3A_347] : memref<6x104xi32, #tpu.memory_space<vmem>> -> memref<1x104xi32, #tpu.memory_space<vmem>>
      %dma_wait3A_349 = tpu.memref_squeeze %dma_wait3A_348 : memref<1x104xi32, #tpu.memory_space<vmem>> -> memref<104xi32, #tpu.memory_space<vmem>>
      %dma_wait3A_350 = arith.constant 0 : i32
      %dma_wait3A_351 = arith.constant 0 : i32
      %dma_wait3A_352 = tpu.memref_slice %arg2[%dma_wait3A_350, %dma_wait3A_351] : memref<10112x128xf32, #tpu.memory_space<hbm>> -> memref<10112x128xf32, #tpu.memory_space<hbm>>
      %dma_wait3A_353 = tpu.memref_slice %arg12[%dma_wait3A_342] : memref<3x!tpu.dma_semaphore, #tpu.memory_space<semaphore_mem>> -> memref<1x!tpu.dma_semaphore, #tpu.memory_space<semaphore_mem>>
      %dma_wait3A_354 = tpu.memref_squeeze %dma_wait3A_353 : memref<1x!tpu.dma_semaphore, #tpu.memory_space<semaphore_mem>> -> memref<!tpu.dma_semaphore, #tpu.memory_space<semaphore_mem>>
      tpu.wait_indirect_dma semaphore(%dma_wait3A_354 : memref<!tpu.dma_semaphore, #tpu.memory_space<semaphore_mem>>) src(%dma_wait3A_352 : memref<10112x128xf32, #tpu.memory_space<hbm>>) dst(%dma_wait3A_346 : memref<104x128xf32, #tpu.memory_space<vmem>>)
      %add3A_355 = arith.constant 320000 : i32
      %add3A_356 = arith.addi %add3A_355, %mul3A_4 : i32
      %dma_wait3A_357 = arith.constant 1 : i32
      %dma_wait3A_358 = arith.constant 1 : i32
      %dma_wait3A_359 = arith.constant 0 : i32
      %dma_wait3A_360 = tpu.memref_slice %arg7[%dma_wait3A_357, %dma_wait3A_359] : memref<6x104xi32, #tpu.memory_space<vmem>> -> memref<1x104xi32, #tpu.memory_space<vmem>>
      %dma_wait3A_361 = tpu.memref_squeeze %dma_wait3A_360 : memref<1x104xi32, #tpu.memory_space<vmem>> -> memref<104xi32, #tpu.memory_space<vmem>>
      %dma_wait3A_362 = tpu.memref_slice %arg3[%add3A_356] : memref<640000xi32, #tpu.memory_space<hbm>> -> memref<104xi32, #tpu.memory_space<hbm>>
      %dma_wait3A_363 = tpu.memref_slice %arg14[%dma_wait3A_358] : memref<6x!tpu.dma_semaphore, #tpu.memory_space<semaphore_mem>> -> memref<1x!tpu.dma_semaphore, #tpu.memory_space<semaphore_mem>>
      %dma_wait3A_364 = tpu.memref_squeeze %dma_wait3A_363 : memref<1x!tpu.dma_semaphore, #tpu.memory_space<semaphore_mem>> -> memref<!tpu.dma_semaphore, #tpu.memory_space<semaphore_mem>>
      %dma_wait3A_365 = arith.constant 0 : i32
      %dma_wait3A_366 = tpu.memref_slice %arg7[%dma_wait3A_357, %dma_wait3A_365] : memref<6x104xi32, #tpu.memory_space<vmem>> -> memref<1x104xi32, #tpu.memory_space<vmem>>
      %dma_wait3A_367 = tpu.memref_squeeze %dma_wait3A_366 : memref<1x104xi32, #tpu.memory_space<vmem>> -> memref<104xi32, #tpu.memory_space<vmem>>
      %dma_wait3A_368 = tpu.memref_slice %arg3[%add3A_356] : memref<640000xi32, #tpu.memory_space<hbm>> -> memref<104xi32, #tpu.memory_space<hbm>>
      tpu.wait_dma2 semaphore(%dma_wait3A_364 : memref<!tpu.dma_semaphore, #tpu.memory_space<semaphore_mem>>) src(%dma_wait3A_368 : memref<104xi32, #tpu.memory_space<hbm>>) dst(%dma_wait3A_367 : memref<104xi32, #tpu.memory_space<vmem>>)
      %run_scoped3A_369 = arith.constant 1 : i32
      %run_scoped3A_370 = arith.constant 1 : i32
      "tpu.region"() ({
        %run_scoped3A_573 = tpu.sem_alloc : memref<!tpu.dma_semaphore, #tpu.memory_space<semaphore_mem>>
        %dma_start3A_574 = arith.constant 0 : i32
        %dma_start3A_575 = arith.constant 0 : i32
        %dma_start3A_576 = tpu.memref_slice %arg8[%run_scoped3A_369, %dma_start3A_574, %dma_start3A_575] : memref<3x104x128xf32, #tpu.memory_space<vmem>> -> memref<1x104x128xf32, #tpu.memory_space<vmem>>
        %dma_start3A_577 = tpu.memref_squeeze %dma_start3A_576 : memref<1x104x128xf32, #tpu.memory_space<vmem>> -> memref<104x128xf32, #tpu.memory_space<vmem>>
        %dma_start3A_578 = arith.constant 0 : i32
        %dma_start3A_579 = tpu.memref_slice %arg7[%run_scoped3A_370, %dma_start3A_578] : memref<6x104xi32, #tpu.memory_space<vmem>> -> memref<1x104xi32, #tpu.memory_space<vmem>>
        %dma_start3A_580 = tpu.memref_squeeze %dma_start3A_579 : memref<1x104xi32, #tpu.memory_space<vmem>> -> memref<104xi32, #tpu.memory_space<vmem>>
        %dma_start3A_581 = arith.constant 0 : i32
        %dma_start3A_582 = arith.constant 0 : i32
        %dma_start3A_583 = tpu.memref_slice %arg5[%dma_start3A_581, %dma_start3A_582] : memref<10112x128xf32, #tpu.memory_space<vmem_shared>> -> memref<10112x128xf32, #tpu.memory_space<vmem_shared>>
        tpu.enqueue_indirect_dma source(%dma_start3A_577 : memref<104x128xf32, #tpu.memory_space<vmem>>) target(%dma_start3A_583 : memref<10112x128xf32, #tpu.memory_space<vmem_shared>>) offsets(%dma_start3A_580 : memref<104xi32, #tpu.memory_space<vmem>>) semaphore(%run_scoped3A_573 : memref<!tpu.dma_semaphore, #tpu.memory_space<semaphore_mem>>) {add = true}
        %dma_wait3A_584 = arith.constant 0 : i32
        %dma_wait3A_585 = arith.constant 0 : i32
        %dma_wait3A_586 = tpu.memref_slice %arg8[%run_scoped3A_369, %dma_wait3A_584, %dma_wait3A_585] : memref<3x104x128xf32, #tpu.memory_space<vmem>> -> memref<1x104x128xf32, #tpu.memory_space<vmem>>
        %dma_wait3A_587 = tpu.memref_squeeze %dma_wait3A_586 : memref<1x104x128xf32, #tpu.memory_space<vmem>> -> memref<104x128xf32, #tpu.memory_space<vmem>>
        %dma_wait3A_588 = arith.constant 0 : i32
        %dma_wait3A_589 = tpu.memref_slice %arg7[%run_scoped3A_370, %dma_wait3A_588] : memref<6x104xi32, #tpu.memory_space<vmem>> -> memref<1x104xi32, #tpu.memory_space<vmem>>
        %dma_wait3A_590 = tpu.memref_squeeze %dma_wait3A_589 : memref<1x104xi32, #tpu.memory_space<vmem>> -> memref<104xi32, #tpu.memory_space<vmem>>
        %dma_wait3A_591 = arith.constant 0 : i32
        %dma_wait3A_592 = arith.constant 0 : i32
        %dma_wait3A_593 = tpu.memref_slice %arg5[%dma_wait3A_591, %dma_wait3A_592] : memref<10112x128xf32, #tpu.memory_space<vmem_shared>> -> memref<10112x128xf32, #tpu.memory_space<vmem_shared>>
        tpu.wait_indirect_dma semaphore(%run_scoped3A_573 : memref<!tpu.dma_semaphore, #tpu.memory_space<semaphore_mem>>) src(%dma_wait3A_587 : memref<104x128xf32, #tpu.memory_space<vmem>>) dst(%dma_wait3A_593 : memref<10112x128xf32, #tpu.memory_space<vmem_shared>>)
        tpu.yield
      }) : () -> ()
      %add3A_371 = arith.constant 6 : i32
      %add3A_372 = arith.addi %add3A_339, %add3A_371 : i32
      %lt3A_373 = arith.constant 96 : i32
      %lt3A_374 = arith.cmpi slt, %add3A_372, %lt3A_373 : i32
      %convert_element_type3A_375 = arith.extui %lt3A_374 : i1 to i32
      %cond3A_376 = arith.constant 0 : i32
      %cond3A_377 = arith.cmpi ne, %convert_element_type3A_375, %cond3A_376 : i32
      scf.if %cond3A_377 {
        %add3A_573 = arith.constant 6 : i32
        %add3A_574 = arith.addi %add3A_339, %add3A_573 : i32
        %mul3A_575 = arith.constant 104 : i32
        %mul3A_576 = arith.muli %add3A_574, %mul3A_575 : i32
        %add3A_577 = arith.addi %mul3A_4, %mul3A_576 : i32
        %dma_start3A_578 = arith.constant 1 : i32
        %dma_start3A_579 = arith.constant 1 : i32
        %dma_start3A_580 = arith.constant 0 : i32
        %dma_start3A_581 = tpu.memref_slice %arg6[%dma_start3A_578, %dma_start3A_580] : memref<6x104xi32, #tpu.memory_space<vmem>> -> memref<1x104xi32, #tpu.memory_space<vmem>>
        %dma_start3A_582 = tpu.memref_squeeze %dma_start3A_581 : memref<1x104xi32, #tpu.memory_space<vmem>> -> memref<104xi32, #tpu.memory_space<vmem>>
        %dma_start3A_583 = tpu.memref_slice %arg3[%add3A_577] : memref<640000xi32, #tpu.memory_space<hbm>> -> memref<104xi32, #tpu.memory_space<hbm>>
        %dma_start3A_584 = tpu.memref_slice %arg13[%dma_start3A_579] : memref<6x!tpu.dma_semaphore, #tpu.memory_space<semaphore_mem>> -> memref<1x!tpu.dma_semaphore, #tpu.memory_space<semaphore_mem>>
        %dma_start3A_585 = tpu.memref_squeeze %dma_start3A_584 : memref<1x!tpu.dma_semaphore, #tpu.memory_space<semaphore_mem>> -> memref<!tpu.dma_semaphore, #tpu.memory_space<semaphore_mem>>
        %dma_start3A_586 = arith.constant 0 : i32
        %dma_start3A_587 = tpu.memref_slice %arg6[%dma_start3A_578, %dma_start3A_586] : memref<6x104xi32, #tpu.memory_space<vmem>> -> memref<1x104xi32, #tpu.memory_space<vmem>>
        %dma_start3A_588 = tpu.memref_squeeze %dma_start3A_587 : memref<1x104xi32, #tpu.memory_space<vmem>> -> memref<104xi32, #tpu.memory_space<vmem>>
        %dma_start3A_589 = tpu.memref_slice %arg3[%add3A_577] : memref<640000xi32, #tpu.memory_space<hbm>> -> memref<104xi32, #tpu.memory_space<hbm>>
        tpu.enqueue_dma source(%dma_start3A_589 : memref<104xi32, #tpu.memory_space<hbm>>) target(%dma_start3A_588 : memref<104xi32, #tpu.memory_space<vmem>>) target_semaphore(%dma_start3A_585 : memref<!tpu.dma_semaphore, #tpu.memory_space<semaphore_mem>>)
        %add3A_590 = arith.constant 320000 : i32
        %add3A_591 = arith.addi %add3A_590, %mul3A_4 : i32
        %add3A_592 = arith.constant 6 : i32
        %add3A_593 = arith.addi %add3A_339, %add3A_592 : i32
        %mul3A_594 = arith.constant 104 : i32
        %mul3A_595 = arith.muli %add3A_593, %mul3A_594 : i32
        %add3A_596 = arith.addi %add3A_591, %mul3A_595 : i32
        %dma_start3A_597 = arith.constant 1 : i32
        %dma_start3A_598 = arith.constant 1 : i32
        %dma_start3A_599 = arith.constant 0 : i32
        %dma_start3A_600 = tpu.memref_slice %arg7[%dma_start3A_597, %dma_start3A_599] : memref<6x104xi32, #tpu.memory_space<vmem>> -> memref<1x104xi32, #tpu.memory_space<vmem>>
        %dma_start3A_601 = tpu.memref_squeeze %dma_start3A_600 : memref<1x104xi32, #tpu.memory_space<vmem>> -> memref<104xi32, #tpu.memory_space<vmem>>
        %dma_start3A_602 = tpu.memref_slice %arg3[%add3A_596] : memref<640000xi32, #tpu.memory_space<hbm>> -> memref<104xi32, #tpu.memory_space<hbm>>
        %dma_start3A_603 = tpu.memref_slice %arg14[%dma_start3A_598] : memref<6x!tpu.dma_semaphore, #tpu.memory_space<semaphore_mem>> -> memref<1x!tpu.dma_semaphore, #tpu.memory_space<semaphore_mem>>
        %dma_start3A_604 = tpu.memref_squeeze %dma_start3A_603 : memref<1x!tpu.dma_semaphore, #tpu.memory_space<semaphore_mem>> -> memref<!tpu.dma_semaphore, #tpu.memory_space<semaphore_mem>>
        %dma_start3A_605 = arith.constant 0 : i32
        %dma_start3A_606 = tpu.memref_slice %arg7[%dma_start3A_597, %dma_start3A_605] : memref<6x104xi32, #tpu.memory_space<vmem>> -> memref<1x104xi32, #tpu.memory_space<vmem>>
        %dma_start3A_607 = tpu.memref_squeeze %dma_start3A_606 : memref<1x104xi32, #tpu.memory_space<vmem>> -> memref<104xi32, #tpu.memory_space<vmem>>
        %dma_start3A_608 = tpu.memref_slice %arg3[%add3A_596] : memref<640000xi32, #tpu.memory_space<hbm>> -> memref<104xi32, #tpu.memory_space<hbm>>
        tpu.enqueue_dma source(%dma_start3A_608 : memref<104xi32, #tpu.memory_space<hbm>>) target(%dma_start3A_607 : memref<104xi32, #tpu.memory_space<vmem>>) target_semaphore(%dma_start3A_604 : memref<!tpu.dma_semaphore, #tpu.memory_space<semaphore_mem>>)
      } else {
      }
      %add3A_378 = arith.constant 3 : i32
      %add3A_379 = arith.addi %add3A_339, %add3A_378 : i32
      %lt3A_380 = arith.constant 96 : i32
      %lt3A_381 = arith.cmpi slt, %add3A_379, %lt3A_380 : i32
      %convert_element_type3A_382 = arith.extui %lt3A_381 : i1 to i32
      %cond3A_383 = arith.constant 0 : i32
      %cond3A_384 = arith.cmpi ne, %convert_element_type3A_382, %cond3A_383 : i32
      scf.if %cond3A_384 {
        %dma_wait3A_573 = arith.constant 4 : i32
        %dma_wait3A_574 = arith.constant 4 : i32
        %dma_wait3A_575 = arith.constant 0 : i32
        %dma_wait3A_576 = tpu.memref_slice %arg6[%dma_wait3A_573, %dma_wait3A_575] : memref<6x104xi32, #tpu.memory_space<vmem>> -> memref<1x104xi32, #tpu.memory_space<vmem>>
        %dma_wait3A_577 = tpu.memref_squeeze %dma_wait3A_576 : memref<1x104xi32, #tpu.memory_space<vmem>> -> memref<104xi32, #tpu.memory_space<vmem>>
        %dma_wait3A_578 = tpu.memref_slice %arg3[%mul3A_4] : memref<640000xi32, #tpu.memory_space<hbm>> -> memref<104xi32, #tpu.memory_space<hbm>>
        %dma_wait3A_579 = tpu.memref_slice %arg13[%dma_wait3A_574] : memref<6x!tpu.dma_semaphore, #tpu.memory_space<semaphore_mem>> -> memref<1x!tpu.dma_semaphore, #tpu.memory_space<semaphore_mem>>
        %dma_wait3A_580 = tpu.memref_squeeze %dma_wait3A_579 : memref<1x!tpu.dma_semaphore, #tpu.memory_space<semaphore_mem>> -> memref<!tpu.dma_semaphore, #tpu.memory_space<semaphore_mem>>
        %dma_wait3A_581 = arith.constant 0 : i32
        %dma_wait3A_582 = tpu.memref_slice %arg6[%dma_wait3A_573, %dma_wait3A_581] : memref<6x104xi32, #tpu.memory_space<vmem>> -> memref<1x104xi32, #tpu.memory_space<vmem>>
        %dma_wait3A_583 = tpu.memref_squeeze %dma_wait3A_582 : memref<1x104xi32, #tpu.memory_space<vmem>> -> memref<104xi32, #tpu.memory_space<vmem>>
        %dma_wait3A_584 = tpu.memref_slice %arg3[%mul3A_4] : memref<640000xi32, #tpu.memory_space<hbm>> -> memref<104xi32, #tpu.memory_space<hbm>>
        tpu.wait_dma2 semaphore(%dma_wait3A_580 : memref<!tpu.dma_semaphore, #tpu.memory_space<semaphore_mem>>) src(%dma_wait3A_584 : memref<104xi32, #tpu.memory_space<hbm>>) dst(%dma_wait3A_583 : memref<104xi32, #tpu.memory_space<vmem>>)
        %dma_start3A_585 = arith.constant 4 : i32
        %dma_start3A_586 = arith.constant 1 : i32
        %dma_start3A_587 = arith.constant 1 : i32
        %dma_start3A_588 = arith.constant 0 : i32
        %dma_start3A_589 = arith.constant 0 : i32
        %dma_start3A_590 = tpu.memref_slice %arg8[%dma_start3A_586, %dma_start3A_588, %dma_start3A_589] : memref<3x104x128xf32, #tpu.memory_space<vmem>> -> memref<1x104x128xf32, #tpu.memory_space<vmem>>
        %dma_start3A_591 = tpu.memref_squeeze %dma_start3A_590 : memref<1x104x128xf32, #tpu.memory_space<vmem>> -> memref<104x128xf32, #tpu.memory_space<vmem>>
        %dma_start3A_592 = arith.constant 0 : i32
        %dma_start3A_593 = tpu.memref_slice %arg6[%dma_start3A_585, %dma_start3A_592] : memref<6x104xi32, #tpu.memory_space<vmem>> -> memref<1x104xi32, #tpu.memory_space<vmem>>
        %dma_start3A_594 = tpu.memref_squeeze %dma_start3A_593 : memref<1x104xi32, #tpu.memory_space<vmem>> -> memref<104xi32, #tpu.memory_space<vmem>>
        %dma_start3A_595 = arith.constant 0 : i32
        %dma_start3A_596 = arith.constant 0 : i32
        %dma_start3A_597 = tpu.memref_slice %arg2[%dma_start3A_595, %dma_start3A_596] : memref<10112x128xf32, #tpu.memory_space<hbm>> -> memref<10112x128xf32, #tpu.memory_space<hbm>>
        %dma_start3A_598 = tpu.memref_slice %arg12[%dma_start3A_587] : memref<3x!tpu.dma_semaphore, #tpu.memory_space<semaphore_mem>> -> memref<1x!tpu.dma_semaphore, #tpu.memory_space<semaphore_mem>>
        %dma_start3A_599 = tpu.memref_squeeze %dma_start3A_598 : memref<1x!tpu.dma_semaphore, #tpu.memory_space<semaphore_mem>> -> memref<!tpu.dma_semaphore, #tpu.memory_space<semaphore_mem>>
        tpu.enqueue_indirect_dma source(%dma_start3A_597 : memref<10112x128xf32, #tpu.memory_space<hbm>>) target(%dma_start3A_591 : memref<104x128xf32, #tpu.memory_space<vmem>>) offsets(%dma_start3A_594 : memref<104xi32, #tpu.memory_space<vmem>>) semaphore(%dma_start3A_599 : memref<!tpu.dma_semaphore, #tpu.memory_space<semaphore_mem>>)
      } else {
      }
      %add3A_385 = arith.constant 2 : i32
      %add3A_386 = arith.addi %add3A_293, %add3A_385 : i32
      %dma_wait3A_387 = arith.constant 2 : i32
      %dma_wait3A_388 = arith.constant 2 : i32
      %dma_wait3A_389 = arith.constant 2 : i32
      %dma_wait3A_390 = arith.constant 0 : i32
      %dma_wait3A_391 = arith.constant 0 : i32
      %dma_wait3A_392 = tpu.memref_slice %arg8[%dma_wait3A_388, %dma_wait3A_390, %dma_wait3A_391] : memref<3x104x128xf32, #tpu.memory_space<vmem>> -> memref<1x104x128xf32, #tpu.memory_space<vmem>>
      %dma_wait3A_393 = tpu.memref_squeeze %dma_wait3A_392 : memref<1x104x128xf32, #tpu.memory_space<vmem>> -> memref<104x128xf32, #tpu.memory_space<vmem>>
      %dma_wait3A_394 = arith.constant 0 : i32
      %dma_wait3A_395 = tpu.memref_slice %arg6[%dma_wait3A_387, %dma_wait3A_394] : memref<6x104xi32, #tpu.memory_space<vmem>> -> memref<1x104xi32, #tpu.memory_space<vmem>>
      %dma_wait3A_396 = tpu.memref_squeeze %dma_wait3A_395 : memref<1x104xi32, #tpu.memory_space<vmem>> -> memref<104xi32, #tpu.memory_space<vmem>>
      %dma_wait3A_397 = arith.constant 0 : i32
      %dma_wait3A_398 = arith.constant 0 : i32
      %dma_wait3A_399 = tpu.memref_slice %arg2[%dma_wait3A_397, %dma_wait3A_398] : memref<10112x128xf32, #tpu.memory_space<hbm>> -> memref<10112x128xf32, #tpu.memory_space<hbm>>
      %dma_wait3A_400 = tpu.memref_slice %arg12[%dma_wait3A_389] : memref<3x!tpu.dma_semaphore, #tpu.memory_space<semaphore_mem>> -> memref<1x!tpu.dma_semaphore, #tpu.memory_space<semaphore_mem>>
      %dma_wait3A_401 = tpu.memref_squeeze %dma_wait3A_400 : memref<1x!tpu.dma_semaphore, #tpu.memory_space<semaphore_mem>> -> memref<!tpu.dma_semaphore, #tpu.memory_space<semaphore_mem>>
      tpu.wait_indirect_dma semaphore(%dma_wait3A_401 : memref<!tpu.dma_semaphore, #tpu.memory_space<semaphore_mem>>) src(%dma_wait3A_399 : memref<10112x128xf32, #tpu.memory_space<hbm>>) dst(%dma_wait3A_393 : memref<104x128xf32, #tpu.memory_space<vmem>>)
      %add3A_402 = arith.constant 320000 : i32
      %add3A_403 = arith.addi %add3A_402, %mul3A_4 : i32
      %dma_wait3A_404 = arith.constant 2 : i32
      %dma_wait3A_405 = arith.constant 2 : i32
      %dma_wait3A_406 = arith.constant 0 : i32
      %dma_wait3A_407 = tpu.memref_slice %arg7[%dma_wait3A_404, %dma_wait3A_406] : memref<6x104xi32, #tpu.memory_space<vmem>> -> memref<1x104xi32, #tpu.memory_space<vmem>>
      %dma_wait3A_408 = tpu.memref_squeeze %dma_wait3A_407 : memref<1x104xi32, #tpu.memory_space<vmem>> -> memref<104xi32, #tpu.memory_space<vmem>>
      %dma_wait3A_409 = tpu.memref_slice %arg3[%add3A_403] : memref<640000xi32, #tpu.memory_space<hbm>> -> memref<104xi32, #tpu.memory_space<hbm>>
      %dma_wait3A_410 = tpu.memref_slice %arg14[%dma_wait3A_405] : memref<6x!tpu.dma_semaphore, #tpu.memory_space<semaphore_mem>> -> memref<1x!tpu.dma_semaphore, #tpu.memory_space<semaphore_mem>>
      %dma_wait3A_411 = tpu.memref_squeeze %dma_wait3A_410 : memref<1x!tpu.dma_semaphore, #tpu.memory_space<semaphore_mem>> -> memref<!tpu.dma_semaphore, #tpu.memory_space<semaphore_mem>>
      %dma_wait3A_412 = arith.constant 0 : i32
      %dma_wait3A_413 = tpu.memref_slice %arg7[%dma_wait3A_404, %dma_wait3A_412] : memref<6x104xi32, #tpu.memory_space<vmem>> -> memref<1x104xi32, #tpu.memory_space<vmem>>
      %dma_wait3A_414 = tpu.memref_squeeze %dma_wait3A_413 : memref<1x104xi32, #tpu.memory_space<vmem>> -> memref<104xi32, #tpu.memory_space<vmem>>
      %dma_wait3A_415 = tpu.memref_slice %arg3[%add3A_403] : memref<640000xi32, #tpu.memory_space<hbm>> -> memref<104xi32, #tpu.memory_space<hbm>>
      tpu.wait_dma2 semaphore(%dma_wait3A_411 : memref<!tpu.dma_semaphore, #tpu.memory_space<semaphore_mem>>) src(%dma_wait3A_415 : memref<104xi32, #tpu.memory_space<hbm>>) dst(%dma_wait3A_414 : memref<104xi32, #tpu.memory_space<vmem>>)
      %run_scoped3A_416 = arith.constant 2 : i32
      %run_scoped3A_417 = arith.constant 2 : i32
      "tpu.region"() ({
        %run_scoped3A_573 = tpu.sem_alloc : memref<!tpu.dma_semaphore, #tpu.memory_space<semaphore_mem>>
        %dma_start3A_574 = arith.constant 0 : i32
        %dma_start3A_575 = arith.constant 0 : i32
        %dma_start3A_576 = tpu.memref_slice %arg8[%run_scoped3A_416, %dma_start3A_574, %dma_start3A_575] : memref<3x104x128xf32, #tpu.memory_space<vmem>> -> memref<1x104x128xf32, #tpu.memory_space<vmem>>
        %dma_start3A_577 = tpu.memref_squeeze %dma_start3A_576 : memref<1x104x128xf32, #tpu.memory_space<vmem>> -> memref<104x128xf32, #tpu.memory_space<vmem>>
        %dma_start3A_578 = arith.constant 0 : i32
        %dma_start3A_579 = tpu.memref_slice %arg7[%run_scoped3A_417, %dma_start3A_578] : memref<6x104xi32, #tpu.memory_space<vmem>> -> memref<1x104xi32, #tpu.memory_space<vmem>>
        %dma_start3A_580 = tpu.memref_squeeze %dma_start3A_579 : memref<1x104xi32, #tpu.memory_space<vmem>> -> memref<104xi32, #tpu.memory_space<vmem>>
        %dma_start3A_581 = arith.constant 0 : i32
        %dma_start3A_582 = arith.constant 0 : i32
        %dma_start3A_583 = tpu.memref_slice %arg5[%dma_start3A_581, %dma_start3A_582] : memref<10112x128xf32, #tpu.memory_space<vmem_shared>> -> memref<10112x128xf32, #tpu.memory_space<vmem_shared>>
        tpu.enqueue_indirect_dma source(%dma_start3A_577 : memref<104x128xf32, #tpu.memory_space<vmem>>) target(%dma_start3A_583 : memref<10112x128xf32, #tpu.memory_space<vmem_shared>>) offsets(%dma_start3A_580 : memref<104xi32, #tpu.memory_space<vmem>>) semaphore(%run_scoped3A_573 : memref<!tpu.dma_semaphore, #tpu.memory_space<semaphore_mem>>) {add = true}
        %dma_wait3A_584 = arith.constant 0 : i32
        %dma_wait3A_585 = arith.constant 0 : i32
        %dma_wait3A_586 = tpu.memref_slice %arg8[%run_scoped3A_416, %dma_wait3A_584, %dma_wait3A_585] : memref<3x104x128xf32, #tpu.memory_space<vmem>> -> memref<1x104x128xf32, #tpu.memory_space<vmem>>
        %dma_wait3A_587 = tpu.memref_squeeze %dma_wait3A_586 : memref<1x104x128xf32, #tpu.memory_space<vmem>> -> memref<104x128xf32, #tpu.memory_space<vmem>>
        %dma_wait3A_588 = arith.constant 0 : i32
        %dma_wait3A_589 = tpu.memref_slice %arg7[%run_scoped3A_417, %dma_wait3A_588] : memref<6x104xi32, #tpu.memory_space<vmem>> -> memref<1x104xi32, #tpu.memory_space<vmem>>
        %dma_wait3A_590 = tpu.memref_squeeze %dma_wait3A_589 : memref<1x104xi32, #tpu.memory_space<vmem>> -> memref<104xi32, #tpu.memory_space<vmem>>
        %dma_wait3A_591 = arith.constant 0 : i32
        %dma_wait3A_592 = arith.constant 0 : i32
        %dma_wait3A_593 = tpu.memref_slice %arg5[%dma_wait3A_591, %dma_wait3A_592] : memref<10112x128xf32, #tpu.memory_space<vmem_shared>> -> memref<10112x128xf32, #tpu.memory_space<vmem_shared>>
        tpu.wait_indirect_dma semaphore(%run_scoped3A_573 : memref<!tpu.dma_semaphore, #tpu.memory_space<semaphore_mem>>) src(%dma_wait3A_587 : memref<104x128xf32, #tpu.memory_space<vmem>>) dst(%dma_wait3A_593 : memref<10112x128xf32, #tpu.memory_space<vmem_shared>>)
        tpu.yield
      }) : () -> ()
      %add3A_418 = arith.constant 6 : i32
      %add3A_419 = arith.addi %add3A_386, %add3A_418 : i32
      %lt3A_420 = arith.constant 96 : i32
      %lt3A_421 = arith.cmpi slt, %add3A_419, %lt3A_420 : i32
      %convert_element_type3A_422 = arith.extui %lt3A_421 : i1 to i32
      %cond3A_423 = arith.constant 0 : i32
      %cond3A_424 = arith.cmpi ne, %convert_element_type3A_422, %cond3A_423 : i32
      scf.if %cond3A_424 {
        %add3A_573 = arith.constant 6 : i32
        %add3A_574 = arith.addi %add3A_386, %add3A_573 : i32
        %mul3A_575 = arith.constant 104 : i32
        %mul3A_576 = arith.muli %add3A_574, %mul3A_575 : i32
        %add3A_577 = arith.addi %mul3A_4, %mul3A_576 : i32
        %dma_start3A_578 = arith.constant 2 : i32
        %dma_start3A_579 = arith.constant 2 : i32
        %dma_start3A_580 = arith.constant 0 : i32
        %dma_start3A_581 = tpu.memref_slice %arg6[%dma_start3A_578, %dma_start3A_580] : memref<6x104xi32, #tpu.memory_space<vmem>> -> memref<1x104xi32, #tpu.memory_space<vmem>>
        %dma_start3A_582 = tpu.memref_squeeze %dma_start3A_581 : memref<1x104xi32, #tpu.memory_space<vmem>> -> memref<104xi32, #tpu.memory_space<vmem>>
        %dma_start3A_583 = tpu.memref_slice %arg3[%add3A_577] : memref<640000xi32, #tpu.memory_space<hbm>> -> memref<104xi32, #tpu.memory_space<hbm>>
        %dma_start3A_584 = tpu.memref_slice %arg13[%dma_start3A_579] : memref<6x!tpu.dma_semaphore, #tpu.memory_space<semaphore_mem>> -> memref<1x!tpu.dma_semaphore, #tpu.memory_space<semaphore_mem>>
        %dma_start3A_585 = tpu.memref_squeeze %dma_start3A_584 : memref<1x!tpu.dma_semaphore, #tpu.memory_space<semaphore_mem>> -> memref<!tpu.dma_semaphore, #tpu.memory_space<semaphore_mem>>
        %dma_start3A_586 = arith.constant 0 : i32
        %dma_start3A_587 = tpu.memref_slice %arg6[%dma_start3A_578, %dma_start3A_586] : memref<6x104xi32, #tpu.memory_space<vmem>> -> memref<1x104xi32, #tpu.memory_space<vmem>>
        %dma_start3A_588 = tpu.memref_squeeze %dma_start3A_587 : memref<1x104xi32, #tpu.memory_space<vmem>> -> memref<104xi32, #tpu.memory_space<vmem>>
        %dma_start3A_589 = tpu.memref_slice %arg3[%add3A_577] : memref<640000xi32, #tpu.memory_space<hbm>> -> memref<104xi32, #tpu.memory_space<hbm>>
        tpu.enqueue_dma source(%dma_start3A_589 : memref<104xi32, #tpu.memory_space<hbm>>) target(%dma_start3A_588 : memref<104xi32, #tpu.memory_space<vmem>>) target_semaphore(%dma_start3A_585 : memref<!tpu.dma_semaphore, #tpu.memory_space<semaphore_mem>>)
        %add3A_590 = arith.constant 320000 : i32
        %add3A_591 = arith.addi %add3A_590, %mul3A_4 : i32
        %add3A_592 = arith.constant 6 : i32
        %add3A_593 = arith.addi %add3A_386, %add3A_592 : i32
        %mul3A_594 = arith.constant 104 : i32
        %mul3A_595 = arith.muli %add3A_593, %mul3A_594 : i32
        %add3A_596 = arith.addi %add3A_591, %mul3A_595 : i32
        %dma_start3A_597 = arith.constant 2 : i32
        %dma_start3A_598 = arith.constant 2 : i32
        %dma_start3A_599 = arith.constant 0 : i32
        %dma_start3A_600 = tpu.memref_slice %arg7[%dma_start3A_597, %dma_start3A_599] : memref<6x104xi32, #tpu.memory_space<vmem>> -> memref<1x104xi32, #tpu.memory_space<vmem>>
        %dma_start3A_601 = tpu.memref_squeeze %dma_start3A_600 : memref<1x104xi32, #tpu.memory_space<vmem>> -> memref<104xi32, #tpu.memory_space<vmem>>
        %dma_start3A_602 = tpu.memref_slice %arg3[%add3A_596] : memref<640000xi32, #tpu.memory_space<hbm>> -> memref<104xi32, #tpu.memory_space<hbm>>
        %dma_start3A_603 = tpu.memref_slice %arg14[%dma_start3A_598] : memref<6x!tpu.dma_semaphore, #tpu.memory_space<semaphore_mem>> -> memref<1x!tpu.dma_semaphore, #tpu.memory_space<semaphore_mem>>
        %dma_start3A_604 = tpu.memref_squeeze %dma_start3A_603 : memref<1x!tpu.dma_semaphore, #tpu.memory_space<semaphore_mem>> -> memref<!tpu.dma_semaphore, #tpu.memory_space<semaphore_mem>>
        %dma_start3A_605 = arith.constant 0 : i32
        %dma_start3A_606 = tpu.memref_slice %arg7[%dma_start3A_597, %dma_start3A_605] : memref<6x104xi32, #tpu.memory_space<vmem>> -> memref<1x104xi32, #tpu.memory_space<vmem>>
        %dma_start3A_607 = tpu.memref_squeeze %dma_start3A_606 : memref<1x104xi32, #tpu.memory_space<vmem>> -> memref<104xi32, #tpu.memory_space<vmem>>
        %dma_start3A_608 = tpu.memref_slice %arg3[%add3A_596] : memref<640000xi32, #tpu.memory_space<hbm>> -> memref<104xi32, #tpu.memory_space<hbm>>
        tpu.enqueue_dma source(%dma_start3A_608 : memref<104xi32, #tpu.memory_space<hbm>>) target(%dma_start3A_607 : memref<104xi32, #tpu.memory_space<vmem>>) target_semaphore(%dma_start3A_604 : memref<!tpu.dma_semaphore, #tpu.memory_space<semaphore_mem>>)
      } else {
      }
      %add3A_425 = arith.constant 3 : i32
      %add3A_426 = arith.addi %add3A_386, %add3A_425 : i32
      %lt3A_427 = arith.constant 96 : i32
      %lt3A_428 = arith.cmpi slt, %add3A_426, %lt3A_427 : i32
      %convert_element_type3A_429 = arith.extui %lt3A_428 : i1 to i32
      %cond3A_430 = arith.constant 0 : i32
      %cond3A_431 = arith.cmpi ne, %convert_element_type3A_429, %cond3A_430 : i32
      scf.if %cond3A_431 {
        %dma_wait3A_573 = arith.constant 5 : i32
        %dma_wait3A_574 = arith.constant 5 : i32
        %dma_wait3A_575 = arith.constant 0 : i32
        %dma_wait3A_576 = tpu.memref_slice %arg6[%dma_wait3A_573, %dma_wait3A_575] : memref<6x104xi32, #tpu.memory_space<vmem>> -> memref<1x104xi32, #tpu.memory_space<vmem>>
        %dma_wait3A_577 = tpu.memref_squeeze %dma_wait3A_576 : memref<1x104xi32, #tpu.memory_space<vmem>> -> memref<104xi32, #tpu.memory_space<vmem>>
        %dma_wait3A_578 = tpu.memref_slice %arg3[%mul3A_4] : memref<640000xi32, #tpu.memory_space<hbm>> -> memref<104xi32, #tpu.memory_space<hbm>>
        %dma_wait3A_579 = tpu.memref_slice %arg13[%dma_wait3A_574] : memref<6x!tpu.dma_semaphore, #tpu.memory_space<semaphore_mem>> -> memref<1x!tpu.dma_semaphore, #tpu.memory_space<semaphore_mem>>
        %dma_wait3A_580 = tpu.memref_squeeze %dma_wait3A_579 : memref<1x!tpu.dma_semaphore, #tpu.memory_space<semaphore_mem>> -> memref<!tpu.dma_semaphore, #tpu.memory_space<semaphore_mem>>
        %dma_wait3A_581 = arith.constant 0 : i32
        %dma_wait3A_582 = tpu.memref_slice %arg6[%dma_wait3A_573, %dma_wait3A_581] : memref<6x104xi32, #tpu.memory_space<vmem>> -> memref<1x104xi32, #tpu.memory_space<vmem>>
        %dma_wait3A_583 = tpu.memref_squeeze %dma_wait3A_582 : memref<1x104xi32, #tpu.memory_space<vmem>> -> memref<104xi32, #tpu.memory_space<vmem>>
        %dma_wait3A_584 = tpu.memref_slice %arg3[%mul3A_4] : memref<640000xi32, #tpu.memory_space<hbm>> -> memref<104xi32, #tpu.memory_space<hbm>>
        tpu.wait_dma2 semaphore(%dma_wait3A_580 : memref<!tpu.dma_semaphore, #tpu.memory_space<semaphore_mem>>) src(%dma_wait3A_584 : memref<104xi32, #tpu.memory_space<hbm>>) dst(%dma_wait3A_583 : memref<104xi32, #tpu.memory_space<vmem>>)
        %dma_start3A_585 = arith.constant 5 : i32
        %dma_start3A_586 = arith.constant 2 : i32
        %dma_start3A_587 = arith.constant 2 : i32
        %dma_start3A_588 = arith.constant 0 : i32
        %dma_start3A_589 = arith.constant 0 : i32
        %dma_start3A_590 = tpu.memref_slice %arg8[%dma_start3A_586, %dma_start3A_588, %dma_start3A_589] : memref<3x104x128xf32, #tpu.memory_space<vmem>> -> memref<1x104x128xf32, #tpu.memory_space<vmem>>
        %dma_start3A_591 = tpu.memref_squeeze %dma_start3A_590 : memref<1x104x128xf32, #tpu.memory_space<vmem>> -> memref<104x128xf32, #tpu.memory_space<vmem>>
        %dma_start3A_592 = arith.constant 0 : i32
        %dma_start3A_593 = tpu.memref_slice %arg6[%dma_start3A_585, %dma_start3A_592] : memref<6x104xi32, #tpu.memory_space<vmem>> -> memref<1x104xi32, #tpu.memory_space<vmem>>
        %dma_start3A_594 = tpu.memref_squeeze %dma_start3A_593 : memref<1x104xi32, #tpu.memory_space<vmem>> -> memref<104xi32, #tpu.memory_space<vmem>>
        %dma_start3A_595 = arith.constant 0 : i32
        %dma_start3A_596 = arith.constant 0 : i32
        %dma_start3A_597 = tpu.memref_slice %arg2[%dma_start3A_595, %dma_start3A_596] : memref<10112x128xf32, #tpu.memory_space<hbm>> -> memref<10112x128xf32, #tpu.memory_space<hbm>>
        %dma_start3A_598 = tpu.memref_slice %arg12[%dma_start3A_587] : memref<3x!tpu.dma_semaphore, #tpu.memory_space<semaphore_mem>> -> memref<1x!tpu.dma_semaphore, #tpu.memory_space<semaphore_mem>>
        %dma_start3A_599 = tpu.memref_squeeze %dma_start3A_598 : memref<1x!tpu.dma_semaphore, #tpu.memory_space<semaphore_mem>> -> memref<!tpu.dma_semaphore, #tpu.memory_space<semaphore_mem>>
        tpu.enqueue_indirect_dma source(%dma_start3A_597 : memref<10112x128xf32, #tpu.memory_space<hbm>>) target(%dma_start3A_591 : memref<104x128xf32, #tpu.memory_space<vmem>>) offsets(%dma_start3A_594 : memref<104xi32, #tpu.memory_space<vmem>>) semaphore(%dma_start3A_599 : memref<!tpu.dma_semaphore, #tpu.memory_space<semaphore_mem>>)
      } else {
      }
      %add3A_432 = arith.constant 3 : i32
      %add3A_433 = arith.addi %add3A_293, %add3A_432 : i32
      %dma_wait3A_434 = arith.constant 3 : i32
      %dma_wait3A_435 = arith.constant 0 : i32
      %dma_wait3A_436 = arith.constant 0 : i32
      %dma_wait3A_437 = arith.constant 0 : i32
      %dma_wait3A_438 = arith.constant 0 : i32
      %dma_wait3A_439 = tpu.memref_slice %arg8[%dma_wait3A_435, %dma_wait3A_437, %dma_wait3A_438] : memref<3x104x128xf32, #tpu.memory_space<vmem>> -> memref<1x104x128xf32, #tpu.memory_space<vmem>>
      %dma_wait3A_440 = tpu.memref_squeeze %dma_wait3A_439 : memref<1x104x128xf32, #tpu.memory_space<vmem>> -> memref<104x128xf32, #tpu.memory_space<vmem>>
      %dma_wait3A_441 = arith.constant 0 : i32
      %dma_wait3A_442 = tpu.memref_slice %arg6[%dma_wait3A_434, %dma_wait3A_441] : memref<6x104xi32, #tpu.memory_space<vmem>> -> memref<1x104xi32, #tpu.memory_space<vmem>>
      %dma_wait3A_443 = tpu.memref_squeeze %dma_wait3A_442 : memref<1x104xi32, #tpu.memory_space<vmem>> -> memref<104xi32, #tpu.memory_space<vmem>>
      %dma_wait3A_444 = arith.constant 0 : i32
      %dma_wait3A_445 = arith.constant 0 : i32
      %dma_wait3A_446 = tpu.memref_slice %arg2[%dma_wait3A_444, %dma_wait3A_445] : memref<10112x128xf32, #tpu.memory_space<hbm>> -> memref<10112x128xf32, #tpu.memory_space<hbm>>
      %dma_wait3A_447 = tpu.memref_slice %arg12[%dma_wait3A_436] : memref<3x!tpu.dma_semaphore, #tpu.memory_space<semaphore_mem>> -> memref<1x!tpu.dma_semaphore, #tpu.memory_space<semaphore_mem>>
      %dma_wait3A_448 = tpu.memref_squeeze %dma_wait3A_447 : memref<1x!tpu.dma_semaphore, #tpu.memory_space<semaphore_mem>> -> memref<!tpu.dma_semaphore, #tpu.memory_space<semaphore_mem>>
      tpu.wait_indirect_dma semaphore(%dma_wait3A_448 : memref<!tpu.dma_semaphore, #tpu.memory_space<semaphore_mem>>) src(%dma_wait3A_446 : memref<10112x128xf32, #tpu.memory_space<hbm>>) dst(%dma_wait3A_440 : memref<104x128xf32, #tpu.memory_space<vmem>>)
      %add3A_449 = arith.constant 320000 : i32
      %add3A_450 = arith.addi %add3A_449, %mul3A_4 : i32
      %dma_wait3A_451 = arith.constant 3 : i32
      %dma_wait3A_452 = arith.constant 3 : i32
      %dma_wait3A_453 = arith.constant 0 : i32
      %dma_wait3A_454 = tpu.memref_slice %arg7[%dma_wait3A_451, %dma_wait3A_453] : memref<6x104xi32, #tpu.memory_space<vmem>> -> memref<1x104xi32, #tpu.memory_space<vmem>>
      %dma_wait3A_455 = tpu.memref_squeeze %dma_wait3A_454 : memref<1x104xi32, #tpu.memory_space<vmem>> -> memref<104xi32, #tpu.memory_space<vmem>>
      %dma_wait3A_456 = tpu.memref_slice %arg3[%add3A_450] : memref<640000xi32, #tpu.memory_space<hbm>> -> memref<104xi32, #tpu.memory_space<hbm>>
      %dma_wait3A_457 = tpu.memref_slice %arg14[%dma_wait3A_452] : memref<6x!tpu.dma_semaphore, #tpu.memory_space<semaphore_mem>> -> memref<1x!tpu.dma_semaphore, #tpu.memory_space<semaphore_mem>>
      %dma_wait3A_458 = tpu.memref_squeeze %dma_wait3A_457 : memref<1x!tpu.dma_semaphore, #tpu.memory_space<semaphore_mem>> -> memref<!tpu.dma_semaphore, #tpu.memory_space<semaphore_mem>>
      %dma_wait3A_459 = arith.constant 0 : i32
      %dma_wait3A_460 = tpu.memref_slice %arg7[%dma_wait3A_451, %dma_wait3A_459] : memref<6x104xi32, #tpu.memory_space<vmem>> -> memref<1x104xi32, #tpu.memory_space<vmem>>
      %dma_wait3A_461 = tpu.memref_squeeze %dma_wait3A_460 : memref<1x104xi32, #tpu.memory_space<vmem>> -> memref<104xi32, #tpu.memory_space<vmem>>
      %dma_wait3A_462 = tpu.memref_slice %arg3[%add3A_450] : memref<640000xi32, #tpu.memory_space<hbm>> -> memref<104xi32, #tpu.memory_space<hbm>>
      tpu.wait_dma2 semaphore(%dma_wait3A_458 : memref<!tpu.dma_semaphore, #tpu.memory_space<semaphore_mem>>) src(%dma_wait3A_462 : memref<104xi32, #tpu.memory_space<hbm>>) dst(%dma_wait3A_461 : memref<104xi32, #tpu.memory_space<vmem>>)
      %run_scoped3A_463 = arith.constant 0 : i32
      %run_scoped3A_464 = arith.constant 3 : i32
      "tpu.region"() ({
        %run_scoped3A_573 = tpu.sem_alloc : memref<!tpu.dma_semaphore, #tpu.memory_space<semaphore_mem>>
        %dma_start3A_574 = arith.constant 0 : i32
        %dma_start3A_575 = arith.constant 0 : i32
        %dma_start3A_576 = tpu.memref_slice %arg8[%run_scoped3A_463, %dma_start3A_574, %dma_start3A_575] : memref<3x104x128xf32, #tpu.memory_space<vmem>> -> memref<1x104x128xf32, #tpu.memory_space<vmem>>
        %dma_start3A_577 = tpu.memref_squeeze %dma_start3A_576 : memref<1x104x128xf32, #tpu.memory_space<vmem>> -> memref<104x128xf32, #tpu.memory_space<vmem>>
        %dma_start3A_578 = arith.constant 0 : i32
        %dma_start3A_579 = tpu.memref_slice %arg7[%run_scoped3A_464, %dma_start3A_578] : memref<6x104xi32, #tpu.memory_space<vmem>> -> memref<1x104xi32, #tpu.memory_space<vmem>>
        %dma_start3A_580 = tpu.memref_squeeze %dma_start3A_579 : memref<1x104xi32, #tpu.memory_space<vmem>> -> memref<104xi32, #tpu.memory_space<vmem>>
        %dma_start3A_581 = arith.constant 0 : i32
        %dma_start3A_582 = arith.constant 0 : i32
        %dma_start3A_583 = tpu.memref_slice %arg5[%dma_start3A_581, %dma_start3A_582] : memref<10112x128xf32, #tpu.memory_space<vmem_shared>> -> memref<10112x128xf32, #tpu.memory_space<vmem_shared>>
        tpu.enqueue_indirect_dma source(%dma_start3A_577 : memref<104x128xf32, #tpu.memory_space<vmem>>) target(%dma_start3A_583 : memref<10112x128xf32, #tpu.memory_space<vmem_shared>>) offsets(%dma_start3A_580 : memref<104xi32, #tpu.memory_space<vmem>>) semaphore(%run_scoped3A_573 : memref<!tpu.dma_semaphore, #tpu.memory_space<semaphore_mem>>) {add = true}
        %dma_wait3A_584 = arith.constant 0 : i32
        %dma_wait3A_585 = arith.constant 0 : i32
        %dma_wait3A_586 = tpu.memref_slice %arg8[%run_scoped3A_463, %dma_wait3A_584, %dma_wait3A_585] : memref<3x104x128xf32, #tpu.memory_space<vmem>> -> memref<1x104x128xf32, #tpu.memory_space<vmem>>
        %dma_wait3A_587 = tpu.memref_squeeze %dma_wait3A_586 : memref<1x104x128xf32, #tpu.memory_space<vmem>> -> memref<104x128xf32, #tpu.memory_space<vmem>>
        %dma_wait3A_588 = arith.constant 0 : i32
        %dma_wait3A_589 = tpu.memref_slice %arg7[%run_scoped3A_464, %dma_wait3A_588] : memref<6x104xi32, #tpu.memory_space<vmem>> -> memref<1x104xi32, #tpu.memory_space<vmem>>
        %dma_wait3A_590 = tpu.memref_squeeze %dma_wait3A_589 : memref<1x104xi32, #tpu.memory_space<vmem>> -> memref<104xi32, #tpu.memory_space<vmem>>
        %dma_wait3A_591 = arith.constant 0 : i32
        %dma_wait3A_592 = arith.constant 0 : i32
        %dma_wait3A_593 = tpu.memref_slice %arg5[%dma_wait3A_591, %dma_wait3A_592] : memref<10112x128xf32, #tpu.memory_space<vmem_shared>> -> memref<10112x128xf32, #tpu.memory_space<vmem_shared>>
        tpu.wait_indirect_dma semaphore(%run_scoped3A_573 : memref<!tpu.dma_semaphore, #tpu.memory_space<semaphore_mem>>) src(%dma_wait3A_587 : memref<104x128xf32, #tpu.memory_space<vmem>>) dst(%dma_wait3A_593 : memref<10112x128xf32, #tpu.memory_space<vmem_shared>>)
        tpu.yield
      }) : () -> ()
      %add3A_465 = arith.constant 6 : i32
      %add3A_466 = arith.addi %add3A_433, %add3A_465 : i32
      %lt3A_467 = arith.constant 96 : i32
      %lt3A_468 = arith.cmpi slt, %add3A_466, %lt3A_467 : i32
      %convert_element_type3A_469 = arith.extui %lt3A_468 : i1 to i32
      %cond3A_470 = arith.constant 0 : i32
      %cond3A_471 = arith.cmpi ne, %convert_element_type3A_469, %cond3A_470 : i32
      scf.if %cond3A_471 {
        %add3A_573 = arith.constant 6 : i32
        %add3A_574 = arith.addi %add3A_433, %add3A_573 : i32
        %mul3A_575 = arith.constant 104 : i32
        %mul3A_576 = arith.muli %add3A_574, %mul3A_575 : i32
        %add3A_577 = arith.addi %mul3A_4, %mul3A_576 : i32
        %dma_start3A_578 = arith.constant 3 : i32
        %dma_start3A_579 = arith.constant 3 : i32
        %dma_start3A_580 = arith.constant 0 : i32
        %dma_start3A_581 = tpu.memref_slice %arg6[%dma_start3A_578, %dma_start3A_580] : memref<6x104xi32, #tpu.memory_space<vmem>> -> memref<1x104xi32, #tpu.memory_space<vmem>>
        %dma_start3A_582 = tpu.memref_squeeze %dma_start3A_581 : memref<1x104xi32, #tpu.memory_space<vmem>> -> memref<104xi32, #tpu.memory_space<vmem>>
        %dma_start3A_583 = tpu.memref_slice %arg3[%add3A_577] : memref<640000xi32, #tpu.memory_space<hbm>> -> memref<104xi32, #tpu.memory_space<hbm>>
        %dma_start3A_584 = tpu.memref_slice %arg13[%dma_start3A_579] : memref<6x!tpu.dma_semaphore, #tpu.memory_space<semaphore_mem>> -> memref<1x!tpu.dma_semaphore, #tpu.memory_space<semaphore_mem>>
        %dma_start3A_585 = tpu.memref_squeeze %dma_start3A_584 : memref<1x!tpu.dma_semaphore, #tpu.memory_space<semaphore_mem>> -> memref<!tpu.dma_semaphore, #tpu.memory_space<semaphore_mem>>
        %dma_start3A_586 = arith.constant 0 : i32
        %dma_start3A_587 = tpu.memref_slice %arg6[%dma_start3A_578, %dma_start3A_586] : memref<6x104xi32, #tpu.memory_space<vmem>> -> memref<1x104xi32, #tpu.memory_space<vmem>>
        %dma_start3A_588 = tpu.memref_squeeze %dma_start3A_587 : memref<1x104xi32, #tpu.memory_space<vmem>> -> memref<104xi32, #tpu.memory_space<vmem>>
        %dma_start3A_589 = tpu.memref_slice %arg3[%add3A_577] : memref<640000xi32, #tpu.memory_space<hbm>> -> memref<104xi32, #tpu.memory_space<hbm>>
        tpu.enqueue_dma source(%dma_start3A_589 : memref<104xi32, #tpu.memory_space<hbm>>) target(%dma_start3A_588 : memref<104xi32, #tpu.memory_space<vmem>>) target_semaphore(%dma_start3A_585 : memref<!tpu.dma_semaphore, #tpu.memory_space<semaphore_mem>>)
        %add3A_590 = arith.constant 320000 : i32
        %add3A_591 = arith.addi %add3A_590, %mul3A_4 : i32
        %add3A_592 = arith.constant 6 : i32
        %add3A_593 = arith.addi %add3A_433, %add3A_592 : i32
        %mul3A_594 = arith.constant 104 : i32
        %mul3A_595 = arith.muli %add3A_593, %mul3A_594 : i32
        %add3A_596 = arith.addi %add3A_591, %mul3A_595 : i32
        %dma_start3A_597 = arith.constant 3 : i32
        %dma_start3A_598 = arith.constant 3 : i32
        %dma_start3A_599 = arith.constant 0 : i32
        %dma_start3A_600 = tpu.memref_slice %arg7[%dma_start3A_597, %dma_start3A_599] : memref<6x104xi32, #tpu.memory_space<vmem>> -> memref<1x104xi32, #tpu.memory_space<vmem>>
        %dma_start3A_601 = tpu.memref_squeeze %dma_start3A_600 : memref<1x104xi32, #tpu.memory_space<vmem>> -> memref<104xi32, #tpu.memory_space<vmem>>
        %dma_start3A_602 = tpu.memref_slice %arg3[%add3A_596] : memref<640000xi32, #tpu.memory_space<hbm>> -> memref<104xi32, #tpu.memory_space<hbm>>
        %dma_start3A_603 = tpu.memref_slice %arg14[%dma_start3A_598] : memref<6x!tpu.dma_semaphore, #tpu.memory_space<semaphore_mem>> -> memref<1x!tpu.dma_semaphore, #tpu.memory_space<semaphore_mem>>
        %dma_start3A_604 = tpu.memref_squeeze %dma_start3A_603 : memref<1x!tpu.dma_semaphore, #tpu.memory_space<semaphore_mem>> -> memref<!tpu.dma_semaphore, #tpu.memory_space<semaphore_mem>>
        %dma_start3A_605 = arith.constant 0 : i32
        %dma_start3A_606 = tpu.memref_slice %arg7[%dma_start3A_597, %dma_start3A_605] : memref<6x104xi32, #tpu.memory_space<vmem>> -> memref<1x104xi32, #tpu.memory_space<vmem>>
        %dma_start3A_607 = tpu.memref_squeeze %dma_start3A_606 : memref<1x104xi32, #tpu.memory_space<vmem>> -> memref<104xi32, #tpu.memory_space<vmem>>
        %dma_start3A_608 = tpu.memref_slice %arg3[%add3A_596] : memref<640000xi32, #tpu.memory_space<hbm>> -> memref<104xi32, #tpu.memory_space<hbm>>
        tpu.enqueue_dma source(%dma_start3A_608 : memref<104xi32, #tpu.memory_space<hbm>>) target(%dma_start3A_607 : memref<104xi32, #tpu.memory_space<vmem>>) target_semaphore(%dma_start3A_604 : memref<!tpu.dma_semaphore, #tpu.memory_space<semaphore_mem>>)
      } else {
      }
      %add3A_472 = arith.constant 3 : i32
      %add3A_473 = arith.addi %add3A_433, %add3A_472 : i32
      %lt3A_474 = arith.constant 96 : i32
      %lt3A_475 = arith.cmpi slt, %add3A_473, %lt3A_474 : i32
      %convert_element_type3A_476 = arith.extui %lt3A_475 : i1 to i32
      %cond3A_477 = arith.constant 0 : i32
      %cond3A_478 = arith.cmpi ne, %convert_element_type3A_476, %cond3A_477 : i32
      scf.if %cond3A_478 {
        %dma_wait3A_573 = arith.constant 0 : i32
        %dma_wait3A_574 = arith.constant 0 : i32
        %dma_wait3A_575 = arith.constant 0 : i32
        %dma_wait3A_576 = tpu.memref_slice %arg6[%dma_wait3A_573, %dma_wait3A_575] : memref<6x104xi32, #tpu.memory_space<vmem>> -> memref<1x104xi32, #tpu.memory_space<vmem>>
        %dma_wait3A_577 = tpu.memref_squeeze %dma_wait3A_576 : memref<1x104xi32, #tpu.memory_space<vmem>> -> memref<104xi32, #tpu.memory_space<vmem>>
        %dma_wait3A_578 = tpu.memref_slice %arg3[%mul3A_4] : memref<640000xi32, #tpu.memory_space<hbm>> -> memref<104xi32, #tpu.memory_space<hbm>>
        %dma_wait3A_579 = tpu.memref_slice %arg13[%dma_wait3A_574] : memref<6x!tpu.dma_semaphore, #tpu.memory_space<semaphore_mem>> -> memref<1x!tpu.dma_semaphore, #tpu.memory_space<semaphore_mem>>
        %dma_wait3A_580 = tpu.memref_squeeze %dma_wait3A_579 : memref<1x!tpu.dma_semaphore, #tpu.memory_space<semaphore_mem>> -> memref<!tpu.dma_semaphore, #tpu.memory_space<semaphore_mem>>
        %dma_wait3A_581 = arith.constant 0 : i32
        %dma_wait3A_582 = tpu.memref_slice %arg6[%dma_wait3A_573, %dma_wait3A_581] : memref<6x104xi32, #tpu.memory_space<vmem>> -> memref<1x104xi32, #tpu.memory_space<vmem>>
        %dma_wait3A_583 = tpu.memref_squeeze %dma_wait3A_582 : memref<1x104xi32, #tpu.memory_space<vmem>> -> memref<104xi32, #tpu.memory_space<vmem>>
        %dma_wait3A_584 = tpu.memref_slice %arg3[%mul3A_4] : memref<640000xi32, #tpu.memory_space<hbm>> -> memref<104xi32, #tpu.memory_space<hbm>>
        tpu.wait_dma2 semaphore(%dma_wait3A_580 : memref<!tpu.dma_semaphore, #tpu.memory_space<semaphore_mem>>) src(%dma_wait3A_584 : memref<104xi32, #tpu.memory_space<hbm>>) dst(%dma_wait3A_583 : memref<104xi32, #tpu.memory_space<vmem>>)
        %dma_start3A_585 = arith.constant 0 : i32
        %dma_start3A_586 = arith.constant 0 : i32
        %dma_start3A_587 = arith.constant 0 : i32
        %dma_start3A_588 = arith.constant 0 : i32
        %dma_start3A_589 = arith.constant 0 : i32
        %dma_start3A_590 = tpu.memref_slice %arg8[%dma_start3A_586, %dma_start3A_588, %dma_start3A_589] : memref<3x104x128xf32, #tpu.memory_space<vmem>> -> memref<1x104x128xf32, #tpu.memory_space<vmem>>
        %dma_start3A_591 = tpu.memref_squeeze %dma_start3A_590 : memref<1x104x128xf32, #tpu.memory_space<vmem>> -> memref<104x128xf32, #tpu.memory_space<vmem>>
        %dma_start3A_592 = arith.constant 0 : i32
        %dma_start3A_593 = tpu.memref_slice %arg6[%dma_start3A_585, %dma_start3A_592] : memref<6x104xi32, #tpu.memory_space<vmem>> -> memref<1x104xi32, #tpu.memory_space<vmem>>
        %dma_start3A_594 = tpu.memref_squeeze %dma_start3A_593 : memref<1x104xi32, #tpu.memory_space<vmem>> -> memref<104xi32, #tpu.memory_space<vmem>>
        %dma_start3A_595 = arith.constant 0 : i32
        %dma_start3A_596 = arith.constant 0 : i32
        %dma_start3A_597 = tpu.memref_slice %arg2[%dma_start3A_595, %dma_start3A_596] : memref<10112x128xf32, #tpu.memory_space<hbm>> -> memref<10112x128xf32, #tpu.memory_space<hbm>>
        %dma_start3A_598 = tpu.memref_slice %arg12[%dma_start3A_587] : memref<3x!tpu.dma_semaphore, #tpu.memory_space<semaphore_mem>> -> memref<1x!tpu.dma_semaphore, #tpu.memory_space<semaphore_mem>>
        %dma_start3A_599 = tpu.memref_squeeze %dma_start3A_598 : memref<1x!tpu.dma_semaphore, #tpu.memory_space<semaphore_mem>> -> memref<!tpu.dma_semaphore, #tpu.memory_space<semaphore_mem>>
        tpu.enqueue_indirect_dma source(%dma_start3A_597 : memref<10112x128xf32, #tpu.memory_space<hbm>>) target(%dma_start3A_591 : memref<104x128xf32, #tpu.memory_space<vmem>>) offsets(%dma_start3A_594 : memref<104xi32, #tpu.memory_space<vmem>>) semaphore(%dma_start3A_599 : memref<!tpu.dma_semaphore, #tpu.memory_space<semaphore_mem>>)
      } else {
      }
      %add3A_479 = arith.constant 4 : i32
      %add3A_480 = arith.addi %add3A_293, %add3A_479 : i32
      %dma_wait3A_481 = arith.constant 4 : i32
      %dma_wait3A_482 = arith.constant 1 : i32
      %dma_wait3A_483 = arith.constant 1 : i32
      %dma_wait3A_484 = arith.constant 0 : i32
      %dma_wait3A_485 = arith.constant 0 : i32
      %dma_wait3A_486 = tpu.memref_slice %arg8[%dma_wait3A_482, %dma_wait3A_484, %dma_wait3A_485] : memref<3x104x128xf32, #tpu.memory_space<vmem>> -> memref<1x104x128xf32, #tpu.memory_space<vmem>>
      %dma_wait3A_487 = tpu.memref_squeeze %dma_wait3A_486 : memref<1x104x128xf32, #tpu.memory_space<vmem>> -> memref<104x128xf32, #tpu.memory_space<vmem>>
      %dma_wait3A_488 = arith.constant 0 : i32
      %dma_wait3A_489 = tpu.memref_slice %arg6[%dma_wait3A_481, %dma_wait3A_488] : memref<6x104xi32, #tpu.memory_space<vmem>> -> memref<1x104xi32, #tpu.memory_space<vmem>>
      %dma_wait3A_490 = tpu.memref_squeeze %dma_wait3A_489 : memref<1x104xi32, #tpu.memory_space<vmem>> -> memref<104xi32, #tpu.memory_space<vmem>>
      %dma_wait3A_491 = arith.constant 0 : i32
      %dma_wait3A_492 = arith.constant 0 : i32
      %dma_wait3A_493 = tpu.memref_slice %arg2[%dma_wait3A_491, %dma_wait3A_492] : memref<10112x128xf32, #tpu.memory_space<hbm>> -> memref<10112x128xf32, #tpu.memory_space<hbm>>
      %dma_wait3A_494 = tpu.memref_slice %arg12[%dma_wait3A_483] : memref<3x!tpu.dma_semaphore, #tpu.memory_space<semaphore_mem>> -> memref<1x!tpu.dma_semaphore, #tpu.memory_space<semaphore_mem>>
      %dma_wait3A_495 = tpu.memref_squeeze %dma_wait3A_494 : memref<1x!tpu.dma_semaphore, #tpu.memory_space<semaphore_mem>> -> memref<!tpu.dma_semaphore, #tpu.memory_space<semaphore_mem>>
      tpu.wait_indirect_dma semaphore(%dma_wait3A_495 : memref<!tpu.dma_semaphore, #tpu.memory_space<semaphore_mem>>) src(%dma_wait3A_493 : memref<10112x128xf32, #tpu.memory_space<hbm>>) dst(%dma_wait3A_487 : memref<104x128xf32, #tpu.memory_space<vmem>>)
      %add3A_496 = arith.constant 320000 : i32
      %add3A_497 = arith.addi %add3A_496, %mul3A_4 : i32
      %dma_wait3A_498 = arith.constant 4 : i32
      %dma_wait3A_499 = arith.constant 4 : i32
      %dma_wait3A_500 = arith.constant 0 : i32
      %dma_wait3A_501 = tpu.memref_slice %arg7[%dma_wait3A_498, %dma_wait3A_500] : memref<6x104xi32, #tpu.memory_space<vmem>> -> memref<1x104xi32, #tpu.memory_space<vmem>>
      %dma_wait3A_502 = tpu.memref_squeeze %dma_wait3A_501 : memref<1x104xi32, #tpu.memory_space<vmem>> -> memref<104xi32, #tpu.memory_space<vmem>>
      %dma_wait3A_503 = tpu.memref_slice %arg3[%add3A_497] : memref<640000xi32, #tpu.memory_space<hbm>> -> memref<104xi32, #tpu.memory_space<hbm>>
      %dma_wait3A_504 = tpu.memref_slice %arg14[%dma_wait3A_499] : memref<6x!tpu.dma_semaphore, #tpu.memory_space<semaphore_mem>> -> memref<1x!tpu.dma_semaphore, #tpu.memory_space<semaphore_mem>>
      %dma_wait3A_505 = tpu.memref_squeeze %dma_wait3A_504 : memref<1x!tpu.dma_semaphore, #tpu.memory_space<semaphore_mem>> -> memref<!tpu.dma_semaphore, #tpu.memory_space<semaphore_mem>>
      %dma_wait3A_506 = arith.constant 0 : i32
      %dma_wait3A_507 = tpu.memref_slice %arg7[%dma_wait3A_498, %dma_wait3A_506] : memref<6x104xi32, #tpu.memory_space<vmem>> -> memref<1x104xi32, #tpu.memory_space<vmem>>
      %dma_wait3A_508 = tpu.memref_squeeze %dma_wait3A_507 : memref<1x104xi32, #tpu.memory_space<vmem>> -> memref<104xi32, #tpu.memory_space<vmem>>
      %dma_wait3A_509 = tpu.memref_slice %arg3[%add3A_497] : memref<640000xi32, #tpu.memory_space<hbm>> -> memref<104xi32, #tpu.memory_space<hbm>>
      tpu.wait_dma2 semaphore(%dma_wait3A_505 : memref<!tpu.dma_semaphore, #tpu.memory_space<semaphore_mem>>) src(%dma_wait3A_509 : memref<104xi32, #tpu.memory_space<hbm>>) dst(%dma_wait3A_508 : memref<104xi32, #tpu.memory_space<vmem>>)
      %run_scoped3A_510 = arith.constant 1 : i32
      %run_scoped3A_511 = arith.constant 4 : i32
      "tpu.region"() ({
        %run_scoped3A_573 = tpu.sem_alloc : memref<!tpu.dma_semaphore, #tpu.memory_space<semaphore_mem>>
        %dma_start3A_574 = arith.constant 0 : i32
        %dma_start3A_575 = arith.constant 0 : i32
        %dma_start3A_576 = tpu.memref_slice %arg8[%run_scoped3A_510, %dma_start3A_574, %dma_start3A_575] : memref<3x104x128xf32, #tpu.memory_space<vmem>> -> memref<1x104x128xf32, #tpu.memory_space<vmem>>
        %dma_start3A_577 = tpu.memref_squeeze %dma_start3A_576 : memref<1x104x128xf32, #tpu.memory_space<vmem>> -> memref<104x128xf32, #tpu.memory_space<vmem>>
        %dma_start3A_578 = arith.constant 0 : i32
        %dma_start3A_579 = tpu.memref_slice %arg7[%run_scoped3A_511, %dma_start3A_578] : memref<6x104xi32, #tpu.memory_space<vmem>> -> memref<1x104xi32, #tpu.memory_space<vmem>>
        %dma_start3A_580 = tpu.memref_squeeze %dma_start3A_579 : memref<1x104xi32, #tpu.memory_space<vmem>> -> memref<104xi32, #tpu.memory_space<vmem>>
        %dma_start3A_581 = arith.constant 0 : i32
        %dma_start3A_582 = arith.constant 0 : i32
        %dma_start3A_583 = tpu.memref_slice %arg5[%dma_start3A_581, %dma_start3A_582] : memref<10112x128xf32, #tpu.memory_space<vmem_shared>> -> memref<10112x128xf32, #tpu.memory_space<vmem_shared>>
        tpu.enqueue_indirect_dma source(%dma_start3A_577 : memref<104x128xf32, #tpu.memory_space<vmem>>) target(%dma_start3A_583 : memref<10112x128xf32, #tpu.memory_space<vmem_shared>>) offsets(%dma_start3A_580 : memref<104xi32, #tpu.memory_space<vmem>>) semaphore(%run_scoped3A_573 : memref<!tpu.dma_semaphore, #tpu.memory_space<semaphore_mem>>) {add = true}
        %dma_wait3A_584 = arith.constant 0 : i32
        %dma_wait3A_585 = arith.constant 0 : i32
        %dma_wait3A_586 = tpu.memref_slice %arg8[%run_scoped3A_510, %dma_wait3A_584, %dma_wait3A_585] : memref<3x104x128xf32, #tpu.memory_space<vmem>> -> memref<1x104x128xf32, #tpu.memory_space<vmem>>
        %dma_wait3A_587 = tpu.memref_squeeze %dma_wait3A_586 : memref<1x104x128xf32, #tpu.memory_space<vmem>> -> memref<104x128xf32, #tpu.memory_space<vmem>>
        %dma_wait3A_588 = arith.constant 0 : i32
        %dma_wait3A_589 = tpu.memref_slice %arg7[%run_scoped3A_511, %dma_wait3A_588] : memref<6x104xi32, #tpu.memory_space<vmem>> -> memref<1x104xi32, #tpu.memory_space<vmem>>
        %dma_wait3A_590 = tpu.memref_squeeze %dma_wait3A_589 : memref<1x104xi32, #tpu.memory_space<vmem>> -> memref<104xi32, #tpu.memory_space<vmem>>
        %dma_wait3A_591 = arith.constant 0 : i32
        %dma_wait3A_592 = arith.constant 0 : i32
        %dma_wait3A_593 = tpu.memref_slice %arg5[%dma_wait3A_591, %dma_wait3A_592] : memref<10112x128xf32, #tpu.memory_space<vmem_shared>> -> memref<10112x128xf32, #tpu.memory_space<vmem_shared>>
        tpu.wait_indirect_dma semaphore(%run_scoped3A_573 : memref<!tpu.dma_semaphore, #tpu.memory_space<semaphore_mem>>) src(%dma_wait3A_587 : memref<104x128xf32, #tpu.memory_space<vmem>>) dst(%dma_wait3A_593 : memref<10112x128xf32, #tpu.memory_space<vmem_shared>>)
        tpu.yield
      }) : () -> ()
      %add3A_512 = arith.constant 6 : i32
      %add3A_513 = arith.addi %add3A_480, %add3A_512 : i32
      %lt3A_514 = arith.constant 96 : i32
      %lt3A_515 = arith.cmpi slt, %add3A_513, %lt3A_514 : i32
      %convert_element_type3A_516 = arith.extui %lt3A_515 : i1 to i32
      %cond3A_517 = arith.constant 0 : i32
      %cond3A_518 = arith.cmpi ne, %convert_element_type3A_516, %cond3A_517 : i32
      scf.if %cond3A_518 {
        %add3A_573 = arith.constant 6 : i32
        %add3A_574 = arith.addi %add3A_480, %add3A_573 : i32
        %mul3A_575 = arith.constant 104 : i32
        %mul3A_576 = arith.muli %add3A_574, %mul3A_575 : i32
        %add3A_577 = arith.addi %mul3A_4, %mul3A_576 : i32
        %dma_start3A_578 = arith.constant 4 : i32
        %dma_start3A_579 = arith.constant 4 : i32
        %dma_start3A_580 = arith.constant 0 : i32
        %dma_start3A_581 = tpu.memref_slice %arg6[%dma_start3A_578, %dma_start3A_580] : memref<6x104xi32, #tpu.memory_space<vmem>> -> memref<1x104xi32, #tpu.memory_space<vmem>>
        %dma_start3A_582 = tpu.memref_squeeze %dma_start3A_581 : memref<1x104xi32, #tpu.memory_space<vmem>> -> memref<104xi32, #tpu.memory_space<vmem>>
        %dma_start3A_583 = tpu.memref_slice %arg3[%add3A_577] : memref<640000xi32, #tpu.memory_space<hbm>> -> memref<104xi32, #tpu.memory_space<hbm>>
        %dma_start3A_584 = tpu.memref_slice %arg13[%dma_start3A_579] : memref<6x!tpu.dma_semaphore, #tpu.memory_space<semaphore_mem>> -> memref<1x!tpu.dma_semaphore, #tpu.memory_space<semaphore_mem>>
        %dma_start3A_585 = tpu.memref_squeeze %dma_start3A_584 : memref<1x!tpu.dma_semaphore, #tpu.memory_space<semaphore_mem>> -> memref<!tpu.dma_semaphore, #tpu.memory_space<semaphore_mem>>
        %dma_start3A_586 = arith.constant 0 : i32
        %dma_start3A_587 = tpu.memref_slice %arg6[%dma_start3A_578, %dma_start3A_586] : memref<6x104xi32, #tpu.memory_space<vmem>> -> memref<1x104xi32, #tpu.memory_space<vmem>>
        %dma_start3A_588 = tpu.memref_squeeze %dma_start3A_587 : memref<1x104xi32, #tpu.memory_space<vmem>> -> memref<104xi32, #tpu.memory_space<vmem>>
        %dma_start3A_589 = tpu.memref_slice %arg3[%add3A_577] : memref<640000xi32, #tpu.memory_space<hbm>> -> memref<104xi32, #tpu.memory_space<hbm>>
        tpu.enqueue_dma source(%dma_start3A_589 : memref<104xi32, #tpu.memory_space<hbm>>) target(%dma_start3A_588 : memref<104xi32, #tpu.memory_space<vmem>>) target_semaphore(%dma_start3A_585 : memref<!tpu.dma_semaphore, #tpu.memory_space<semaphore_mem>>)
        %add3A_590 = arith.constant 320000 : i32
        %add3A_591 = arith.addi %add3A_590, %mul3A_4 : i32
        %add3A_592 = arith.constant 6 : i32
        %add3A_593 = arith.addi %add3A_480, %add3A_592 : i32
        %mul3A_594 = arith.constant 104 : i32
        %mul3A_595 = arith.muli %add3A_593, %mul3A_594 : i32
        %add3A_596 = arith.addi %add3A_591, %mul3A_595 : i32
        %dma_start3A_597 = arith.constant 4 : i32
        %dma_start3A_598 = arith.constant 4 : i32
        %dma_start3A_599 = arith.constant 0 : i32
        %dma_start3A_600 = tpu.memref_slice %arg7[%dma_start3A_597, %dma_start3A_599] : memref<6x104xi32, #tpu.memory_space<vmem>> -> memref<1x104xi32, #tpu.memory_space<vmem>>
        %dma_start3A_601 = tpu.memref_squeeze %dma_start3A_600 : memref<1x104xi32, #tpu.memory_space<vmem>> -> memref<104xi32, #tpu.memory_space<vmem>>
        %dma_start3A_602 = tpu.memref_slice %arg3[%add3A_596] : memref<640000xi32, #tpu.memory_space<hbm>> -> memref<104xi32, #tpu.memory_space<hbm>>
        %dma_start3A_603 = tpu.memref_slice %arg14[%dma_start3A_598] : memref<6x!tpu.dma_semaphore, #tpu.memory_space<semaphore_mem>> -> memref<1x!tpu.dma_semaphore, #tpu.memory_space<semaphore_mem>>
        %dma_start3A_604 = tpu.memref_squeeze %dma_start3A_603 : memref<1x!tpu.dma_semaphore, #tpu.memory_space<semaphore_mem>> -> memref<!tpu.dma_semaphore, #tpu.memory_space<semaphore_mem>>
        %dma_start3A_605 = arith.constant 0 : i32
        %dma_start3A_606 = tpu.memref_slice %arg7[%dma_start3A_597, %dma_start3A_605] : memref<6x104xi32, #tpu.memory_space<vmem>> -> memref<1x104xi32, #tpu.memory_space<vmem>>
        %dma_start3A_607 = tpu.memref_squeeze %dma_start3A_606 : memref<1x104xi32, #tpu.memory_space<vmem>> -> memref<104xi32, #tpu.memory_space<vmem>>
        %dma_start3A_608 = tpu.memref_slice %arg3[%add3A_596] : memref<640000xi32, #tpu.memory_space<hbm>> -> memref<104xi32, #tpu.memory_space<hbm>>
        tpu.enqueue_dma source(%dma_start3A_608 : memref<104xi32, #tpu.memory_space<hbm>>) target(%dma_start3A_607 : memref<104xi32, #tpu.memory_space<vmem>>) target_semaphore(%dma_start3A_604 : memref<!tpu.dma_semaphore, #tpu.memory_space<semaphore_mem>>)
      } else {
      }
      %add3A_519 = arith.constant 3 : i32
      %add3A_520 = arith.addi %add3A_480, %add3A_519 : i32
      %lt3A_521 = arith.constant 96 : i32
      %lt3A_522 = arith.cmpi slt, %add3A_520, %lt3A_521 : i32
      %convert_element_type3A_523 = arith.extui %lt3A_522 : i1 to i32
      %cond3A_524 = arith.constant 0 : i32
      %cond3A_525 = arith.cmpi ne, %convert_element_type3A_523, %cond3A_524 : i32
      scf.if %cond3A_525 {
        %dma_wait3A_573 = arith.constant 1 : i32
        %dma_wait3A_574 = arith.constant 1 : i32
        %dma_wait3A_575 = arith.constant 0 : i32
        %dma_wait3A_576 = tpu.memref_slice %arg6[%dma_wait3A_573, %dma_wait3A_575] : memref<6x104xi32, #tpu.memory_space<vmem>> -> memref<1x104xi32, #tpu.memory_space<vmem>>
        %dma_wait3A_577 = tpu.memref_squeeze %dma_wait3A_576 : memref<1x104xi32, #tpu.memory_space<vmem>> -> memref<104xi32, #tpu.memory_space<vmem>>
        %dma_wait3A_578 = tpu.memref_slice %arg3[%mul3A_4] : memref<640000xi32, #tpu.memory_space<hbm>> -> memref<104xi32, #tpu.memory_space<hbm>>
        %dma_wait3A_579 = tpu.memref_slice %arg13[%dma_wait3A_574] : memref<6x!tpu.dma_semaphore, #tpu.memory_space<semaphore_mem>> -> memref<1x!tpu.dma_semaphore, #tpu.memory_space<semaphore_mem>>
        %dma_wait3A_580 = tpu.memref_squeeze %dma_wait3A_579 : memref<1x!tpu.dma_semaphore, #tpu.memory_space<semaphore_mem>> -> memref<!tpu.dma_semaphore, #tpu.memory_space<semaphore_mem>>
        %dma_wait3A_581 = arith.constant 0 : i32
        %dma_wait3A_582 = tpu.memref_slice %arg6[%dma_wait3A_573, %dma_wait3A_581] : memref<6x104xi32, #tpu.memory_space<vmem>> -> memref<1x104xi32, #tpu.memory_space<vmem>>
        %dma_wait3A_583 = tpu.memref_squeeze %dma_wait3A_582 : memref<1x104xi32, #tpu.memory_space<vmem>> -> memref<104xi32, #tpu.memory_space<vmem>>
        %dma_wait3A_584 = tpu.memref_slice %arg3[%mul3A_4] : memref<640000xi32, #tpu.memory_space<hbm>> -> memref<104xi32, #tpu.memory_space<hbm>>
        tpu.wait_dma2 semaphore(%dma_wait3A_580 : memref<!tpu.dma_semaphore, #tpu.memory_space<semaphore_mem>>) src(%dma_wait3A_584 : memref<104xi32, #tpu.memory_space<hbm>>) dst(%dma_wait3A_583 : memref<104xi32, #tpu.memory_space<vmem>>)
        %dma_start3A_585 = arith.constant 1 : i32
        %dma_start3A_586 = arith.constant 1 : i32
        %dma_start3A_587 = arith.constant 1 : i32
        %dma_start3A_588 = arith.constant 0 : i32
        %dma_start3A_589 = arith.constant 0 : i32
        %dma_start3A_590 = tpu.memref_slice %arg8[%dma_start3A_586, %dma_start3A_588, %dma_start3A_589] : memref<3x104x128xf32, #tpu.memory_space<vmem>> -> memref<1x104x128xf32, #tpu.memory_space<vmem>>
        %dma_start3A_591 = tpu.memref_squeeze %dma_start3A_590 : memref<1x104x128xf32, #tpu.memory_space<vmem>> -> memref<104x128xf32, #tpu.memory_space<vmem>>
        %dma_start3A_592 = arith.constant 0 : i32
        %dma_start3A_593 = tpu.memref_slice %arg6[%dma_start3A_585, %dma_start3A_592] : memref<6x104xi32, #tpu.memory_space<vmem>> -> memref<1x104xi32, #tpu.memory_space<vmem>>
        %dma_start3A_594 = tpu.memref_squeeze %dma_start3A_593 : memref<1x104xi32, #tpu.memory_space<vmem>> -> memref<104xi32, #tpu.memory_space<vmem>>
        %dma_start3A_595 = arith.constant 0 : i32
        %dma_start3A_596 = arith.constant 0 : i32
        %dma_start3A_597 = tpu.memref_slice %arg2[%dma_start3A_595, %dma_start3A_596] : memref<10112x128xf32, #tpu.memory_space<hbm>> -> memref<10112x128xf32, #tpu.memory_space<hbm>>
        %dma_start3A_598 = tpu.memref_slice %arg12[%dma_start3A_587] : memref<3x!tpu.dma_semaphore, #tpu.memory_space<semaphore_mem>> -> memref<1x!tpu.dma_semaphore, #tpu.memory_space<semaphore_mem>>
        %dma_start3A_599 = tpu.memref_squeeze %dma_start3A_598 : memref<1x!tpu.dma_semaphore, #tpu.memory_space<semaphore_mem>> -> memref<!tpu.dma_semaphore, #tpu.memory_space<semaphore_mem>>
        tpu.enqueue_indirect_dma source(%dma_start3A_597 : memref<10112x128xf32, #tpu.memory_space<hbm>>) target(%dma_start3A_591 : memref<104x128xf32, #tpu.memory_space<vmem>>) offsets(%dma_start3A_594 : memref<104xi32, #tpu.memory_space<vmem>>) semaphore(%dma_start3A_599 : memref<!tpu.dma_semaphore, #tpu.memory_space<semaphore_mem>>)
      } else {
      }
      %add3A_526 = arith.constant 5 : i32
      %add3A_527 = arith.addi %add3A_293, %add3A_526 : i32
      %dma_wait3A_528 = arith.constant 5 : i32
      %dma_wait3A_529 = arith.constant 2 : i32
      %dma_wait3A_530 = arith.constant 2 : i32
      %dma_wait3A_531 = arith.constant 0 : i32
      %dma_wait3A_532 = arith.constant 0 : i32
      %dma_wait3A_533 = tpu.memref_slice %arg8[%dma_wait3A_529, %dma_wait3A_531, %dma_wait3A_532] : memref<3x104x128xf32, #tpu.memory_space<vmem>> -> memref<1x104x128xf32, #tpu.memory_space<vmem>>
      %dma_wait3A_534 = tpu.memref_squeeze %dma_wait3A_533 : memref<1x104x128xf32, #tpu.memory_space<vmem>> -> memref<104x128xf32, #tpu.memory_space<vmem>>
      %dma_wait3A_535 = arith.constant 0 : i32
      %dma_wait3A_536 = tpu.memref_slice %arg6[%dma_wait3A_528, %dma_wait3A_535] : memref<6x104xi32, #tpu.memory_space<vmem>> -> memref<1x104xi32, #tpu.memory_space<vmem>>
      %dma_wait3A_537 = tpu.memref_squeeze %dma_wait3A_536 : memref<1x104xi32, #tpu.memory_space<vmem>> -> memref<104xi32, #tpu.memory_space<vmem>>
      %dma_wait3A_538 = arith.constant 0 : i32
      %dma_wait3A_539 = arith.constant 0 : i32
      %dma_wait3A_540 = tpu.memref_slice %arg2[%dma_wait3A_538, %dma_wait3A_539] : memref<10112x128xf32, #tpu.memory_space<hbm>> -> memref<10112x128xf32, #tpu.memory_space<hbm>>
      %dma_wait3A_541 = tpu.memref_slice %arg12[%dma_wait3A_530] : memref<3x!tpu.dma_semaphore, #tpu.memory_space<semaphore_mem>> -> memref<1x!tpu.dma_semaphore, #tpu.memory_space<semaphore_mem>>
      %dma_wait3A_542 = tpu.memref_squeeze %dma_wait3A_541 : memref<1x!tpu.dma_semaphore, #tpu.memory_space<semaphore_mem>> -> memref<!tpu.dma_semaphore, #tpu.memory_space<semaphore_mem>>
      tpu.wait_indirect_dma semaphore(%dma_wait3A_542 : memref<!tpu.dma_semaphore, #tpu.memory_space<semaphore_mem>>) src(%dma_wait3A_540 : memref<10112x128xf32, #tpu.memory_space<hbm>>) dst(%dma_wait3A_534 : memref<104x128xf32, #tpu.memory_space<vmem>>)
      %add3A_543 = arith.constant 320000 : i32
      %add3A_544 = arith.addi %add3A_543, %mul3A_4 : i32
      %dma_wait3A_545 = arith.constant 5 : i32
      %dma_wait3A_546 = arith.constant 5 : i32
      %dma_wait3A_547 = arith.constant 0 : i32
      %dma_wait3A_548 = tpu.memref_slice %arg7[%dma_wait3A_545, %dma_wait3A_547] : memref<6x104xi32, #tpu.memory_space<vmem>> -> memref<1x104xi32, #tpu.memory_space<vmem>>
      %dma_wait3A_549 = tpu.memref_squeeze %dma_wait3A_548 : memref<1x104xi32, #tpu.memory_space<vmem>> -> memref<104xi32, #tpu.memory_space<vmem>>
      %dma_wait3A_550 = tpu.memref_slice %arg3[%add3A_544] : memref<640000xi32, #tpu.memory_space<hbm>> -> memref<104xi32, #tpu.memory_space<hbm>>
      %dma_wait3A_551 = tpu.memref_slice %arg14[%dma_wait3A_546] : memref<6x!tpu.dma_semaphore, #tpu.memory_space<semaphore_mem>> -> memref<1x!tpu.dma_semaphore, #tpu.memory_space<semaphore_mem>>
      %dma_wait3A_552 = tpu.memref_squeeze %dma_wait3A_551 : memref<1x!tpu.dma_semaphore, #tpu.memory_space<semaphore_mem>> -> memref<!tpu.dma_semaphore, #tpu.memory_space<semaphore_mem>>
      %dma_wait3A_553 = arith.constant 0 : i32
      %dma_wait3A_554 = tpu.memref_slice %arg7[%dma_wait3A_545, %dma_wait3A_553] : memref<6x104xi32, #tpu.memory_space<vmem>> -> memref<1x104xi32, #tpu.memory_space<vmem>>
      %dma_wait3A_555 = tpu.memref_squeeze %dma_wait3A_554 : memref<1x104xi32, #tpu.memory_space<vmem>> -> memref<104xi32, #tpu.memory_space<vmem>>
      %dma_wait3A_556 = tpu.memref_slice %arg3[%add3A_544] : memref<640000xi32, #tpu.memory_space<hbm>> -> memref<104xi32, #tpu.memory_space<hbm>>
      tpu.wait_dma2 semaphore(%dma_wait3A_552 : memref<!tpu.dma_semaphore, #tpu.memory_space<semaphore_mem>>) src(%dma_wait3A_556 : memref<104xi32, #tpu.memory_space<hbm>>) dst(%dma_wait3A_555 : memref<104xi32, #tpu.memory_space<vmem>>)
      %run_scoped3A_557 = arith.constant 2 : i32
      %run_scoped3A_558 = arith.constant 5 : i32
      "tpu.region"() ({
        %run_scoped3A_573 = tpu.sem_alloc : memref<!tpu.dma_semaphore, #tpu.memory_space<semaphore_mem>>
        %dma_start3A_574 = arith.constant 0 : i32
        %dma_start3A_575 = arith.constant 0 : i32
        %dma_start3A_576 = tpu.memref_slice %arg8[%run_scoped3A_557, %dma_start3A_574, %dma_start3A_575] : memref<3x104x128xf32, #tpu.memory_space<vmem>> -> memref<1x104x128xf32, #tpu.memory_space<vmem>>
        %dma_start3A_577 = tpu.memref_squeeze %dma_start3A_576 : memref<1x104x128xf32, #tpu.memory_space<vmem>> -> memref<104x128xf32, #tpu.memory_space<vmem>>
        %dma_start3A_578 = arith.constant 0 : i32
        %dma_start3A_579 = tpu.memref_slice %arg7[%run_scoped3A_558, %dma_start3A_578] : memref<6x104xi32, #tpu.memory_space<vmem>> -> memref<1x104xi32, #tpu.memory_space<vmem>>
        %dma_start3A_580 = tpu.memref_squeeze %dma_start3A_579 : memref<1x104xi32, #tpu.memory_space<vmem>> -> memref<104xi32, #tpu.memory_space<vmem>>
        %dma_start3A_581 = arith.constant 0 : i32
        %dma_start3A_582 = arith.constant 0 : i32
        %dma_start3A_583 = tpu.memref_slice %arg5[%dma_start3A_581, %dma_start3A_582] : memref<10112x128xf32, #tpu.memory_space<vmem_shared>> -> memref<10112x128xf32, #tpu.memory_space<vmem_shared>>
        tpu.enqueue_indirect_dma source(%dma_start3A_577 : memref<104x128xf32, #tpu.memory_space<vmem>>) target(%dma_start3A_583 : memref<10112x128xf32, #tpu.memory_space<vmem_shared>>) offsets(%dma_start3A_580 : memref<104xi32, #tpu.memory_space<vmem>>) semaphore(%run_scoped3A_573 : memref<!tpu.dma_semaphore, #tpu.memory_space<semaphore_mem>>) {add = true}
        %dma_wait3A_584 = arith.constant 0 : i32
        %dma_wait3A_585 = arith.constant 0 : i32
        %dma_wait3A_586 = tpu.memref_slice %arg8[%run_scoped3A_557, %dma_wait3A_584, %dma_wait3A_585] : memref<3x104x128xf32, #tpu.memory_space<vmem>> -> memref<1x104x128xf32, #tpu.memory_space<vmem>>
        %dma_wait3A_587 = tpu.memref_squeeze %dma_wait3A_586 : memref<1x104x128xf32, #tpu.memory_space<vmem>> -> memref<104x128xf32, #tpu.memory_space<vmem>>
        %dma_wait3A_588 = arith.constant 0 : i32
        %dma_wait3A_589 = tpu.memref_slice %arg7[%run_scoped3A_558, %dma_wait3A_588] : memref<6x104xi32, #tpu.memory_space<vmem>> -> memref<1x104xi32, #tpu.memory_space<vmem>>
        %dma_wait3A_590 = tpu.memref_squeeze %dma_wait3A_589 : memref<1x104xi32, #tpu.memory_space<vmem>> -> memref<104xi32, #tpu.memory_space<vmem>>
        %dma_wait3A_591 = arith.constant 0 : i32
        %dma_wait3A_592 = arith.constant 0 : i32
        %dma_wait3A_593 = tpu.memref_slice %arg5[%dma_wait3A_591, %dma_wait3A_592] : memref<10112x128xf32, #tpu.memory_space<vmem_shared>> -> memref<10112x128xf32, #tpu.memory_space<vmem_shared>>
        tpu.wait_indirect_dma semaphore(%run_scoped3A_573 : memref<!tpu.dma_semaphore, #tpu.memory_space<semaphore_mem>>) src(%dma_wait3A_587 : memref<104x128xf32, #tpu.memory_space<vmem>>) dst(%dma_wait3A_593 : memref<10112x128xf32, #tpu.memory_space<vmem_shared>>)
        tpu.yield
      }) : () -> ()
      %add3A_559 = arith.constant 6 : i32
      %add3A_560 = arith.addi %add3A_527, %add3A_559 : i32
      %lt3A_561 = arith.constant 96 : i32
      %lt3A_562 = arith.cmpi slt, %add3A_560, %lt3A_561 : i32
      %convert_element_type3A_563 = arith.extui %lt3A_562 : i1 to i32
      %cond3A_564 = arith.constant 0 : i32
      %cond3A_565 = arith.cmpi ne, %convert_element_type3A_563, %cond3A_564 : i32
      scf.if %cond3A_565 {
        %add3A_573 = arith.constant 6 : i32
        %add3A_574 = arith.addi %add3A_527, %add3A_573 : i32
        %mul3A_575 = arith.constant 104 : i32
        %mul3A_576 = arith.muli %add3A_574, %mul3A_575 : i32
        %add3A_577 = arith.addi %mul3A_4, %mul3A_576 : i32
        %dma_start3A_578 = arith.constant 5 : i32
        %dma_start3A_579 = arith.constant 5 : i32
        %dma_start3A_580 = arith.constant 0 : i32
        %dma_start3A_581 = tpu.memref_slice %arg6[%dma_start3A_578, %dma_start3A_580] : memref<6x104xi32, #tpu.memory_space<vmem>> -> memref<1x104xi32, #tpu.memory_space<vmem>>
        %dma_start3A_582 = tpu.memref_squeeze %dma_start3A_581 : memref<1x104xi32, #tpu.memory_space<vmem>> -> memref<104xi32, #tpu.memory_space<vmem>>
        %dma_start3A_583 = tpu.memref_slice %arg3[%add3A_577] : memref<640000xi32, #tpu.memory_space<hbm>> -> memref<104xi32, #tpu.memory_space<hbm>>
        %dma_start3A_584 = tpu.memref_slice %arg13[%dma_start3A_579] : memref<6x!tpu.dma_semaphore, #tpu.memory_space<semaphore_mem>> -> memref<1x!tpu.dma_semaphore, #tpu.memory_space<semaphore_mem>>
        %dma_start3A_585 = tpu.memref_squeeze %dma_start3A_584 : memref<1x!tpu.dma_semaphore, #tpu.memory_space<semaphore_mem>> -> memref<!tpu.dma_semaphore, #tpu.memory_space<semaphore_mem>>
        %dma_start3A_586 = arith.constant 0 : i32
        %dma_start3A_587 = tpu.memref_slice %arg6[%dma_start3A_578, %dma_start3A_586] : memref<6x104xi32, #tpu.memory_space<vmem>> -> memref<1x104xi32, #tpu.memory_space<vmem>>
        %dma_start3A_588 = tpu.memref_squeeze %dma_start3A_587 : memref<1x104xi32, #tpu.memory_space<vmem>> -> memref<104xi32, #tpu.memory_space<vmem>>
        %dma_start3A_589 = tpu.memref_slice %arg3[%add3A_577] : memref<640000xi32, #tpu.memory_space<hbm>> -> memref<104xi32, #tpu.memory_space<hbm>>
        tpu.enqueue_dma source(%dma_start3A_589 : memref<104xi32, #tpu.memory_space<hbm>>) target(%dma_start3A_588 : memref<104xi32, #tpu.memory_space<vmem>>) target_semaphore(%dma_start3A_585 : memref<!tpu.dma_semaphore, #tpu.memory_space<semaphore_mem>>)
        %add3A_590 = arith.constant 320000 : i32
        %add3A_591 = arith.addi %add3A_590, %mul3A_4 : i32
        %add3A_592 = arith.constant 6 : i32
        %add3A_593 = arith.addi %add3A_527, %add3A_592 : i32
        %mul3A_594 = arith.constant 104 : i32
        %mul3A_595 = arith.muli %add3A_593, %mul3A_594 : i32
        %add3A_596 = arith.addi %add3A_591, %mul3A_595 : i32
        %dma_start3A_597 = arith.constant 5 : i32
        %dma_start3A_598 = arith.constant 5 : i32
        %dma_start3A_599 = arith.constant 0 : i32
        %dma_start3A_600 = tpu.memref_slice %arg7[%dma_start3A_597, %dma_start3A_599] : memref<6x104xi32, #tpu.memory_space<vmem>> -> memref<1x104xi32, #tpu.memory_space<vmem>>
        %dma_start3A_601 = tpu.memref_squeeze %dma_start3A_600 : memref<1x104xi32, #tpu.memory_space<vmem>> -> memref<104xi32, #tpu.memory_space<vmem>>
        %dma_start3A_602 = tpu.memref_slice %arg3[%add3A_596] : memref<640000xi32, #tpu.memory_space<hbm>> -> memref<104xi32, #tpu.memory_space<hbm>>
        %dma_start3A_603 = tpu.memref_slice %arg14[%dma_start3A_598] : memref<6x!tpu.dma_semaphore, #tpu.memory_space<semaphore_mem>> -> memref<1x!tpu.dma_semaphore, #tpu.memory_space<semaphore_mem>>
        %dma_start3A_604 = tpu.memref_squeeze %dma_start3A_603 : memref<1x!tpu.dma_semaphore, #tpu.memory_space<semaphore_mem>> -> memref<!tpu.dma_semaphore, #tpu.memory_space<semaphore_mem>>
        %dma_start3A_605 = arith.constant 0 : i32
        %dma_start3A_606 = tpu.memref_slice %arg7[%dma_start3A_597, %dma_start3A_605] : memref<6x104xi32, #tpu.memory_space<vmem>> -> memref<1x104xi32, #tpu.memory_space<vmem>>
        %dma_start3A_607 = tpu.memref_squeeze %dma_start3A_606 : memref<1x104xi32, #tpu.memory_space<vmem>> -> memref<104xi32, #tpu.memory_space<vmem>>
        %dma_start3A_608 = tpu.memref_slice %arg3[%add3A_596] : memref<640000xi32, #tpu.memory_space<hbm>> -> memref<104xi32, #tpu.memory_space<hbm>>
        tpu.enqueue_dma source(%dma_start3A_608 : memref<104xi32, #tpu.memory_space<hbm>>) target(%dma_start3A_607 : memref<104xi32, #tpu.memory_space<vmem>>) target_semaphore(%dma_start3A_604 : memref<!tpu.dma_semaphore, #tpu.memory_space<semaphore_mem>>)
      } else {
      }
      %add3A_566 = arith.constant 3 : i32
      %add3A_567 = arith.addi %add3A_527, %add3A_566 : i32
      %lt3A_568 = arith.constant 96 : i32
      %lt3A_569 = arith.cmpi slt, %add3A_567, %lt3A_568 : i32
      %convert_element_type3A_570 = arith.extui %lt3A_569 : i1 to i32
      %cond3A_571 = arith.constant 0 : i32
      %cond3A_572 = arith.cmpi ne, %convert_element_type3A_570, %cond3A_571 : i32
      scf.if %cond3A_572 {
        %dma_wait3A_573 = arith.constant 2 : i32
        %dma_wait3A_574 = arith.constant 2 : i32
        %dma_wait3A_575 = arith.constant 0 : i32
        %dma_wait3A_576 = tpu.memref_slice %arg6[%dma_wait3A_573, %dma_wait3A_575] : memref<6x104xi32, #tpu.memory_space<vmem>> -> memref<1x104xi32, #tpu.memory_space<vmem>>
        %dma_wait3A_577 = tpu.memref_squeeze %dma_wait3A_576 : memref<1x104xi32, #tpu.memory_space<vmem>> -> memref<104xi32, #tpu.memory_space<vmem>>
        %dma_wait3A_578 = tpu.memref_slice %arg3[%mul3A_4] : memref<640000xi32, #tpu.memory_space<hbm>> -> memref<104xi32, #tpu.memory_space<hbm>>
        %dma_wait3A_579 = tpu.memref_slice %arg13[%dma_wait3A_574] : memref<6x!tpu.dma_semaphore, #tpu.memory_space<semaphore_mem>> -> memref<1x!tpu.dma_semaphore, #tpu.memory_space<semaphore_mem>>
        %dma_wait3A_580 = tpu.memref_squeeze %dma_wait3A_579 : memref<1x!tpu.dma_semaphore, #tpu.memory_space<semaphore_mem>> -> memref<!tpu.dma_semaphore, #tpu.memory_space<semaphore_mem>>
        %dma_wait3A_581 = arith.constant 0 : i32
        %dma_wait3A_582 = tpu.memref_slice %arg6[%dma_wait3A_573, %dma_wait3A_581] : memref<6x104xi32, #tpu.memory_space<vmem>> -> memref<1x104xi32, #tpu.memory_space<vmem>>
        %dma_wait3A_583 = tpu.memref_squeeze %dma_wait3A_582 : memref<1x104xi32, #tpu.memory_space<vmem>> -> memref<104xi32, #tpu.memory_space<vmem>>
        %dma_wait3A_584 = tpu.memref_slice %arg3[%mul3A_4] : memref<640000xi32, #tpu.memory_space<hbm>> -> memref<104xi32, #tpu.memory_space<hbm>>
        tpu.wait_dma2 semaphore(%dma_wait3A_580 : memref<!tpu.dma_semaphore, #tpu.memory_space<semaphore_mem>>) src(%dma_wait3A_584 : memref<104xi32, #tpu.memory_space<hbm>>) dst(%dma_wait3A_583 : memref<104xi32, #tpu.memory_space<vmem>>)
        %dma_start3A_585 = arith.constant 2 : i32
        %dma_start3A_586 = arith.constant 2 : i32
        %dma_start3A_587 = arith.constant 2 : i32
        %dma_start3A_588 = arith.constant 0 : i32
        %dma_start3A_589 = arith.constant 0 : i32
        %dma_start3A_590 = tpu.memref_slice %arg8[%dma_start3A_586, %dma_start3A_588, %dma_start3A_589] : memref<3x104x128xf32, #tpu.memory_space<vmem>> -> memref<1x104x128xf32, #tpu.memory_space<vmem>>
        %dma_start3A_591 = tpu.memref_squeeze %dma_start3A_590 : memref<1x104x128xf32, #tpu.memory_space<vmem>> -> memref<104x128xf32, #tpu.memory_space<vmem>>
        %dma_start3A_592 = arith.constant 0 : i32
        %dma_start3A_593 = tpu.memref_slice %arg6[%dma_start3A_585, %dma_start3A_592] : memref<6x104xi32, #tpu.memory_space<vmem>> -> memref<1x104xi32, #tpu.memory_space<vmem>>
        %dma_start3A_594 = tpu.memref_squeeze %dma_start3A_593 : memref<1x104xi32, #tpu.memory_space<vmem>> -> memref<104xi32, #tpu.memory_space<vmem>>
        %dma_start3A_595 = arith.constant 0 : i32
        %dma_start3A_596 = arith.constant 0 : i32
        %dma_start3A_597 = tpu.memref_slice %arg2[%dma_start3A_595, %dma_start3A_596] : memref<10112x128xf32, #tpu.memory_space<hbm>> -> memref<10112x128xf32, #tpu.memory_space<hbm>>
        %dma_start3A_598 = tpu.memref_slice %arg12[%dma_start3A_587] : memref<3x!tpu.dma_semaphore, #tpu.memory_space<semaphore_mem>> -> memref<1x!tpu.dma_semaphore, #tpu.memory_space<semaphore_mem>>
        %dma_start3A_599 = tpu.memref_squeeze %dma_start3A_598 : memref<1x!tpu.dma_semaphore, #tpu.memory_space<semaphore_mem>> -> memref<!tpu.dma_semaphore, #tpu.memory_space<semaphore_mem>>
        tpu.enqueue_indirect_dma source(%dma_start3A_597 : memref<10112x128xf32, #tpu.memory_space<hbm>>) target(%dma_start3A_591 : memref<104x128xf32, #tpu.memory_space<vmem>>) offsets(%dma_start3A_594 : memref<104xi32, #tpu.memory_space<vmem>>) semaphore(%dma_start3A_599 : memref<!tpu.dma_semaphore, #tpu.memory_space<semaphore_mem>>)
      } else {
      }
    }
    %scan3A_287 = arith.constant 16 : i32
    %barrier3A_288 = arith.constant 0 : index
    tpu.barrier barrier_id(%barrier3A_288)
    "tpu.region"() ({
      %run_scoped3A_289 = tpu.sem_alloc : memref<!tpu.dma_semaphore, #tpu.memory_space<semaphore_mem>>
      %dma_start3A_290 = arith.constant 0 : i32
      %dma_start3A_291 = tpu.memref_slice %arg4[%arg0, %mul3A_2, %dma_start3A_290] : memref<2x10112x128xf32, #tpu.memory_space<hbm>> -> memref<1x632x128xf32, #tpu.memory_space<hbm>>
      %dma_start3A_292 = tpu.memref_squeeze %dma_start3A_291 : memref<1x632x128xf32, #tpu.memory_space<hbm>> -> memref<632x128xf32, #tpu.memory_space<hbm>>
      %dma_start3A_293 = arith.constant 0 : i32
      %dma_start3A_294 = tpu.memref_slice %arg5[%mul3A_2, %dma_start3A_293] : memref<10112x128xf32, #tpu.memory_space<vmem_shared>> -> memref<632x128xf32, #tpu.memory_space<vmem_shared>>
      tpu.enqueue_dma source(%dma_start3A_294 : memref<632x128xf32, #tpu.memory_space<vmem_shared>>) target(%dma_start3A_292 : memref<632x128xf32, #tpu.memory_space<hbm>>) target_semaphore(%run_scoped3A_289 : memref<!tpu.dma_semaphore, #tpu.memory_space<semaphore_mem>>)
      %dma_wait3A_295 = arith.constant 0 : i32
      %dma_wait3A_296 = tpu.memref_slice %arg4[%arg0, %mul3A_2, %dma_wait3A_295] : memref<2x10112x128xf32, #tpu.memory_space<hbm>> -> memref<1x632x128xf32, #tpu.memory_space<hbm>>
      %dma_wait3A_297 = tpu.memref_squeeze %dma_wait3A_296 : memref<1x632x128xf32, #tpu.memory_space<hbm>> -> memref<632x128xf32, #tpu.memory_space<hbm>>
      %dma_wait3A_298 = arith.constant 0 : i32
      %dma_wait3A_299 = tpu.memref_slice %arg5[%mul3A_2, %dma_wait3A_298] : memref<10112x128xf32, #tpu.memory_space<vmem_shared>> -> memref<632x128xf32, #tpu.memory_space<vmem_shared>>
      tpu.wait_dma2 semaphore(%run_scoped3A_289 : memref<!tpu.dma_semaphore, #tpu.memory_space<semaphore_mem>>) src(%dma_wait3A_299 : memref<632x128xf32, #tpu.memory_space<vmem_shared>>) dst(%dma_wait3A_297 : memref<632x128xf32, #tpu.memory_space<hbm>>)
      tpu.yield
    }) : () -> ()
    return
  }
}

module attributes {stable_mosaic.version = 14 : i64} {
  func.func @tc_f_body(%arg0: memref<1x10112xf32, #tpu.memory_space<vmem>>, %arg1: memref<2x10112x128xf32, #tpu.memory_space<vmem>>, %arg2: memref<10112x128xf32, #tpu.memory_space<vmem>>, %arg3: memref<10000x128xf32, #tpu.memory_space<vmem>>) attributes {dimension_semantics = [], scalar_prefetch = 0 : i64, scratch_operands = 0 : i64, tpu.core_type = #tpu.core_type<tc>} {
    %get3A = arith.constant 0 : index
    %get3A_0 = arith.constant 0 : index
    %get3A_1 = vector.load %arg0[%get3A, %get3A_0] : memref<1x10112xf32, #tpu.memory_space<vmem>>, vector<1x10112xf32>
    %get3A_2 = vector.shape_cast %get3A_1 : vector<1x10112xf32> to vector<10112xf32>
    %broadcast_in_dim3A = vector.shape_cast %get3A_2 : vector<10112xf32> to vector<10112x1xf32>
    %get3A_3 = arith.constant 0 : index
    %get3A_4 = arith.constant 0 : index
    %get3A_5 = arith.constant 0 : index
    %get3A_6 = vector.load %arg1[%get3A_3, %get3A_4, %get3A_5] : memref<2x10112x128xf32, #tpu.memory_space<vmem>>, vector<1x10112x128xf32>
    %get3A_7 = vector.shape_cast %get3A_6 : vector<1x10112x128xf32> to vector<10112x128xf32>
    %get3A_8 = arith.constant 1 : index
    %get3A_9 = arith.constant 0 : index
    %get3A_10 = arith.constant 0 : index
    %get3A_11 = vector.load %arg1[%get3A_8, %get3A_9, %get3A_10] : memref<2x10112x128xf32, #tpu.memory_space<vmem>>, vector<1x10112x128xf32>
    %get3A_12 = vector.shape_cast %get3A_11 : vector<1x10112x128xf32> to vector<10112x128xf32>
    %add3A = arith.addf %get3A_7, %get3A_12 : vector<10112x128xf32>
    %get3A_13 = arith.constant 0 : index
    %get3A_14 = arith.constant 0 : index
    %get3A_15 = vector.load %arg2[%get3A_13, %get3A_14] : memref<10112x128xf32, #tpu.memory_space<vmem>>, vector<10112x128xf32>
    %sub3A = arith.subf %add3A, %get3A_15 : vector<10112x128xf32>
    %mul3A = vector.broadcast %broadcast_in_dim3A : vector<10112x1xf32> to vector<10112x128xf32>
    %mul3A_16 = arith.mulf %mul3A, %sub3A : vector<10112x128xf32>
    %slice3A = vector.extract_strided_slice %mul3A_16 {offsets = [0, 0], sizes = [10000, 128], strides = [1, 1]} : vector<10112x128xf32> to vector<10000x128xf32>
    %swap3A = arith.constant 0 : index
    %swap3A_17 = arith.constant 0 : index
    %swap3A_18 = vector.load %arg3[%swap3A, %swap3A_17] : memref<10000x128xf32, #tpu.memory_space<vmem>>, vector<10000x128xf32>
    tpu.vector_store %arg3[%swap3A, %swap3A_17], %slice3A {strides = array<i32>} : memref<10000x128xf32, #tpu.memory_space<vmem>>, vector<10000x128xf32>,
    return
  }
}

module attributes {stable_mosaic.version = 14 : i64} {
  func.func @tc_a_body(%arg0: memref<32x10112xf32, #tpu.memory_space<vmem>>, %arg1: memref<10000x128xf32, #tpu.memory_space<vmem>>, %arg2: memref<128x128xf32, #tpu.memory_space<vmem>>, %arg3: memref<10112x128xf32, #tpu.memory_space<vmem>>, %arg4: memref<1x10112xf32, #tpu.memory_space<vmem>>) attributes {dimension_semantics = [], scalar_prefetch = 0 : i64, scratch_operands = 0 : i64, tpu.core_type = #tpu.core_type<tc>} {
    %get3A = arith.constant 0 : index
    %get3A_0 = arith.constant 0 : index
    %get3A_1 = vector.load %arg0[%get3A, %get3A_0] : memref<32x10112xf32, #tpu.memory_space<vmem>>, vector<32x10112xf32>
    %reduce_sum3A = arith.constant dense<0.000000e+00> : vector<10112xf32>
    %reduce_sum3A_2 = vector.multi_reduction <add>, %get3A_1, %reduce_sum3A [0] : vector<32x10112xf32> to vector<10112xf32>
    %add3A = arith.constant 1.000000e+00 : f32
    %add3A_3 = vector.broadcast %add3A : f32 to vector<10112xf32>
    %add3A_4 = arith.addf %reduce_sum3A_2, %add3A_3 : vector<10112xf32>
    %rsqrt3A = math.rsqrt %add3A_4 : vector<10112xf32>
    %broadcast_in_dim3A = vector.shape_cast %rsqrt3A : vector<10112xf32> to vector<1x10112xf32>
    %swap3A = arith.constant 0 : index
    %swap3A_5 = arith.constant 0 : index
    %swap3A_6 = vector.load %arg4[%swap3A, %swap3A_5] : memref<1x10112xf32, #tpu.memory_space<vmem>>, vector<1x10112xf32>
    tpu.vector_store %arg4[%swap3A, %swap3A_5], %broadcast_in_dim3A {strides = array<i32>} : memref<1x10112xf32, #tpu.memory_space<vmem>>, vector<1x10112xf32>,
    %get3A_7 = arith.constant 0 : index
    %get3A_8 = arith.constant 0 : index
    %get3A_9 = vector.load %arg2[%get3A_7, %get3A_8] : memref<128x128xf32, #tpu.memory_space<vmem>>, vector<128x128xf32>
    %reduce_sum3A_10 = arith.constant dense<0.000000e+00> : vector<128xf32>
    %reduce_sum3A_11 = vector.multi_reduction <add>, %get3A_9, %reduce_sum3A_10 [1] : vector<128x128xf32> to vector<128xf32>
    %broadcast_in_dim3A_12 = vector.shape_cast %reduce_sum3A_11 : vector<128xf32> to vector<128x1xf32>
    %div3A = arith.constant 1.280000e+02 : f32
    %div3A_13 = vector.broadcast %div3A : f32 to vector<128x1xf32>
    %div3A_14 = arith.divf %broadcast_in_dim3A_12, %div3A_13 : vector<128x1xf32>
    %sub3A = vector.broadcast %div3A_14 : vector<128x1xf32> to vector<128x128xf32>
    %sub3A_15 = arith.subf %get3A_9, %sub3A : vector<128x128xf32>
    %dot_general3A = arith.constant dense<0.000000e+00> : vector<128x128xf32>
    %dot_general3A_16 = tpu.matmul %sub3A_15, %sub3A_15, %dot_general3A {dimension_numbers = #tpu.dot_dimension_numbers<[1], [1], [0], [0], [0, 0, 1, 0], [], []>, transpose_lhs_hint = false} : vector<128x128xf32>, vector<128x128xf32>, vector<128x128xf32> -> vector<128x128xf32>
    %iota3A = tpu.iota {dimensions = array<i32: 0>} : vector<128x128xi32>
    %iota3A_17 = tpu.iota {dimensions = array<i32: 1>} : vector<128x128xi32>
    %add3A_18 = arith.constant 0 : i32
    %add3A_19 = vector.broadcast %add3A_18 : i32 to vector<128x128xi32>
    %add3A_20 = arith.addi %iota3A, %add3A_19 : vector<128x128xi32>
    %eq3A = arith.cmpi eq, %add3A_20, %iota3A_17 : vector<128x128xi32>
    %convert_element_type3A = arith.extui %eq3A : vector<128x128xi1> to vector<128x128xi32>
    %convert_element_type3A_21 = arith.sitofp %convert_element_type3A : vector<128x128xi32> to vector<128x128xf32>
    %mul3A = arith.constant 9.99999974E-6 : f32
    %mul3A_22 = vector.broadcast %mul3A : f32 to vector<128x128xf32>
    %mul3A_23 = arith.mulf %mul3A_22, %convert_element_type3A_21 : vector<128x128xf32>
    %add3A_24 = arith.addf %dot_general3A_16, %mul3A_23 : vector<128x128xf32>
    %mul3A_25 = arith.mulf %add3A_24, %add3A_24 : vector<128x128xf32>
    %reduce_sum3A_26 = vector.shape_cast %mul3A_25 : vector<128x128xf32> to vector<1x128x128xf32>
    %reduce_sum3A_27 = arith.constant dense<0.000000e+00> : vector<1xf32>
    %reduce_sum3A_28 = vector.multi_reduction <add>, %reduce_sum3A_26, %reduce_sum3A_27 [1, 2] : vector<1x128x128xf32> to vector<1xf32>
    %reduce_sum3A_29 = vector.shape_cast %reduce_sum3A_28 : vector<1xf32> to vector<1x1x1xf32>
    %reduce_sum3A_30 = vector.extract %reduce_sum3A_29[0, 0, 0] : f32 from vector<1x1x1xf32>
    %sqrt3A = math.sqrt %reduce_sum3A_30 : f32
    %div3A_31 = vector.broadcast %sqrt3A : f32 to vector<128x128xf32>
    %div3A_32 = arith.divf %add3A_24, %div3A_31 : vector<128x128xf32>
    %dot_general3A_33 = arith.constant dense<0.000000e+00> : vector<128x128xf32>
    %dot_general3A_34 = tpu.matmul %convert_element_type3A_21, %convert_element_type3A_21, %dot_general3A_33 {dimension_numbers = #tpu.dot_dimension_numbers<[1], [0], [0], [1], [0, 0, 1, 1], [], []>, transpose_lhs_hint = false} : vector<128x128xf32>, vector<128x128xf32>, vector<128x128xf32> -> vector<128x128xf32>
    %dot_general3A_35 = arith.constant dense<0.000000e+00> : vector<128x128xf32>
    %dot_general3A_36 = tpu.matmul %dot_general3A_34, %convert_element_type3A_21, %dot_general3A_35 {dimension_numbers = #tpu.dot_dimension_numbers<[1], [0], [0], [1], [0, 0, 1, 1], [], []>, transpose_lhs_hint = false} : vector<128x128xf32>, vector<128x128xf32>, vector<128x128xf32> -> vector<128x128xf32>
    %mul3A_37 = arith.constant 1.500000e+00 : f32
    %mul3A_38 = vector.broadcast %mul3A_37 : f32 to vector<128x128xf32>
    %mul3A_39 = arith.mulf %mul3A_38, %convert_element_type3A_21 : vector<128x128xf32>
    %dot_general3A_40 = arith.constant dense<0.000000e+00> : vector<128x128xf32>
    %dot_general3A_41 = tpu.matmul %dot_general3A_36, %div3A_32, %dot_general3A_40 {dimension_numbers = #tpu.dot_dimension_numbers<[1], [0], [0], [1], [0, 0, 1, 1], [], []>, transpose_lhs_hint = false} : vector<128x128xf32>, vector<128x128xf32>, vector<128x128xf32> -> vector<128x128xf32>
    %mul3A_42 = arith.constant 5.000000e-01 : f32
    %mul3A_43 = vector.broadcast %mul3A_42 : f32 to vector<128x128xf32>
    %mul3A_44 = arith.mulf %mul3A_43, %dot_general3A_41 : vector<128x128xf32>
    %sub3A_45 = arith.subf %mul3A_39, %mul3A_44 : vector<128x128xf32>
    %dot_general3A_46 = arith.constant dense<0.000000e+00> : vector<128x128xf32>
    %dot_general3A_47 = tpu.matmul %sub3A_45, %sub3A_45, %dot_general3A_46 {dimension_numbers = #tpu.dot_dimension_numbers<[1], [0], [0], [1], [0, 0, 1, 1], [], []>, transpose_lhs_hint = false} : vector<128x128xf32>, vector<128x128xf32>, vector<128x128xf32> -> vector<128x128xf32>
    %dot_general3A_48 = arith.constant dense<0.000000e+00> : vector<128x128xf32>
    %dot_general3A_49 = tpu.matmul %dot_general3A_47, %sub3A_45, %dot_general3A_48 {dimension_numbers = #tpu.dot_dimension_numbers<[1], [0], [0], [1], [0, 0, 1, 1], [], []>, transpose_lhs_hint = false} : vector<128x128xf32>, vector<128x128xf32>, vector<128x128xf32> -> vector<128x128xf32>
    %mul3A_50 = arith.constant 1.500000e+00 : f32
    %mul3A_51 = vector.broadcast %mul3A_50 : f32 to vector<128x128xf32>
    %mul3A_52 = arith.mulf %mul3A_51, %sub3A_45 : vector<128x128xf32>
    %dot_general3A_53 = arith.constant dense<0.000000e+00> : vector<128x128xf32>
    %dot_general3A_54 = tpu.matmul %dot_general3A_49, %div3A_32, %dot_general3A_53 {dimension_numbers = #tpu.dot_dimension_numbers<[1], [0], [0], [1], [0, 0, 1, 1], [], []>, transpose_lhs_hint = false} : vector<128x128xf32>, vector<128x128xf32>, vector<128x128xf32> -> vector<128x128xf32>
    %mul3A_55 = arith.constant 5.000000e-01 : f32
    %mul3A_56 = vector.broadcast %mul3A_55 : f32 to vector<128x128xf32>
    %mul3A_57 = arith.mulf %mul3A_56, %dot_general3A_54 : vector<128x128xf32>
    %sub3A_58 = arith.subf %mul3A_52, %mul3A_57 : vector<128x128xf32>
    %dot_general3A_59 = arith.constant dense<0.000000e+00> : vector<128x128xf32>
    %dot_general3A_60 = tpu.matmul %sub3A_58, %sub3A_58, %dot_general3A_59 {dimension_numbers = #tpu.dot_dimension_numbers<[1], [0], [0], [1], [0, 0, 1, 1], [], []>, transpose_lhs_hint = false} : vector<128x128xf32>, vector<128x128xf32>, vector<128x128xf32> -> vector<128x128xf32>
    %dot_general3A_61 = arith.constant dense<0.000000e+00> : vector<128x128xf32>
    %dot_general3A_62 = tpu.matmul %dot_general3A_60, %sub3A_58, %dot_general3A_61 {dimension_numbers = #tpu.dot_dimension_numbers<[1], [0], [0], [1], [0, 0, 1, 1], [], []>, transpose_lhs_hint = false} : vector<128x128xf32>, vector<128x128xf32>, vector<128x128xf32> -> vector<128x128xf32>
    %mul3A_63 = arith.constant 1.500000e+00 : f32
    %mul3A_64 = vector.broadcast %mul3A_63 : f32 to vector<128x128xf32>
    %mul3A_65 = arith.mulf %mul3A_64, %sub3A_58 : vector<128x128xf32>
    %dot_general3A_66 = arith.constant dense<0.000000e+00> : vector<128x128xf32>
    %dot_general3A_67 = tpu.matmul %dot_general3A_62, %div3A_32, %dot_general3A_66 {dimension_numbers = #tpu.dot_dimension_numbers<[1], [0], [0], [1], [0, 0, 1, 1], [], []>, transpose_lhs_hint = false} : vector<128x128xf32>, vector<128x128xf32>, vector<128x128xf32> -> vector<128x128xf32>
    %mul3A_68 = arith.constant 5.000000e-01 : f32
    %mul3A_69 = vector.broadcast %mul3A_68 : f32 to vector<128x128xf32>
    %mul3A_70 = arith.mulf %mul3A_69, %dot_general3A_67 : vector<128x128xf32>
    %sub3A_71 = arith.subf %mul3A_65, %mul3A_70 : vector<128x128xf32>
    %dot_general3A_72 = arith.constant dense<0.000000e+00> : vector<128x128xf32>
    %dot_general3A_73 = tpu.matmul %sub3A_71, %sub3A_71, %dot_general3A_72 {dimension_numbers = #tpu.dot_dimension_numbers<[1], [0], [0], [1], [0, 0, 1, 1], [], []>, transpose_lhs_hint = false} : vector<128x128xf32>, vector<128x128xf32>, vector<128x128xf32> -> vector<128x128xf32>
    %dot_general3A_74 = arith.constant dense<0.000000e+00> : vector<128x128xf32>
    %dot_general3A_75 = tpu.matmul %dot_general3A_73, %sub3A_71, %dot_general3A_74 {dimension_numbers = #tpu.dot_dimension_numbers<[1], [0], [0], [1], [0, 0, 1, 1], [], []>, transpose_lhs_hint = false} : vector<128x128xf32>, vector<128x128xf32>, vector<128x128xf32> -> vector<128x128xf32>
    %mul3A_76 = arith.constant 1.500000e+00 : f32
    %mul3A_77 = vector.broadcast %mul3A_76 : f32 to vector<128x128xf32>
    %mul3A_78 = arith.mulf %mul3A_77, %sub3A_71 : vector<128x128xf32>
    %dot_general3A_79 = arith.constant dense<0.000000e+00> : vector<128x128xf32>
    %dot_general3A_80 = tpu.matmul %dot_general3A_75, %div3A_32, %dot_general3A_79 {dimension_numbers = #tpu.dot_dimension_numbers<[1], [0], [0], [1], [0, 0, 1, 1], [], []>, transpose_lhs_hint = false} : vector<128x128xf32>, vector<128x128xf32>, vector<128x128xf32> -> vector<128x128xf32>
    %mul3A_81 = arith.constant 5.000000e-01 : f32
    %mul3A_82 = vector.broadcast %mul3A_81 : f32 to vector<128x128xf32>
    %mul3A_83 = arith.mulf %mul3A_82, %dot_general3A_80 : vector<128x128xf32>
    %sub3A_84 = arith.subf %mul3A_78, %mul3A_83 : vector<128x128xf32>
    %dot_general3A_85 = arith.constant dense<0.000000e+00> : vector<128x128xf32>
    %dot_general3A_86 = tpu.matmul %sub3A_84, %sub3A_15, %dot_general3A_85 {dimension_numbers = #tpu.dot_dimension_numbers<[1], [0], [0], [1], [0, 0, 1, 1], [], []>, transpose_lhs_hint = false} : vector<128x128xf32>, vector<128x128xf32>, vector<128x128xf32> -> vector<128x128xf32>
    %sqrt3A_87 = math.sqrt %sqrt3A : f32
    %div3A_88 = vector.broadcast %sqrt3A_87 : f32 to vector<128x128xf32>
    %div3A_89 = arith.divf %dot_general3A_86, %div3A_88 : vector<128x128xf32>
    %slice3A = vector.extract_strided_slice %rsqrt3A {offsets = [0], sizes = [10000], strides = [1]} : vector<10112xf32> to vector<10000xf32>
    %broadcast_in_dim3A_90 = vector.shape_cast %slice3A : vector<10000xf32> to vector<10000x1xf32>
    %get3A_91 = arith.constant 0 : index
    %get3A_92 = arith.constant 0 : index
    %get3A_93 = vector.load %arg1[%get3A_91, %get3A_92] : memref<10000x128xf32, #tpu.memory_space<vmem>>, vector<10000x128xf32>
    %dot_general3A_94 = arith.constant dense<0.000000e+00> : vector<10000x128xf32>
    %dot_general3A_95 = tpu.matmul %get3A_93, %div3A_89, %dot_general3A_94 {dimension_numbers = #tpu.dot_dimension_numbers<[1], [0], [0], [1], [0, 0, 1, 1], [], []>, transpose_lhs_hint = false} : vector<10000x128xf32>, vector<128x128xf32>, vector<10000x128xf32> -> vector<10000x128xf32>
    %mul3A_96 = vector.broadcast %broadcast_in_dim3A_90 : vector<10000x1xf32> to vector<10000x128xf32>
    %mul3A_97 = arith.mulf %mul3A_96, %dot_general3A_95 : vector<10000x128xf32>
    %swap3A_98 = arith.constant 0 : index
    %swap3A_99 = arith.constant 0 : index
    %swap3A_100 = vector.load %arg3[%swap3A_98, %swap3A_99] : memref<10112x128xf32, #tpu.memory_space<vmem>>, vector<10000x128xf32>
    tpu.vector_store %arg3[%swap3A_98, %swap3A_99], %mul3A_97 {strides = array<i32>} : memref<10112x128xf32, #tpu.memory_space<vmem>>, vector<10000x128xf32>,
    return
  }
}

</mosaic_0001>

<sc_bundles>
// kernel: kernel.6.cloned.1.call-start
scs
__scs_entry_jumppad:
0x0: {  	(pc) =	sbr.rel $0x88, $3  }
0x1: {  	(tag) =	ssettag $0x0;
	lr =	simm.s32 $0x1  }
0x2: {  	[smem:$0x3F9E] =	sst lr;
	_ =	strace $0xD0000000  }
0x3: {  	_ = 	snop  }
0x4: {  	_ = 	snop  }
0x5: {  	_ = 	snop  }
0x6: {  	_ = 	snop  }
0x7: {  	_ = 	snop  }
__scs_overlays_trampoline_lowered:
0x8: {  	[smem:$0x3FAD] =	sst s0  }
0x9: {  	[smem:$0x3FAE] =	sst s1  }
0xa: {  	[smem:$0x3FAF] =	sst s2  }
0xb: {  	[smem:$0x3FB0] =	sst s3  }
0xc: {  	[smem:$0x3FB1] =	sst s4  }
0xd: {  	[smem:$0x3FB2] =	sst s5  }
0xe: {  	[smem:$0x3FB3] =	sst s6  }
0xf: {  	[smem:$0x3FB4] =	sst s7  }
0x10: {  	[smem:$0x3FB5] =	sst s8  }
0x11: {  	[smem:$0x3FB6] =	sst s9;
	s0 =	simm.s32 @!p0 $0x0  }
0x12: {  	s1 =	sld [smem:$0x3F9C];
	s0 =	simm.s32 @p0 $0x1  }
0x13: {  	[smem:$0x3FB7] =	sst s0;
	s0 =	simm.s32 @!p1 $0x0  }
0x14: {  	s2 =	sld [smem:$0x3F9B];
	s0 =	simm.s32 @p1 $0x1  }
0x15: {  	[smem:$0x3FB8] =	sst s0;
	s0 =	simm.s32 @!p2 $0x0  }
0x16: {  	s3 =	sld [smem:$0x3FDB];
	s0 =	simm.s32 @p2 $0x1  }
0x17: {  	s4 =	simm.s32 $0x1BF5;
	[smem:$0x3FBA] =	sst s0  }
0x18: {  	s0 =	sld [smem:$0x3F9D];
	_ =	swait.ge [sflag:s4], $0x0  }
0x19: {  	s7 =	sld [smem:$0x3F9E]  }
0x1a: {  	s8 =	sadd.s32 $0xFFFFE003, lr  }
0x1b: {  	s9 =	sadd.s32 $0xFFFFFEF7, lr;
	s5 =	simm.s32 $0xFFFFFFFF;
	p2 =	slt.u32 s8, $0xFFFFF086  }
0x1c: {  	p1 =	slt.u32 s9, $0xF7A;
	s5 =	simm.s32 @!p2 $0x0  }
0x1d: {  	s5 =	simm.s32 @p1 $0x1;
	p0 =	seq.s32 s7, s2  }
0x1e: {  	s7 =	smul.u32 @!p0 $0xF7A, s2;
	p2 =	seq.s32 @!p0 s5, $0x0  }
0x1f: {  	s9 =	smul.u32 $0xF7A, s1;
	s8 =	simm.s32 @!p0 $0x1BF5;
	p2 =	por !p2, p0  }
0x20: {  	[sflag:s8] =	ssyncset.s32 @!p0 $0xFFFFF086;
	s6 =	sadd.s32 @!p0 s3, s7;
	s7 =	simm.s32 @!p0 $0x108  }
0x21: {  	s3 =	sadd.s32 s3, s9;
	s6 =	sadd.s32 @!p0 $0x88, s6;
	s7 =	simm.s32 @p2 $0x1082  }
0x22: {  	[simem:s7], [sflag:s8] =	dma.local @!p0 [hbm:s6], $0xF7A  }
0x23: {  	s9 =	sor.u32 $0xD0000000, s2;
	s6 =	simm.s32 $0x108;
	_ =	swait.ge @!p0 [sflag:s8], $0x0  }
0x24: {  	s3 =	sadd.s32 $0x88, s3;
	s6 =	simm.s32 @!p1 $0x1082;
	[sflag:s4] =	ssyncset.s32 $0xFFFFF086  }
0x25: {  	[simem:s6], [sflag:s4] =	dma.local [hbm:s3], $0xF7A  }
0x26: {  	[smem:$0x3F9E] =	sst s1;
	(tag) =	ssettag s2;
	_ =	strace s9  }
0x27: {  	s1 =	sld [smem:$0x3FAE]  }
0x28: {  	s2 =	sld [smem:$0x3FAF]  }
0x29: {  	s4 =	sld [smem:$0x3FB1]  }
0x2a: {  	p0 =	seq.s32 s5, $0x0;
	s5 =	sld [smem:$0x3FB2]  }
0x2b: {  	s6 =	sld [smem:$0x3FB3]  }
0x2c: {  	s7 =	sld [smem:$0x3FB4]  }
0x2d: {  	s3 =	simm.s32 $0x108;
	s8 =	sld [smem:$0x3FB5]  }
0x2e: {  	s3 =	simm.s32 @!p0 $0x1082;
	s9 =	sld [smem:$0x3FB6]  }
0x2f: {  	lr =	sadd.s32 s0, s3;
	s0 =	sld [smem:$0x3FAD]  }
0x30: {  	s3 =	sld [smem:$0x3FB0]  }
0x31: {  	[smem:$0x3FB9] =	sst s10  }
0x32: {  	s10 =	sld [smem:$0x3FB7];
	_ =	sdelay $0x3  }
0x33: {  	p0 =	seq.s32 s10, $0x1;
	s10 =	sld [smem:$0x3FB9];
	_ =	sdelay $0x3  }
0x34: {  	[smem:$0x3FB9] =	sst s10  }
0x35: {  	s10 =	sld [smem:$0x3FB8];
	_ =	sdelay $0x3  }
0x36: {  	p1 =	seq.s32 s10, $0x1;
	s10 =	sld [smem:$0x3FB9];
	_ =	sdelay $0x3  }
0x37: {  	[smem:$0x3FB9] =	sst s10  }
0x38: {  	s10 =	sld [smem:$0x3FBA]  }
0x39: {  	_ = 	snop;
	(pc) =	sbr.ind lr, $3  }
0x3a: {  	_ = 	snop  }
0x3b: {  	_ = 	snop  }
0x3c: {  	p2 =	seq.s32 s10, $0x1;
	s10 =	sld [smem:$0x3FB9]  }
0x3d: {  	_ =	shalt  }
0x3e: {  	_ =	shalt  }
0x3f: {  	_ =	shalt  }
0x40: {  	_ =	shalt  }
0x41: {  	_ =	shalt  }
0x42: {  	_ =	shalt  }
0x43: {  	_ =	shalt  }
0x44: {  	_ =	shalt  }
0x45: {  	_ =	shalt  }
0x46: {  	_ =	shalt  }
0x47: {  	_ =	shalt  }
0x48: {  	_ =	shalt  }
0x49: {  	_ =	shalt  }
0x4a: {  	_ =	shalt  }
0x4b: {  	_ =	shalt  }
0x4c: {  	_ =	shalt  }
0x4d: {  	_ =	shalt  }
0x4e: {  	_ =	shalt  }
0x4f: {  	_ =	shalt  }
0x50: {  	_ =	shalt  }
0x51: {  	_ =	shalt  }
0x52: {  	_ =	shalt  }
0x53: {  	_ =	shalt  }
0x54: {  	_ =	shalt  }
0x55: {  	_ =	shalt  }
0x56: {  	_ =	shalt  }
0x57: {  	_ =	shalt  }
0x58: {  	_ =	shalt  }
0x59: {  	_ =	shalt  }
0x5a: {  	_ =	shalt  }
0x5b: {  	_ =	shalt  }
0x5c: {  	_ =	shalt  }
0x5d: {  	_ =	shalt  }
0x5e: {  	_ =	shalt  }
0x5f: {  	_ =	shalt  }
0x60: {  	_ =	shalt  }
0x61: {  	_ =	shalt  }
0x62: {  	_ =	shalt  }
0x63: {  	_ =	shalt  }
0x64: {  	_ =	shalt  }
0x65: {  	_ =	shalt  }
0x66: {  	_ =	shalt  }
0x67: {  	_ =	shalt  }
0x68: {  	_ =	shalt  }
0x69: {  	_ =	shalt  }
0x6a: {  	_ =	shalt  }
0x6b: {  	_ =	shalt  }
0x6c: {  	_ =	shalt  }
0x6d: {  	_ =	shalt  }
0x6e: {  	_ =	shalt  }
0x6f: {  	_ =	shalt  }
0x70: {  	_ =	shalt  }
0x71: {  	_ =	shalt  }
0x72: {  	_ =	shalt  }
0x73: {  	_ =	shalt  }
0x74: {  	_ =	shalt  }
0x75: {  	_ =	shalt  }
0x76: {  	_ =	shalt  }
0x77: {  	_ =	shalt  }
0x78: {  	_ =	shalt  }
0x79: {  	_ =	shalt  }
0x7a: {  	_ =	shalt  }
0x7b: {  	_ =	shalt  }
0x7c: {  	_ =	shalt  }
0x7d: {  	_ =	shalt  }
0x7e: {  	_ =	shalt  }
0x7f: {  	_ =	shalt  }
0x80: {  	_ =	shalt  }
0x81: {  	_ =	shalt  }
0x82: {  	_ =	shalt  }
0x83: {  	_ =	shalt  }
0x84: {  	_ =	shalt  }
0x85: {  	_ =	shalt  }
0x86: {  	_ =	shalt  }
0x87: {  	_ =	shalt  }
.Lfunc_end0:
.L_simem_size_0:
called_computation_lowered:
.L_overlay_start_0:
0x88: {  	s2 =	sld [smem:$0x3FD9]  }
0x89: {  	s3 =	sld [smem:$0x3FFE];
	_ =	sdelay $0x1  }
0x8a: {  	s1 =	srdreg.scid  }
0x8b: {  	s0 =	sand.u32 $0x1, s1  }
0x8c: {  	s17 =	sshll.u32 s0, $0xA;
	s2 =	sadd.s32 s3, s2  }
0x8d: {  	s2 =	sadd.s32 s2, s17  }
0x8e: {  	[smem:$0x3FC5] =	sst s2  }
0x8f: {  	_ = 	snop  }
0x90: {  	s2 =	sld [smem:$0x3FD0];
	(tm) =	ssettm $0x1  }
0x91: {  	s18 =	sld [smem:$0x3FFB];
	_ =	sdelay $0x3  }
0x92: {  	_ =	strace s18  }
0x93: {  	s3 =	sld [smem:$0x3FFC];
	_ =	sdelay $0x3  }
0x94: {  	_ =	strace s3  }
0x95: {  	s3 =	sld [smem:$0x3FFD];
	_ =	sdelay $0x3  }
0x96: {  	_ =	strace s3  }
0x97: {  	_ =	strace $0x8FFFFFFF  }
0x98: {  	s19 =	sld [smem:$0x3FDB];
	_ =	sdelay $0x1  }
0x99: {  	s4 =	simm.s32 $_scs_section_size  }
0x9a: {  	s5 =	simm.s32 $_size__tile_overlayer_lowered;
	s6 =	simm.s32 $_tile_overlayer_lowered  }
0x9b: {  	s22 =	simm.s32 $0x1BFF;
	s21 =	sshll.u32 s6, $0x1;
	s3 =	sadd.s32 s4, s19  }
0x9c: {  	s7 =	simm.s32 $0x0;
	s20 =	sshll.u32 s5, $0x1;
	s5 =	sadd.s32 s21, s3  }
0x9d: {  	[timem:s7], [sflag:s22] =	dma.local [hbm:s5], s20  }
0x9e: {  	_ =	swait.ge [sflag:s22], s20  }
0x9f: {  	s4 =	ssub.s32 $0x0, s20;
	[sflag:s22] =	ssyncset.done $0x0  }
0xa0: {  	[sflag:s22] =	ssyncadd.s32 s4;
	_ =	sdelay $0x1  }
0xa1: {  	s23 =	simm.s32 $0x1B8B  }
0xa2: {  	_ =	swait.ge [sflag:s23], $0x1  }
0xa3: {  	[sflag:s23] =	ssyncset.done $0x0  }
0xa4: {  	s25 =	simm.s32 $0x1B8E;
	s24 =	sld [smem:$0x3FFE];
	[sflag:s23] =	ssyncadd.s32 $0xFFFFFFFF  }
0xa5: {  	s26 =	simm.s32 $execute0_lowered;
	[smem:$0x3FD2] =	sst s25  }
0xa6: {  	s5 =	sshll.u32 s26, $0x1;
	_ =	strace $0x80000046;
	[dreg:$0x1] =	wrdreg $0xFFFFFFFF  }
0xa7: {  	s28 =	simm.s32 $_size_execute0_lowered;
	s3 =	sadd.s32 s3, s5;
	[dreg:$0x0] =	wrdreg $0x0  }
0xa8: {  	s5 =	sshll.u32 s28, $0x1;
	[dreg:$0x2] =	wrdreg s3  }
0xa9: {  	[dreg:$0x3] =	wrdreg s5  }
0xaa: {  	[dreg:$0x4] =	wrdreg $0xC0  }
0xab: {  	_ =	task [dreg:s7], $0x5FFFF  }
0xac: {  	[dreg:$0x1] =	wrdreg $0xFFFFFFFF  }
0xad: {  	[dreg:$0x0] =	wrdreg $0x60  }
0xae: {  	[dreg:$0x2] =	wrdreg s2  }
0xaf: {  	[dreg:$0x3] =	wrdreg s24  }
0xb0: {  	[dreg:$0x4] =	wrdreg $0x9  }
0xb1: {  	_ =	task.clear_ibuf [dreg:s7], $0x5FFFF;
	_ =	strace $0x90000046  }
0xb2: {  	s29 =	simm.s32 $0x9;
	_ =	strace $0x80000048  }
0xb3: {  	_ =	swait.ge [sflag:s29], $0x1  }
0xb4: {  	[sflag:s29] =	ssyncadd.s32 $0xFFFFFFFF  }
0xb5: {  	_ =	strace $0x90000048  }
0xb6: {  	_ =	sfence  }
0xb7: {  	s30 =	sld [smem:$0x0];
	_ =	sdelay $0x2  }
0xb8: {  	s31 =	sshll.u32 s1, $0xD;
	s1 =	sshrl.u32 s1, $0x2  }
0xb9: {  	s3 =	sand.u32 $0x4000, s31;
	s1 =	sadd.s32 s1, s30  }
0xba: {  	s0 =	sor.u32 s3, s0;
	s1 =	sshll.u32 s1, $0x11  }
0xbb: {  	s0 =	sor.u32 s1, s0  }
0xbc: {  	s0 =	sadd.s32 $0x8F2B, s0  }
0xbd: {  	[sflag:s0] =	ssyncadd.remote.s32 $0x1  }
0xbe: {  	_ =	sfence.sel $0xFFFF  }
0xbf: {  	[dreg:$0x0] =	wrdreg $0xFFFFFFFF;
	(pc) =	sbr.abs _section_cstart, $3  }
0xc0: {  	[dreg:$0x1] =	wrdreg $0xFFFFFFFF  }
0xc1: {  	_ =	task.clear_ibuf [dreg:s7], $0x2FFFF;
	_ =	strace $0x9FFFFFFF  }
0xc2: {  	(tm) =	ssettm $0x7FFFFFFF  }
0xc3: {  	_ =	shalt  }
tec
execute0_lowered:
.L_overlay_start_1:
0x0: {  	(tag) =	ssettag $0x1  }
0x1: {  	s3 =	rddreg [dreg:$0x0];
	s1 =	srdreg.scid  }
0x2: {  	s0 =	stileid.u32;
	s4 =	rddreg [dreg:$0x1];
	s9 =	simm.s32 $0x400  }
0x3: {  	s10 =	simm.s32 $0x0;
	s5 =	sand.u32 $0x1, s1;
	s2 =	sshll.u32 s0, $0x1  }
0x4: {  	s1 =	rddreg [dreg:$0x2];
	s7 =	sshrl.u32 s0, $0x2;
	s6 =	sor.u32 s5, s2  }
0x5: {  	s2 =	simm.s32 $0x0;
	s7 =	smul.u32 $0x13C00, s7;
	s5 =	ssub.s32 $0x2, s5  }
0x6: {  	s8 =	sshll.u32 s6, $0x7;
	[smem:$0x7FF] =	sst s2;
	s6 =	smul.u32 $0x2710, s6  }
0x7: {  	s31 =	sshrl.u32 s5, $0x1;
	s8 =	sand.u32 $0x380, s8;
	_ =	strace $0x80000047  }
0x8: {  	s5 =	ssub.s32 s5, s31;
	s7 =	sor.u32 s7, s8;
	s6 =	sshrl.u32 s6, $0x3  }
0x9: {  	s5 =	smax.u32 s5, $0x1;
	s8 =	simm.s32 $0x80;
	s7 =	sshrl.u32 s7, $0x3  }
0xa: {  	s3 =	sadd.s32 s3, s6;
	s6 =	simm.s32 $0x2780;
	s4 =	sadd.s32 s7, s4  }
0xb: {  	v0 =	vimm.f32 $0.0e+00;
	v1 =	vimm.f32 $1.000000000e+00;
	s3 =	sadd.s32 $0x9C40, s3;
	s7 =	simm.s32 $0x1;
	s4 =	sadd.s32 $0x1C00, s4  }
.LBB2_1:
0xc: {  	s11 =	simm.s32 $0x40;
	s12 =	simm.s32 $0x0  }
.LBB2_2:
0xd: {  	p0 =	sne.s32 s11, $0x9DC0;
	[tilespmem:s12+$0x0] =	vst v0;
	s12 =	smov.u32 s11;
	s11 =	sadd.s32 $0x40, s11  }
.Ltmp0:
0xe: {  	(pc) =	sbr.rel @p0 .LBB2_2-.Ltmp0, $2  }
0xf: {  	_ =	sdelay $0x2  }
0x10: {  	s12 =	sshra.s32 s12, $0x2  }
0x11: {  	[tilespmem:s12+$0x0] =	vst v0;
	s11 =	simm.s32 $0x0  }
0x12: {  	[tilespmem:s6], [sflag:$0x1] =	stream.linear.gather [hbm4b:s3+s11], $0x2710, $0x38;
	[tilespmem:$0x4F00] =	vst v63  }
0x13: {  	_ =	swait.ge [sflag:s7], $0x2710  }
0x14: {  	[sflag:s7] =	ssyncset.done $0x0  }
0x15: {  	s12 =	simm.s32 $0x0;
	s11 =	simm.s32 $0x40;
	[sflag:s7] =	ssyncadd.s32 $0xFFFFD8F0  }
.LBB2_4:
0x16: {  	p0 =	sne.s32 s11, $0x9C00;
	v2 =	vld [tilespmem:s12+$0x2780];
	_ =	sdelay $0x3  }
.Ltmp1:
0x17: {  	(pc) =	sbr.rel @p0 .LBB2_4-.Ltmp1, $2  }
0x18: {  	_ =	sdelay $0x2  }
0x19: {  	s12 =	sshra.s32 s11, $0x2;
	s11 =	sadd.s32 $0x40, s11;
	[tilespmem:v2+s2+$0x0] =	vst.idx.add.f32.msk $0xffff, v1  }
0x1a: {  	v2 =	vld [tilespmem:s12+$0x2780];
	_ =	sdelay $0x5  }
0x1b: {  	s10 =	sadd.s32 $0x1, s10  }
0x1c: {  	p0 =	sne.s32 s10, s5  }
.Ltmp2:
0x1d: {  	[tilespmem:v2+s2+$0x0] =	vst.idx.add.f32.msk $0xffff, v1;
	(pc) =	sbr.rel @p0 .LBB2_1-.Ltmp2, $4  }
0x1e: {  	[hbm4b:s4+s8] =	stream.strided.scatter [tilespmem:s2], [sflag:$0x1], $0x2780, s9, s8, $0x38;
	[tilespmem:$0x4F00] =	vst v63  }
0x1f: {  	_ =	swait.ge [sflag:s7], $0x2780  }
0x20: {  	[sflag:s7] =	ssyncset.done $0x0  }
0x21: {  	[sflag:s7] =	ssyncadd.s32 $0xFFFFD880  }
0x22: {  	_ =	sfence.sel $0x180000  }
0x23: {  	[bflag:$0x0] =	sbarrier.arrive $0xFFFF  }
0x24: {  	p0 =	sne.s32 s0, $0x0;
	_ =	strace $0x90000047  }
0x25: {  	s0 =	sadd.s32 @!p0 $0x100000, s1;
	[bflag:$0x2] =	sbarrier.arrive $0xFFFF  }
0x26: {  	[sflag:s0] =	ssyncadd.tile.s32 @!p0 $0x1;
	_ =	shalt  }
.Lfunc_end2:
_tile_overlayer_lowered:
.L_overlay_start_2:
0x27: {  	(tag) =	ssettag $0x2  }
0x28: {  	s0 =	rddreg [dreg:$0x0];
	s2 =	stileid.u32  }
0x29: {  	s1 =	rddreg [dreg:$0x1];
	p0 =	sne.s32 s2, $0x0  }
0x2a: {  	s3 =	rddreg [dreg:$0x2];
	[bflag:$0x3] =	sbarrier.arrive $0xFFFF;
	s2 =	simm.s32 @!p0 $0x1C01  }
0x2b: {  	[timem:s3], [sflag:s2] =	dma.local @!p0 [hbm:s0], s1  }
0x2c: {  	s0 =	simm.s32 @!p0 $0x1  }
0x2d: {  	_ =	swait.ge @!p0 [sflag:s0], s1  }
0x2e: {  	s1 =	ssub.s32 @!p0 $0x0, s1;
	[sflag:s0] =	ssyncset.done @!p0 $0x0  }
0x2f: {  	[sflag:s0] =	ssyncadd.s32 @!p0 s1  }
0x30: {  	[bflag:$0x3] =	sbarrier.arrive $0xFFFF  }
0x31: {  	_ =	shalt  }

// kernel: kernel.9.cloned.1.call-start
scs
__scs_entry_jumppad:
0x0: {  	(pc) =	sbr.rel $0x88, $3  }
0x1: {  	(tag) =	ssettag $0x0;
	lr =	simm.s32 $0x1  }
0x2: {  	[smem:$0x3F9E] =	sst lr;
	_ =	strace $0xD0000000  }
0x3: {  	_ = 	snop  }
0x4: {  	_ = 	snop  }
0x5: {  	_ = 	snop  }
0x6: {  	_ = 	snop  }
0x7: {  	_ = 	snop  }
__scs_overlays_trampoline_lowered:
0x8: {  	[smem:$0x3FAD] =	sst s0  }
0x9: {  	[smem:$0x3FAE] =	sst s1  }
0xa: {  	[smem:$0x3FAF] =	sst s2  }
0xb: {  	[smem:$0x3FB0] =	sst s3  }
0xc: {  	[smem:$0x3FB1] =	sst s4  }
0xd: {  	[smem:$0x3FB2] =	sst s5  }
0xe: {  	[smem:$0x3FB3] =	sst s6  }
0xf: {  	[smem:$0x3FB4] =	sst s7  }
0x10: {  	[smem:$0x3FB5] =	sst s8  }
0x11: {  	[smem:$0x3FB6] =	sst s9;
	s0 =	simm.s32 @!p0 $0x0  }
0x12: {  	s1 =	sld [smem:$0x3F9C];
	s0 =	simm.s32 @p0 $0x1  }
0x13: {  	[smem:$0x3FB7] =	sst s0;
	s0 =	simm.s32 @!p1 $0x0  }
0x14: {  	s2 =	sld [smem:$0x3F9B];
	s0 =	simm.s32 @p1 $0x1  }
0x15: {  	[smem:$0x3FB8] =	sst s0;
	s0 =	simm.s32 @!p2 $0x0  }
0x16: {  	s3 =	sld [smem:$0x3FDB];
	s0 =	simm.s32 @p2 $0x1  }
0x17: {  	s4 =	simm.s32 $0x1BF5;
	[smem:$0x3FBA] =	sst s0  }
0x18: {  	s0 =	sld [smem:$0x3F9D];
	_ =	swait.ge [sflag:s4], $0x0  }
0x19: {  	s7 =	sld [smem:$0x3F9E]  }
0x1a: {  	s8 =	sadd.s32 $0xFFFFE003, lr  }
0x1b: {  	s9 =	sadd.s32 $0xFFFFFEF7, lr;
	s5 =	simm.s32 $0xFFFFFFFF;
	p2 =	slt.u32 s8, $0xFFFFF086  }
0x1c: {  	p1 =	slt.u32 s9, $0xF7A;
	s5 =	simm.s32 @!p2 $0x0  }
0x1d: {  	s5 =	simm.s32 @p1 $0x1;
	p0 =	seq.s32 s7, s2  }
0x1e: {  	s7 =	smul.u32 @!p0 $0xF7A, s2;
	p2 =	seq.s32 @!p0 s5, $0x0  }
0x1f: {  	s9 =	smul.u32 $0xF7A, s1;
	s8 =	simm.s32 @!p0 $0x1BF5;
	p2 =	por !p2, p0  }
0x20: {  	[sflag:s8] =	ssyncset.s32 @!p0 $0xFFFFF086;
	s6 =	sadd.s32 @!p0 s3, s7;
	s7 =	simm.s32 @!p0 $0x108  }
0x21: {  	s3 =	sadd.s32 s3, s9;
	s6 =	sadd.s32 @!p0 $0x88, s6;
	s7 =	simm.s32 @p2 $0x1082  }
0x22: {  	[simem:s7], [sflag:s8] =	dma.local @!p0 [hbm:s6], $0xF7A  }
0x23: {  	s9 =	sor.u32 $0xD0000000, s2;
	s6 =	simm.s32 $0x108;
	_ =	swait.ge @!p0 [sflag:s8], $0x0  }
0x24: {  	s3 =	sadd.s32 $0x88, s3;
	s6 =	simm.s32 @!p1 $0x1082;
	[sflag:s4] =	ssyncset.s32 $0xFFFFF086  }
0x25: {  	[simem:s6], [sflag:s4] =	dma.local [hbm:s3], $0xF7A  }
0x26: {  	[smem:$0x3F9E] =	sst s1;
	(tag) =	ssettag s2;
	_ =	strace s9  }
0x27: {  	s1 =	sld [smem:$0x3FAE]  }
0x28: {  	s2 =	sld [smem:$0x3FAF]  }
0x29: {  	s4 =	sld [smem:$0x3FB1]  }
0x2a: {  	p0 =	seq.s32 s5, $0x0;
	s5 =	sld [smem:$0x3FB2]  }
0x2b: {  	s6 =	sld [smem:$0x3FB3]  }
0x2c: {  	s7 =	sld [smem:$0x3FB4]  }
0x2d: {  	s3 =	simm.s32 $0x108;
	s8 =	sld [smem:$0x3FB5]  }
0x2e: {  	s3 =	simm.s32 @!p0 $0x1082;
	s9 =	sld [smem:$0x3FB6]  }
0x2f: {  	lr =	sadd.s32 s0, s3;
	s0 =	sld [smem:$0x3FAD]  }
0x30: {  	s3 =	sld [smem:$0x3FB0]  }
0x31: {  	[smem:$0x3FB9] =	sst s10  }
0x32: {  	s10 =	sld [smem:$0x3FB7];
	_ =	sdelay $0x3  }
0x33: {  	p0 =	seq.s32 s10, $0x1;
	s10 =	sld [smem:$0x3FB9];
	_ =	sdelay $0x3  }
0x34: {  	[smem:$0x3FB9] =	sst s10  }
0x35: {  	s10 =	sld [smem:$0x3FB8];
	_ =	sdelay $0x3  }
0x36: {  	p1 =	seq.s32 s10, $0x1;
	s10 =	sld [smem:$0x3FB9];
	_ =	sdelay $0x3  }
0x37: {  	[smem:$0x3FB9] =	sst s10  }
0x38: {  	s10 =	sld [smem:$0x3FBA]  }
0x39: {  	_ = 	snop;
	(pc) =	sbr.ind lr, $3  }
0x3a: {  	_ = 	snop  }
0x3b: {  	_ = 	snop  }
0x3c: {  	p2 =	seq.s32 s10, $0x1;
	s10 =	sld [smem:$0x3FB9]  }
0x3d: {  	_ =	shalt  }
0x3e: {  	_ =	shalt  }
0x3f: {  	_ =	shalt  }
0x40: {  	_ =	shalt  }
0x41: {  	_ =	shalt  }
0x42: {  	_ =	shalt  }
0x43: {  	_ =	shalt  }
0x44: {  	_ =	shalt  }
0x45: {  	_ =	shalt  }
0x46: {  	_ =	shalt  }
0x47: {  	_ =	shalt  }
0x48: {  	_ =	shalt  }
0x49: {  	_ =	shalt  }
0x4a: {  	_ =	shalt  }
0x4b: {  	_ =	shalt  }
0x4c: {  	_ =	shalt  }
0x4d: {  	_ =	shalt  }
0x4e: {  	_ =	shalt  }
0x4f: {  	_ =	shalt  }
0x50: {  	_ =	shalt  }
0x51: {  	_ =	shalt  }
0x52: {  	_ =	shalt  }
0x53: {  	_ =	shalt  }
0x54: {  	_ =	shalt  }
0x55: {  	_ =	shalt  }
0x56: {  	_ =	shalt  }
0x57: {  	_ =	shalt  }
0x58: {  	_ =	shalt  }
0x59: {  	_ =	shalt  }
0x5a: {  	_ =	shalt  }
0x5b: {  	_ =	shalt  }
0x5c: {  	_ =	shalt  }
0x5d: {  	_ =	shalt  }
0x5e: {  	_ =	shalt  }
0x5f: {  	_ =	shalt  }
0x60: {  	_ =	shalt  }
0x61: {  	_ =	shalt  }
0x62: {  	_ =	shalt  }
0x63: {  	_ =	shalt  }
0x64: {  	_ =	shalt  }
0x65: {  	_ =	shalt  }
0x66: {  	_ =	shalt  }
0x67: {  	_ =	shalt  }
0x68: {  	_ =	shalt  }
0x69: {  	_ =	shalt  }
0x6a: {  	_ =	shalt  }
0x6b: {  	_ =	shalt  }
0x6c: {  	_ =	shalt  }
0x6d: {  	_ =	shalt  }
0x6e: {  	_ =	shalt  }
0x6f: {  	_ =	shalt  }
0x70: {  	_ =	shalt  }
0x71: {  	_ =	shalt  }
0x72: {  	_ =	shalt  }
0x73: {  	_ =	shalt  }
0x74: {  	_ =	shalt  }
0x75: {  	_ =	shalt  }
0x76: {  	_ =	shalt  }
0x77: {  	_ =	shalt  }
0x78: {  	_ =	shalt  }
0x79: {  	_ =	shalt  }
0x7a: {  	_ =	shalt  }
0x7b: {  	_ =	shalt  }
0x7c: {  	_ =	shalt  }
0x7d: {  	_ =	shalt  }
0x7e: {  	_ =	shalt  }
0x7f: {  	_ =	shalt  }
0x80: {  	_ =	shalt  }
0x81: {  	_ =	shalt  }
0x82: {  	_ =	shalt  }
0x83: {  	_ =	shalt  }
0x84: {  	_ =	shalt  }
0x85: {  	_ =	shalt  }
0x86: {  	_ =	shalt  }
0x87: {  	_ =	shalt  }
.Lfunc_end0:
.L_simem_size_0:
called_computation.1_lowered:
.L_overlay_start_0:
0x88: {  	s2 =	sld [smem:$0x3FD9]  }
0x89: {  	s3 =	sld [smem:$0x3FFE];
	_ =	sdelay $0x1  }
0x8a: {  	s1 =	srdreg.scid  }
0x8b: {  	s0 =	sand.u32 $0x1, s1  }
0x8c: {  	s17 =	sshll.u32 s0, $0xA;
	s2 =	sadd.s32 s3, s2  }
0x8d: {  	s2 =	sadd.s32 s2, s17  }
0x8e: {  	[smem:$0x3FC5] =	sst s2  }
0x8f: {  	_ = 	snop  }
0x90: {  	s2 =	sld [smem:$0x3FD0];
	(tm) =	ssettm $0x1  }
0x91: {  	s18 =	sld [smem:$0x3FFB];
	_ =	sdelay $0x3  }
0x92: {  	_ =	strace s18  }
0x93: {  	s3 =	sld [smem:$0x3FFC];
	_ =	sdelay $0x3  }
0x94: {  	_ =	strace s3  }
0x95: {  	s3 =	sld [smem:$0x3FFD];
	_ =	sdelay $0x3  }
0x96: {  	_ =	strace s3  }
0x97: {  	_ =	strace $0x8FFFFFFF  }
0x98: {  	s19 =	sld [smem:$0x3FDB];
	_ =	sdelay $0x1  }
0x99: {  	s4 =	simm.s32 $_scs_section_size  }
0x9a: {  	s5 =	simm.s32 $_size__tile_overlayer_lowered;
	s6 =	simm.s32 $_tile_overlayer_lowered  }
0x9b: {  	s22 =	simm.s32 $0x1BFF;
	s21 =	sshll.u32 s6, $0x1;
	s3 =	sadd.s32 s4, s19  }
0x9c: {  	s7 =	simm.s32 $0x0;
	s20 =	sshll.u32 s5, $0x1;
	s5 =	sadd.s32 s21, s3  }
0x9d: {  	[timem:s7], [sflag:s22] =	dma.local [hbm:s5], s20  }
0x9e: {  	_ =	swait.ge [sflag:s22], s20  }
0x9f: {  	s4 =	ssub.s32 $0x0, s20;
	[sflag:s22] =	ssyncset.done $0x0  }
0xa0: {  	[sflag:s22] =	ssyncadd.s32 s4;
	_ =	sdelay $0x1  }
0xa1: {  	s23 =	simm.s32 $0x1B8B  }
0xa2: {  	_ =	swait.ge [sflag:s23], $0x1  }
0xa3: {  	[sflag:s23] =	ssyncset.done $0x0  }
0xa4: {  	s25 =	simm.s32 $0x1B8E;
	s24 =	sld [smem:$0x3FFE];
	[sflag:s23] =	ssyncadd.s32 $0xFFFFFFFF  }
0xa5: {  	s26 =	simm.s32 $execute0_lowered;
	[smem:$0x3FD2] =	sst s25  }
0xa6: {  	s5 =	sshll.u32 s26, $0x1;
	_ =	strace $0x80000049;
	[dreg:$0x1] =	wrdreg $0xFFFFFFFF  }
0xa7: {  	s28 =	simm.s32 $_size_execute0_lowered;
	s3 =	sadd.s32 s3, s5;
	[dreg:$0x0] =	wrdreg $0x0  }
0xa8: {  	s5 =	sshll.u32 s28, $0x1;
	[dreg:$0x2] =	wrdreg s3  }
0xa9: {  	[dreg:$0x3] =	wrdreg s5  }
0xaa: {  	[dreg:$0x4] =	wrdreg $0xC0  }
0xab: {  	_ =	task [dreg:s7], $0x5FFFF  }
0xac: {  	[dreg:$0x1] =	wrdreg $0xFFFFFFFF  }
0xad: {  	[dreg:$0x0] =	wrdreg $0x60  }
0xae: {  	[dreg:$0x2] =	wrdreg s24  }
0xaf: {  	[dreg:$0x3] =	wrdreg s2  }
0xb0: {  	[dreg:$0x4] =	wrdreg $0x0  }
0xb1: {  	[dreg:$0x5] =	wrdreg $0x9  }
0xb2: {  	_ =	task.clear_ibuf [dreg:s7], $0x6FFFF;
	_ =	strace $0x90000049  }
0xb3: {  	s29 =	simm.s32 $0x9;
	_ =	strace $0x8000004B  }
0xb4: {  	_ =	swait.ge [sflag:s29], $0x1  }
0xb5: {  	[sflag:s29] =	ssyncadd.s32 $0xFFFFFFFF  }
0xb6: {  	_ =	strace $0x9000004B  }
0xb7: {  	_ =	sfence  }
0xb8: {  	s30 =	sld [smem:$0x0];
	_ =	sdelay $0x2  }
0xb9: {  	s31 =	sshll.u32 s1, $0xD;
	s1 =	sshrl.u32 s1, $0x2  }
0xba: {  	s3 =	sand.u32 $0x4000, s31;
	s1 =	sadd.s32 s1, s30  }
0xbb: {  	s0 =	sor.u32 s3, s0;
	s1 =	sshll.u32 s1, $0x11  }
0xbc: {  	s0 =	sor.u32 s1, s0  }
0xbd: {  	s0 =	sadd.s32 $0x8F2B, s0  }
0xbe: {  	[sflag:s0] =	ssyncadd.remote.s32 $0x1  }
0xbf: {  	_ =	sfence.sel $0xFFFF  }
0xc0: {  	[dreg:$0x0] =	wrdreg $0xFFFFFFFF;
	(pc) =	sbr.abs _section_cstart, $3  }
0xc1: {  	[dreg:$0x1] =	wrdreg $0xFFFFFFFF  }
0xc2: {  	_ =	task.clear_ibuf [dreg:s7], $0x2FFFF;
	_ =	strace $0x9FFFFFFF  }
0xc3: {  	(tm) =	ssettm $0x7FFFFFFF  }
tec
execute0_lowered:
.L_overlay_start_1:
0x0: {  	(tag) =	ssettag $0x1  }
0x1: {  	s0 =	rddreg [dreg:$0x0]  }
0x2: {  	s11 =	rddreg [dreg:$0x1]  }
0x3: {  	s1 =	srdreg.scid;
	s10 =	stileid.u32  }
0x4: {  	s3 =	rddreg [dreg:$0x2];
	s5 =	simm.s32 $0x0;
	s29 =	simm.s32 $0x1AC00  }
0x5: {  	s31 =	simm.s32 $0x7;
	s1 =	sand.u32 $0x1, s1;
	s2 =	smul.u32 $0x13C00, s10  }
0x6: {  	[smem:$0x7FF] =	sst s5;
	s5 =	sadd.s32 $0x1C00, s0;
	s9 =	smul.u32 $0x4F000, s10  }
0x7: {  	s7 =	sshll.u32 s10, $0x1;
	s24 =	sshll.u32 s10, $0x6;
	s16 =	smul.u32 $0x4E20, s10  }
0x8: {  	s4 =	smul.u32 $0x13C000, s1;
	_ =	strace $0x8000004A;
	s6 =	ssub.s32 $0x2, s1  }
0x9: {  	s7 =	sor.u32 s1, s7;
	s20 =	sor.u32 $0x1C11, s24;
	s1 =	smul.u32 $0x2710, s1  }
0xa: {  	s8 =	sshrl.u32 s6, $0x1;
	s22 =	smul.u32 $0x2710, s7;
	s23 =	sshrl.u32 s9, $0x2  }
0xb: {  	[dreg:$0x6] =	wrdreg s20;
	s4 =	sadd.s32 s2, s4;
	s2 =	sshrl.u32 s2, $0x3  }
0xc: {  	s7 =	sadd.s32 s23, s3;
	s1 =	sadd.s32 s1, s16;
	s4 =	sshrl.u32 s4, $0x3  }
0xd: {  	[dreg:$0x4] =	wrdreg s7;
	s2 =	sadd.s32 s5, s2;
	s25 =	sshrl.u32 s22, $0x3  }
0xe: {  	s26 =	sadd.s32 $0x68, s22;
	s28 =	sadd.s32 $0x4E268, s22;
	s14 =	sadd.s32 $0x138, s22  }
0xf: {  	s15 =	sadd.s32 $0x4E338, s22;
	s18 =	sadd.s32 $0x208, s22;
	s21 =	sadd.s32 $0x478, s1  }
0x10: {  	s23 =	sadd.s32 $0x4E678, s1;
	s10 =	sadd.s32 $0x340, s1;
	s16 =	sadd.s32 $0x4E4D8, s1  }
0x11: {  	s0 =	sadd.s32 s4, s0;
	s4 =	ssub.s32 s6, s8;
	[dreg:$0x5] =	wrdreg s2  }
0x12: {  	s9 =	sadd.s32 s11, s25;
	s7 =	sshrl.u32 s26, $0x3;
	s12 =	sshrl.u32 s28, $0x3  }
0x13: {  	s17 =	sshrl.u32 s15, $0x3;
	s6 =	sadd.s32 $0x4E408, s22;
	s22 =	sshrl.u32 s21, $0x3  }
0x14: {  	s24 =	sshrl.u32 s23, $0x3;
	s2 =	sadd.s32 s11, s7;
	[dreg:$0x7] =	wrdreg s9  }
0x15: {  	s25 =	sadd.s32 $0x410, s1;
	s13 =	sadd.s32 s11, s12;
	[dreg:$0x8] =	wrdreg s2  }
0x16: {  	s26 =	sadd.s32 $0x4E610, s1;
	s0 =	sadd.s32 $0x29400, s0;
	[dreg:$0x9] =	wrdreg s13  }
0x17: {  	s28 =	sadd.s32 $0x3A8, s1;
	s4 =	smax.u32 s4, $0x1;
	[dreg:$0xe] =	wrdreg s0  }
0x18: {  	s8 =	sadd.s32 $0x4E5A8, s1;
	s21 =	sadd.s32 $0x4E0, s9;
	[dreg:$0xf] =	wrdreg s4  }
0x19: {  	s6 =	sshrl.u32 s6, $0x3;
	s23 =	sadd.s32 $0x9C40, s9;
	[dreg:$0x1b] =	wrdreg s21  }
0x1a: {  	s7 =	sshrl.u32 s28, $0x3;
	s28 =	sadd.s32 $0x9C74, s9;
	[dreg:$0x1d] =	wrdreg s23  }
0x1b: {  	s15 =	sadd.s32 $0x2D8, s1;
	s19 =	sadd.s32 s11, s6;
	[smem:$0x7FD] =	sst s28  }
0x1c: {  	s12 =	sadd.s32 $0x4E540, s1;
	s0 =	sadd.s32 s22, s11;
	[dreg:$0xd] =	wrdreg s19  }
0x1d: {  	s2 =	sshrl.u32 s14, $0x3;
	s22 =	sadd.s32 $0xA120, s9;
	[dreg:$0x10] =	wrdreg s0  }
0x1e: {  	s14 =	sshrl.u32 s12, $0x3;
	s2 =	sadd.s32 s11, s2;
	[dreg:$0x1c] =	wrdreg s22  }
0x1f: {  	s12 =	simm.s32 $0x11;
	s0 =	sadd.s32 s24, s11;
	[dreg:$0xa] =	wrdreg s2  }
0x20: {  	s21 =	simm.s32 $0x0;
	s24 =	sadd.s32 $0x1A, s9;
	[dreg:$0x11] =	wrdreg s0  }
0x21: {  	s2 =	sadd.s32 s11, s17;
	s0 =	sshrl.u32 s25, $0x3;
	[dreg:$0x1e] =	wrdreg s24  }
0x22: {  	s17 =	sadd.s32 $0x4E470, s1;
	s1 =	sadd.s32 $0x270, s1;
	[dreg:$0xb] =	wrdreg s2  }
0x23: {  	s25 =	sadd.s32 $0x9C5A, s9;
	s2 =	sshrl.u32 s18, $0x3;
	[dreg:$0x1a] =	wrdreg s1  }
0x24: {  	s0 =	sadd.s32 s0, s11;
	s19 =	sshrl.u32 s17, $0x3;
	[dreg:$0x1f] =	wrdreg s25  }
0x25: {  	s17 =	simm.s32 $0x14400;
	s1 =	simm.s32 $0x2;
	s2 =	sadd.s32 s11, s2  }
0x26: {  	[dreg:$0x12] =	wrdreg s0;
	s0 =	sadd.s32 s7, s11;
	s30 =	sadd.s32 s19, s11  }
0x27: {  	s7 =	simm.s32 $0x9;
	s19 =	simm.s32 $0xF;
	[dreg:$0xc] =	wrdreg s2  }
0x28: {  	s2 =	sshrl.u32 s26, $0x3;
	[dreg:$0x14] =	wrdreg s0;
	s0 =	sshrl.u32 s8, $0x3  }
0x29: {  	s26 =	sadd.s32 $0x34, s9;
	s8 =	simm.s32 $0x6;
	s9 =	simm.s32 $0x8  }
0x2a: {  	s6 =	sadd.s32 s2, s11;
	s2 =	sshrl.u32 s10, $0x3;
	[smem:$0x7FC] =	sst s26  }
0x2b: {  	s0 =	sadd.s32 s0, s11;
	s10 =	simm.s32 $0x14280;
	[dreg:$0x13] =	wrdreg s6  }
0x2c: {  	[dreg:$0x15] =	wrdreg s0;
	s13 =	sadd.s32 s2, s11;
	s0 =	sadd.s32 s14, s11  }
0x2d: {  	s2 =	sshrl.u32 s16, $0x3;
	s14 =	simm.s32 $0x13E80;
	s16 =	simm.s32 $0x68  }
.Ltmp0:
0x2e: {  	s6 =	simm.s32 $0x3;
	[dreg:$0x16] =	wrdreg s13;
	(pc) =	sbr.rel .LBB2_1-.Ltmp0, $4  }
0x2f: {  	[dreg:$0x17] =	wrdreg s0;
	s0 =	sshrl.u32 s15, $0x3;
	s18 =	sadd.s32 s2, s11  }
0x30: {  	s15 =	simm.s32 $0x1;
	s2 =	simm.s32 $0xA;
	s13 =	simm.s32 $0xC  }
0x31: {  	s0 =	sadd.s32 s0, s11;
	[dreg:$0x19] =	wrdreg s18;
	s11 =	simm.s32 $0x17800  }
0x32: {  	s18 =	simm.s32 $0xD;
	[dreg:$0x18] =	wrdreg s0;
	s0 =	simm.s32 $0xB  }
.LBB2_4:
0x33: {  	[bflag:$0x0] =	sbarrier.arrive $0xFFFF  }
0x34: {  	s21 =	sld [smem:$0x7FB]  }
0x35: {  	s20 =	rddreg [dreg:$0x6]  }
0x36: {  	s4 =	rddreg [dreg:$0xe]  }
0x37: {  	[hbm:s4], [sflag:s20] =	dma.local [spmem:s21], $0x2780  }
0x38: {  	_ =	swait.ge [sflag:s12], $0x2780  }
0x39: {  	s26 =	sld [smem:$0x7FA];
	_ =	sdelay $0x2  }
0x3a: {  	s28 =	rddreg [dreg:$0xf];
	s21 =	sadd.s32 $0x1, s26  }
0x3b: {  	p0 =	sne.s32 s21, s28  }
.Ltmp1:
0x3c: {  	_ = 	snop;
	(pc) =	sbr.rel @!p0 .LBB2_5-.Ltmp1, $3  }
0x3d: {  	_ =	sdelay $0x1  }
0x3e: {  	[sflag:s12] =	ssyncset.done $0x0  }
0x3f: {  	[sflag:s12] =	ssyncadd.s32 $0xFFFFD880  }
.LBB2_1:
0x40: {  	[smem:$0x7FA] =	sst s21  }
0x41: {  	s4 =	rddreg [dreg:$0x4]  }
0x42: {  	s25 =	rddreg [dreg:$0x5];
	s24 =	sshrl.u32 s4, $0x3  }
0x43: {  	[smem:$0x7FB] =	sst s24  }
0x44: {  	[spmem:s24], [sflag:s20] =	dma.local [hbm:s25], $0x2780  }
0x45: {  	_ =	swait.ge [sflag:s12], $0x2780  }
0x46: {  	s28 =	simm.s32 $0x1E000;
	[sflag:s12] =	ssyncset.done $0x0  }
0x47: {  	s4 =	simm.s32 $0x0;
	s26 =	rddreg [dreg:$0x1b];
	[sflag:s12] =	ssyncadd.s32 $0xFFFFD880  }
0x48: {  	[tilespmem:s28], [sflag:$0x11] =	stream.linear.gather [hbm4b:s26+s4], $0x10, $0x38;
	[tilespmem:$0x1E900] =	vst v63  }
0x49: {  	_ =	swait.ge [sflag:s12], $0x10  }
0x4a: {  	[sflag:s12] =	ssyncset.done $0x0  }
0x4b: {  	s22 =	simm.s32 $0x1E080;
	s25 =	rddreg [dreg:$0x1c];
	[sflag:s12] =	ssyncadd.s32 $0xFFFFFFF0  }
0x4c: {  	[tilespmem:s22], [sflag:$0x11] =	stream.linear.gather [hbm4b:s25+s4], $0x10, $0x38;
	[tilespmem:$0x1E900] =	vst v63  }
0x4d: {  	_ =	swait.ge [sflag:s12], $0x10  }
0x4e: {  	[sflag:s12] =	ssyncset.done $0x0  }
0x4f: {  	s23 =	simm.s32 $0x10;
	s24 =	simm.s32 $0x1E100;
	[sflag:s12] =	ssyncadd.s32 $0xFFFFFFF0  }
0x50: {  	[tilespmem:s24], [sflag:$0x10] =	stream.indirect.gather [hbm4b:s5+s23], $0x80, s28, s23, $0xb8;
	[tilespmem:$0x1E900] =	vst v63  }
0x51: {  	_ =	swait.ge [sflag:s23], $0x800  }
0x52: {  	[sflag:s23] =	ssyncset.done $0x0  }
0x53: {  	s21 =	simm.s32 $0x13C00;
	s26 =	rddreg [dreg:$0x7];
	[sflag:s23] =	ssyncadd.s32 $0xFFFFF800  }
0x54: {  	[tilespmem:s21], [sflag:$0x4] =	stream.linear.gather [hbm4b:s26+s4], $0x68, $0x38;
	[tilespmem:$0x1E900] =	vst v63  }
0x55: {  	s25 =	simm.s32 $0x14000;
	s28 =	rddreg [dreg:$0x1d]  }
0x56: {  	[tilespmem:s25], [sflag:$0xA] =	stream.linear.gather [hbm4b:s28+s4], $0x68, $0x38;
	[tilespmem:$0x1E900] =	vst v63  }
0x57: {  	s26 =	rddreg [dreg:$0x8];
	s25 =	simm.s32 $0x13C80  }
0x58: {  	[tilespmem:s25], [sflag:$0x5] =	stream.linear.gather [hbm4b:s26+s4], $0x68, $0x38;
	[tilespmem:$0x1E900] =	vst v63  }
0x59: {  	s28 =	rddreg [dreg:$0x9];
	s26 =	simm.s32 $0x14080  }
0x5a: {  	[tilespmem:s26], [sflag:$0xB] =	stream.linear.gather [hbm4b:s28+s4], $0x68, $0x38;
	[tilespmem:$0x1E900] =	vst v63  }
0x5b: {  	s28 =	rddreg [dreg:$0x1e];
	s26 =	simm.s32 $0x13D00  }
0x5c: {  	[tilespmem:s26], [sflag:$0x6] =	stream.linear.gather [hbm4b:s28+s4], $0x68, $0x38;
	[tilespmem:$0x1E900] =	vst v63  }
0x5d: {  	s20 =	rddreg [dreg:$0x1f];
	s28 =	simm.s32 $0x14100  }
0x5e: {  	[tilespmem:s28], [sflag:$0xC] =	stream.linear.gather [hbm4b:s20+s4], $0x68, $0x38;
	[tilespmem:$0x1E900] =	vst v63  }
0x5f: {  	s20 =	rddreg [dreg:$0xa];
	s28 =	simm.s32 $0x13D80  }
0x60: {  	[tilespmem:s28], [sflag:$0x7] =	stream.linear.gather [hbm4b:s20+s4], $0x68, $0x38;
	[tilespmem:$0x1E900] =	vst v63  }
0x61: {  	s20 =	rddreg [dreg:$0xb];
	s28 =	simm.s32 $0x14180  }
0x62: {  	[tilespmem:s28], [sflag:$0xD] =	stream.linear.gather [hbm4b:s20+s4], $0x68, $0x38;
	[tilespmem:$0x1E900] =	vst v63  }
0x63: {  	s20 =	sld [smem:$0x7FC];
	_ =	sdelay $0x1  }
0x64: {  	s28 =	simm.s32 $0x13E00  }
0x65: {  	[tilespmem:s28], [sflag:$0x8] =	stream.linear.gather [hbm4b:s20+s4], $0x68, $0x38;
	[tilespmem:$0x1E900] =	vst v63  }
0x66: {  	s20 =	sld [smem:$0x7FD];
	_ =	sdelay $0x1  }
0x67: {  	s28 =	simm.s32 $0x14200  }
0x68: {  	[tilespmem:s28], [sflag:$0xE] =	stream.linear.gather [hbm4b:s20+s4], $0x68, $0x38;
	[tilespmem:$0x1E900] =	vst v63  }
0x69: {  	s28 =	rddreg [dreg:$0xc]  }
0x6a: {  	[tilespmem:s14], [sflag:$0x9] =	stream.linear.gather [hbm4b:s28+s4], $0x68, $0x38;
	[tilespmem:$0x1E900] =	vst v63  }
0x6b: {  	s20 =	simm.s32 $0x4;
	s28 =	rddreg [dreg:$0xd]  }
0x6c: {  	[tilespmem:s10], [sflag:$0xF] =	stream.linear.gather [hbm4b:s28+s4], $0x68, $0x38;
	[tilespmem:$0x1E900] =	vst v63  }
0x6d: {  	_ =	swait.ge [sflag:s20], $0x68  }
0x6e: {  	[sflag:s20] =	ssyncset.done $0x0  }
0x6f: {  	s28 =	simm.s32 $0x5;
	[sflag:s20] =	ssyncadd.s32 $0xFFFFFF98  }
0x70: {  	[tilespmem:s17], [sflag:$0x1] =	stream.indirect.gather [hbm4b:s5+s16], $0x80, s21, s16, $0xb8;
	[tilespmem:$0x1E900] =	vst v63  }
0x71: {  	_ =	swait.ge [sflag:s28], $0x68  }
0x72: {  	[sflag:s28] =	ssyncset.done $0x0  }
0x73: {  	[sflag:s28] =	ssyncadd.s32 $0xFFFFFF98  }
0x74: {  	[tilespmem:s11], [sflag:$0x2] =	stream.indirect.gather [hbm4b:s5+s16], $0x80, s25, s16, $0xb8;
	[tilespmem:$0x1E900] =	vst v63  }
0x75: {  	_ =	swait.ge [sflag:s8], $0x68  }
0x76: {  	[sflag:s8] =	ssyncset.done $0x0  }
0x77: {  	[sflag:s8] =	ssyncadd.s32 $0xFFFFFF98  }
0x78: {  	[tilespmem:s29], [sflag:$0x3] =	stream.indirect.gather [hbm4b:s5+s16], $0x80, s26, s16, $0xb8;
	[tilespmem:$0x1E900] =	vst v63  }
0x79: {  	[bflag:$0x0] =	sbarrier.arrive $0xFFFF  }
0x7a: {  	[spmem:s3] =	stream.indirect.scatter.add.f32 [tilespmem:s24], [sflag:$0x11], $0x80, s22, s23, $0xb8;
	[tilespmem:$0x1E900] =	vst v63  }
0x7b: {  	_ =	swait.ge [sflag:s12], $0x800  }
0x7c: {  	[sflag:s12] =	ssyncset.done $0x0  }
0x7d: {  	s20 =	simm.s32 $0x0;
	s4 =	rddreg [dreg:$0x1a];
	[sflag:s12] =	ssyncadd.s32 $0xFFFFF800  }
.LBB2_2:
0x7e: {  	_ =	swait.ge [sflag:s15], $0x3400  }
0x7f: {  	[sflag:s15] =	ssyncset.done $0x0  }
0x80: {  	[sflag:s15] =	ssyncadd.s32 $0xFFFFCC00  }
0x81: {  	_ =	swait.ge [sflag:s2], $0x68  }
0x82: {  	[sflag:s2] =	ssyncset.done $0x0  }
0x83: {  	s21 =	simm.s32 $0x14000;
	[sflag:s2] =	ssyncadd.s32 $0xFFFFFF98  }
0x84: {  	[spmem:s3] =	stream.indirect.scatter.add.f32 [tilespmem:s17], [sflag:$0x11], $0x80, s21, s16, $0xb8;
	[tilespmem:$0x1E900] =	vst v63  }
0x85: {  	_ =	swait.ge [sflag:s12], $0x3400  }
0x86: {  	[sflag:s12] =	ssyncset.done $0x0  }
0x87: {  	p0 =	seq.s32 s20, $0x492;
	[sflag:s12] =	ssyncadd.s32 $0xFFFFCC00  }
0x88: {  	s21 =	sshrl.u32 @!p0 s4, $0x3;
	s22 =	rddreg [dreg:$0x1]  }
0x89: {  	s23 =	simm.s32 @!p0 $0x13C00;
	s22 =	sadd.s32 @!p0 s22, s21;
	s21 =	simm.s32 @!p0 $0x0  }
0x8a: {  	[tilespmem:s23], [sflag:$0x4] =	stream.linear.gather @!p0 [hbm4b:s22+s21], $0x68, $0x38;
	[tilespmem:$0x1E900] =	vst v63  }
0x8b: {  	s24 =	simm.s32 @!p0 $0x14000;
	s22 =	sadd.s32 @!p0 s20, s30  }
0x8c: {  	[tilespmem:s24], [sflag:$0xA] =	stream.linear.gather @!p0 [hbm4b:s22+s21], $0x68, $0x38;
	[tilespmem:$0x1E900] =	vst v63  }
0x8d: {  	_ =	swait.ge [sflag:s31], $0x68  }
0x8e: {  	[sflag:s31] =	ssyncset.done $0x0  }
0x8f: {  	s28 =	simm.s32 $0x13D80;
	[sflag:s31] =	ssyncadd.s32 $0xFFFFFF98  }
0x90: {  	[tilespmem:s17], [sflag:$0x1] =	stream.indirect.gather [hbm4b:s5+s16], $0x80, s28, s16, $0xb8;
	[tilespmem:$0x1E900] =	vst v63  }
0x91: {  	_ =	swait.ge [sflag:s1], $0x3400  }
0x92: {  	[sflag:s1] =	ssyncset.done $0x0  }
0x93: {  	[sflag:s1] =	ssyncadd.s32 $0xFFFFCC00  }
0x94: {  	_ =	swait.ge [sflag:s0], $0x68  }
0x95: {  	[sflag:s0] =	ssyncset.done $0x0  }
0x96: {  	s24 =	simm.s32 $0x14080;
	[sflag:s0] =	ssyncadd.s32 $0xFFFFFF98  }
0x97: {  	[spmem:s3] =	stream.indirect.scatter.add.f32 [tilespmem:s11], [sflag:$0x11], $0x80, s24, s16, $0xb8;
	[tilespmem:$0x1E900] =	vst v63  }
0x98: {  	_ =	swait.ge [sflag:s12], $0x3400  }
0x99: {  	[sflag:s12] =	ssyncset.done $0x0;
	s22 =	rddreg [dreg:$0x18]  }
0x9a: {  	[sflag:s12] =	ssyncadd.s32 $0xFFFFCC00;
	s24 =	sadd.s32 @!p0 s20, s22;
	s22 =	simm.s32 @!p0 $0x13C80  }
0x9b: {  	[tilespmem:s22], [sflag:$0x5] =	stream.linear.gather @!p0 [hbm4b:s24+s21], $0x68, $0x38;
	[tilespmem:$0x1E900] =	vst v63  }
0x9c: {  	s24 =	rddreg [dreg:$0x19]  }
0x9d: {  	s25 =	simm.s32 @!p0 $0x14080;
	s24 =	sadd.s32 @!p0 s20, s24  }
0x9e: {  	[tilespmem:s25], [sflag:$0xB] =	stream.linear.gather @!p0 [hbm4b:s24+s21], $0x68, $0x38;
	[tilespmem:$0x1E900] =	vst v63  }
0x9f: {  	_ =	swait.ge [sflag:s9], $0x68  }
0xa0: {  	[sflag:s9] =	ssyncset.done $0x0  }
0xa1: {  	s25 =	simm.s32 $0x13E00;
	[sflag:s9] =	ssyncadd.s32 $0xFFFFFF98  }
0xa2: {  	[tilespmem:s11], [sflag:$0x2] =	stream.indirect.gather [hbm4b:s5+s16], $0x80, s25, s16, $0xb8;
	[tilespmem:$0x1E900] =	vst v63  }
0xa3: {  	_ =	swait.ge [sflag:s6], $0x3400  }
0xa4: {  	[sflag:s6] =	ssyncset.done $0x0  }
0xa5: {  	[sflag:s6] =	ssyncadd.s32 $0xFFFFCC00  }
0xa6: {  	_ =	swait.ge [sflag:s13], $0x68  }
0xa7: {  	[sflag:s13] =	ssyncset.done $0x0  }
0xa8: {  	s26 =	simm.s32 $0x14100;
	[sflag:s13] =	ssyncadd.s32 $0xFFFFFF98  }
0xa9: {  	[spmem:s3] =	stream.indirect.scatter.add.f32 [tilespmem:s29], [sflag:$0x11], $0x80, s26, s16, $0xb8;
	[tilespmem:$0x1E900] =	vst v63  }
0xaa: {  	_ =	swait.ge [sflag:s12], $0x3400  }
0xab: {  	[sflag:s12] =	ssyncset.done $0x0;
	s24 =	rddreg [dreg:$0x16]  }
0xac: {  	s25 =	simm.s32 @!p0 $0x13D00;
	[sflag:s12] =	ssyncadd.s32 $0xFFFFCC00;
	s24 =	sadd.s32 @!p0 s20, s24  }
0xad: {  	[tilespmem:s25], [sflag:$0x6] =	stream.linear.gather @!p0 [hbm4b:s24+s21], $0x68, $0x38;
	[tilespmem:$0x1E900] =	vst v63  }
0xae: {  	s24 =	rddreg [dreg:$0x17]  }
0xaf: {  	s25 =	simm.s32 @!p0 $0x14100;
	s24 =	sadd.s32 @!p0 s20, s24  }
0xb0: {  	[tilespmem:s25], [sflag:$0xC] =	stream.linear.gather @!p0 [hbm4b:s24+s21], $0x68, $0x38;
	[tilespmem:$0x1E900] =	vst v63  }
0xb1: {  	_ =	swait.ge [sflag:s7], $0x68  }
0xb2: {  	[sflag:s7] =	ssyncset.done $0x0  }
0xb3: {  	[sflag:s7] =	ssyncadd.s32 $0xFFFFFF98  }
0xb4: {  	[tilespmem:s29], [sflag:$0x3] =	stream.indirect.gather [hbm4b:s5+s16], $0x80, s14, s16, $0xb8;
	[tilespmem:$0x1E900] =	vst v63  }
0xb5: {  	_ =	swait.ge [sflag:s15], $0x3400  }
0xb6: {  	[sflag:s15] =	ssyncset.done $0x0  }
0xb7: {  	[sflag:s15] =	ssyncadd.s32 $0xFFFFCC00  }
0xb8: {  	_ =	swait.ge [sflag:s18], $0x68  }
0xb9: {  	[sflag:s18] =	ssyncset.done $0x0  }
0xba: {  	s28 =	simm.s32 $0x14180;
	[sflag:s18] =	ssyncadd.s32 $0xFFFFFF98  }
0xbb: {  	[spmem:s3] =	stream.indirect.scatter.add.f32 [tilespmem:s17], [sflag:$0x11], $0x80, s28, s16, $0xb8;
	[tilespmem:$0x1E900] =	vst v63  }
0xbc: {  	_ =	swait.ge [sflag:s12], $0x3400  }
0xbd: {  	[sflag:s12] =	ssyncset.done $0x0  }
0xbe: {  	s24 =	simm.s32 @p0 $0x2;
	[sflag:s12] =	ssyncadd.s32 $0xFFFFCC00  }
0xbf: {  	_ =	swait.ge @p0 [sflag:s24], $0x3400  }
0xc0: {  	[sflag:s24] =	ssyncset.done @p0 $0x0  }
0xc1: {  	[sflag:s24] =	ssyncadd.s32 @p0 $0xFFFFCC00;
	s24 =	simm.s32 @p0 $0xE  }
0xc2: {  	_ =	swait.ge @p0 [sflag:s24], $0x68  }
0xc3: {  	s26 =	simm.s32 @p0 $0x17800;
	[sflag:s24] =	ssyncset.done @p0 $0x0  }
0xc4: {  	s25 =	simm.s32 @p0 $0x14200;
	[sflag:s24] =	ssyncadd.s32 @p0 $0xFFFFFF98;
	s24 =	simm.s32 @p0 $0x68  }
0xc5: {  	[spmem:s3] =	stream.indirect.scatter.add.f32 @p0 [tilespmem:s26], [sflag:$0x11], $0x80, s25, s24, $0xb8;
	[tilespmem:$0x1E900] =	vst v63  }
0xc6: {  	s24 =	simm.s32 @p0 $0x11  }
0xc7: {  	_ =	swait.ge @p0 [sflag:s24], $0x3400  }
0xc8: {  	[sflag:s24] =	ssyncset.done @p0 $0x0  }
0xc9: {  	[sflag:s24] =	ssyncadd.s32 @p0 $0xFFFFCC00;
	s24 =	rddreg [dreg:$0x14]  }
0xca: {  	s25 =	simm.s32 @!p0 $0x13D80;
	s24 =	sadd.s32 @!p0 s20, s24  }
0xcb: {  	[tilespmem:s25], [sflag:$0x7] =	stream.linear.gather @!p0 [hbm4b:s24+s21], $0x68, $0x38;
	[tilespmem:$0x1E900] =	vst v63  }
0xcc: {  	s24 =	rddreg [dreg:$0x15]  }
0xcd: {  	s25 =	simm.s32 @!p0 $0x14180;
	s24 =	sadd.s32 @!p0 s20, s24  }
0xce: {  	[tilespmem:s25], [sflag:$0xD] =	stream.linear.gather @!p0 [hbm4b:s24+s21], $0x68, $0x38;
	[tilespmem:$0x1E900] =	vst v63  }
0xcf: {  	s24 =	simm.s32 @!p0 $0x4  }
0xd0: {  	_ =	swait.ge @!p0 [sflag:s24], $0x68  }
0xd1: {  	[sflag:s24] =	ssyncset.done @!p0 $0x0  }
0xd2: {  	s25 =	simm.s32 @!p0 $0x14400;
	[sflag:s24] =	ssyncadd.s32 @!p0 $0xFFFFFF98;
	s24 =	simm.s32 @!p0 $0x68  }
0xd3: {  	[tilespmem:s25], [sflag:$0x1] =	stream.indirect.gather @!p0 [hbm4b:s5+s24], $0x80, s23, s24, $0xb8;
	[tilespmem:$0x1E900] =	vst v63  }
0xd4: {  	s23 =	simm.s32 @!p0 $0x2  }
0xd5: {  	_ =	swait.ge @!p0 [sflag:s23], $0x3400  }
0xd6: {  	[sflag:s23] =	ssyncset.done @!p0 $0x0  }
0xd7: {  	[sflag:s23] =	ssyncadd.s32 @!p0 $0xFFFFCC00;
	s23 =	simm.s32 @!p0 $0xE  }
0xd8: {  	_ =	swait.ge @!p0 [sflag:s23], $0x68  }
0xd9: {  	s26 =	simm.s32 @!p0 $0x11;
	[sflag:s23] =	ssyncset.done @!p0 $0x0  }
0xda: {  	s25 =	simm.s32 @!p0 $0x17800;
	[sflag:s23] =	ssyncadd.s32 @!p0 $0xFFFFFF98;
	s23 =	simm.s32 @!p0 $0x14200  }
0xdb: {  	[spmem:s3] =	stream.indirect.scatter.add.f32 @!p0 [tilespmem:s25], [sflag:$0x11], $0x80, s23, s24, $0xb8;
	[tilespmem:$0x1E900] =	vst v63  }
0xdc: {  	_ =	swait.ge @!p0 [sflag:s26], $0x3400  }
0xdd: {  	[sflag:s26] =	ssyncset.done @!p0 $0x0  }
0xde: {  	[sflag:s26] =	ssyncadd.s32 @!p0 $0xFFFFCC00;
	s26 =	rddreg [dreg:$0x12]  }
0xdf: {  	s28 =	simm.s32 @!p0 $0x13E00;
	s26 =	sadd.s32 @!p0 s20, s26  }
0xe0: {  	[tilespmem:s28], [sflag:$0x8] =	stream.linear.gather @!p0 [hbm4b:s26+s21], $0x68, $0x38;
	[tilespmem:$0x1E900] =	vst v63  }
0xe1: {  	s26 =	rddreg [dreg:$0x13]  }
0xe2: {  	s26 =	sadd.s32 @!p0 s20, s26  }
0xe3: {  	[tilespmem:s23], [sflag:$0xE] =	stream.linear.gather @!p0 [hbm4b:s26+s21], $0x68, $0x38;
	[tilespmem:$0x1E900] =	vst v63  }
0xe4: {  	s21 =	simm.s32 @!p0 $0x5  }
0xe5: {  	_ =	swait.ge @!p0 [sflag:s21], $0x68  }
0xe6: {  	[sflag:s21] =	ssyncset.done @!p0 $0x0  }
0xe7: {  	[sflag:s21] =	ssyncadd.s32 @!p0 $0xFFFFFF98  }
0xe8: {  	[tilespmem:s25], [sflag:$0x2] =	stream.indirect.gather @!p0 [hbm4b:s5+s24], $0x80, s22, s24, $0xb8;
	[tilespmem:$0x1E900] =	vst v63  }
0xe9: {  	_ =	swait.ge [sflag:s6], $0x3400  }
0xea: {  	[sflag:s6] =	ssyncset.done $0x0  }
0xeb: {  	[sflag:s6] =	ssyncadd.s32 $0xFFFFCC00  }
0xec: {  	_ =	swait.ge [sflag:s19], $0x68  }
0xed: {  	[sflag:s19] =	ssyncset.done $0x0  }
.Ltmp2:
0xee: {  	[sflag:s19] =	ssyncadd.s32 $0xFFFFFF98;
	(pc) =	sbr.rel @p0 .LBB2_4-.Ltmp2, $4  }
0xef: {  	[spmem:s3] =	stream.indirect.scatter.add.f32 [tilespmem:s29], [sflag:$0x11], $0x80, s10, s16, $0xb8;
	[tilespmem:$0x1E900] =	vst v63  }
0xf0: {  	_ =	swait.ge [sflag:s12], $0x3400  }
0xf1: {  	[sflag:s12] =	ssyncset.done $0x0  }
0xf2: {  	[sflag:s12] =	ssyncadd.s32 $0xFFFFCC00  }
0xf3: {  	s21 =	rddreg [dreg:$0x10]  }
0xf4: {  	s22 =	simm.s32 $0x0;
	s26 =	rddreg [dreg:$0x11];
	s21 =	sadd.s32 s20, s21  }
0xf5: {  	[tilespmem:s14], [sflag:$0x9] =	stream.linear.gather [hbm4b:s21+s22], $0x68, $0x38;
	[tilespmem:$0x1E900] =	vst v63  }
0xf6: {  	s21 =	sadd.s32 s20, s26  }
0xf7: {  	[tilespmem:s10], [sflag:$0xF] =	stream.linear.gather [hbm4b:s21+s22], $0x68, $0x38;
	[tilespmem:$0x1E900] =	vst v63  }
.Ltmp3:
0xf8: {  	_ = 	snop;
	(pc) =	sbr.rel .LBB2_2-.Ltmp3, $4  }
0xf9: {  	_ =	swait.ge [sflag:s8], $0x68  }
0xfa: {  	s28 =	simm.s32 $0x13D00;
	[sflag:s8] =	ssyncset.done $0x0  }
0xfb: {  	s4 =	sadd.s32 $0x270, s4;
	s20 =	sadd.s32 $0x4E, s20;
	[sflag:s8] =	ssyncadd.s32 $0xFFFFFF98  }
0xfc: {  	[tilespmem:s29], [sflag:$0x3] =	stream.indirect.gather [hbm4b:s5+s16], $0x80, s28, s16, $0xb8;
	[tilespmem:$0x1E900] =	vst v63  }
.LBB2_5:
0xfd: {  	_ =	sfence.sel $0x180000  }
0xfe: {  	[bflag:$0x0] =	sbarrier.arrive $0xFFFF  }
0xff: {  	_ =	strace $0x9000004A  }
0x100: {  	s0 =	stileid.u32;
	[bflag:$0x2] =	sbarrier.arrive $0xFFFF  }
0x101: {  	p0 =	sne.s32 s0, $0x0;
	s0 =	rddreg [dreg:$0x3]  }
0x102: {  	s0 =	sadd.s32 @!p0 $0x100000, s0  }
0x103: {  	[sflag:s0] =	ssyncadd.tile.s32 @!p0 $0x1;
	_ =	shalt  }
.Lfunc_end2:
_tile_overlayer_lowered:
.L_overlay_start_2:
0x104: {  	(tag) =	ssettag $0x2  }
0x105: {  	s0 =	rddreg [dreg:$0x0];
	s2 =	stileid.u32  }
0x106: {  	s1 =	rddreg [dreg:$0x1];
	p0 =	sne.s32 s2, $0x0  }
0x107: {  	s3 =	rddreg [dreg:$0x2];
	[bflag:$0x3] =	sbarrier.arrive $0xFFFF;
	s2 =	simm.s32 @!p0 $0x1C11  }
0x108: {  	[timem:s3], [sflag:s2] =	dma.local @!p0 [hbm:s0], s1  }
0x109: {  	s0 =	simm.s32 @!p0 $0x11  }
0x10a: {  	_ =	swait.ge @!p0 [sflag:s0], s1  }
0x10b: {  	s1 =	ssub.s32 @!p0 $0x0, s1;
	[sflag:s0] =	ssyncset.done @!p0 $0x0  }
0x10c: {  	[sflag:s0] =	ssyncadd.s32 @!p0 s1  }
0x10d: {  	[bflag:$0x3] =	sbarrier.arrive $0xFFFF  }
0x10e: {  	_ =	shalt  }

</sc_bundles>
